<compile_context>
chip_gen: v7x
topology: tpu7x:2x2x1
jax: 0.10.2.dev20260603
libtpu: 0.0.44.dev20260713+nightly
codegen_flags: <defaults>
</compile_context>

<pallas_src>
import functools
import math

import jax
import jax.numpy as jnp
from jax import lax
from jax.experimental import pallas as pl
from jax.experimental.pallas import tpu as pltpu
from jax.experimental.pallas import tpu_sc as plsc

EMB = 64
SCALE = math.sqrt(EMB)
NC = 2
NS = 16
NW = NC * NS
LANES = 16
CHUNK = 128
PITCH = 129
NBUF = 4
LA = 2


def _emb_body(n_chunks, nb, tok_hbm, tab_hbm, out_hbm,
              idx_v, a_v, t_v, sem_i, sem_g, sem_w):
    wid = lax.axis_index("s") * NC + lax.axis_index("c")
    c0 = wid * n_chunks

    def fire_idx(j):
        c = c0 + j
        s, b = c // nb, c % nb
        pltpu.async_copy(tok_hbm.at[s, pl.ds(b * CHUNK, CHUNK)],
                         idx_v.at[j % NBUF], sem_i)

    def prep_gather(j):
        slot = j % NBUF
        vocab = tab_hbm.shape[0]

        @plsc.parallel_loop(0, CHUNK, LANES, unroll=4)
        def _(k):
            t = idx_v[slot, pl.ds(k, LANES)]
            idx_v[slot, pl.ds(k, LANES)] = jnp.where(
                t < vocab // 2, t + t, t + t - (vocab - 1))

        pltpu.async_copy(tab_hbm.at[idx_v.at[slot]], a_v.at[slot], sem_g)

    def wait_idx():
        pltpu.make_async_copy(tok_hbm.at[0, pl.ds(0, CHUNK)],
                              idx_v.at[0], sem_i).wait()

    def wait_gather():
        pltpu.make_async_copy(tab_hbm.at[pl.ds(0, CHUNK)],
                              a_v.at[0], sem_g).wait()

    def wait_write():
        for _ in range(EMB // 8):
            pltpu.make_async_copy(t_v.at[0, pl.ds(0, 8), pl.ds(0, CHUNK)],
                                  out_hbm.at[0, 0, 0], sem_w).wait()

    lanes = lax.iota(jnp.int32, LANES)
    rowvecs = [lanes + c * LANES for c in range(EMB // LANES)]

    for j in range(min(NBUF, n_chunks)):
        fire_idx(j)
    for j in range(min(LA, n_chunks)):
        wait_idx()
        prep_gather(j)

    def step(j, _):
        slot = j % NBUF
        c = c0 + j
        s, b = c // nb, c % nb

        @pl.when(j >= LA)
        def _():
            wait_write()

        @pl.when(j + LA < n_chunks)
        def _():
            wait_idx()
            prep_gather(j + LA)

        wait_gather()

        @plsc.parallel_loop(0, CHUNK, unroll=8)
        def _(bi):
            cols = jnp.full((LANES,), bi, dtype=jnp.int32)
            for c4 in range(EMB // LANES):
                v = a_v[slot, bi, pl.ds(c4 * LANES, LANES)] * SCALE
                plsc.store_scatter(t_v.at[slot], [rowvecs[c4], cols], v)

        for g in range(EMB // 8):
            pltpu.async_copy(t_v.at[slot, pl.ds(g * 8, 8), pl.ds(0, CHUNK)],
                             out_hbm.at[s, g, b], sem_w)

        @pl.when(j + NBUF < n_chunks)
        def _():
            fire_idx(j + NBUF)
        return 0

    lax.fori_loop(0, n_chunks, step, 0)
    for _ in range(min(LA, n_chunks)):
        wait_write()


def kernel(tokens, table):
    bsz, s_len = tokens.shape
    nb = bsz // CHUNK
    total_chunks = s_len * nb
    assert total_chunks % NW == 0
    n_chunks = total_chunks // NW

    tok_t = tokens.T.astype(jnp.int32)
    half = table.shape[0] // 2
    t2 = jnp.concatenate([table[:half], table[half:]], axis=1)
    t3 = t2.reshape(table.shape[0], EMB)

    mesh = plsc.VectorSubcoreMesh(
        core_axis_name="c", subcore_axis_name="s", num_cores=NC, num_subcores=NS
    )
    emb = pl.kernel(
        functools.partial(_emb_body, n_chunks, nb),
        out_type=jax.ShapeDtypeStruct((s_len, EMB // 8, nb, 8, CHUNK), jnp.float32),
        mesh=mesh,
        scratch_types=[
            pltpu.VMEM((NBUF, CHUNK), jnp.int32),
            pltpu.VMEM((NBUF, CHUNK, EMB), jnp.float32),
            pltpu.VMEM((NBUF, EMB, PITCH), jnp.float32),
            pltpu.SemaphoreType.DMA,
            pltpu.SemaphoreType.DMA,
            pltpu.SemaphoreType.DMA,
        ],
        compiler_params=pltpu.CompilerParams(
            use_tc_tiling_on_sc=False,
            needs_layout_passes=False,
            disable_bounds_checks=True,
        ),
    )
    out5 = emb(tok_t, t3)
    return out5.transpose(2, 4, 0, 1, 3).reshape(bsz, s_len, EMB)

# --- scband reference (transcript-rebuilt; emitter-appended) ---
"""Pipeline reference for scband-token-embedding-53223234732748 (READ-ONLY COPY).

The authoritative reference and input builder live on the scoring server;
editing this copy changes nothing except your own understanding.
"""

import jax, jax.numpy as jnp
import numpy as np
import math

VOCAB = 1000000
EMB = 64

def setup_inputs(seed: int = 0) -> dict:
    key = jax.random.key(seed)
    k_tok, k_tab = jax.random.split(key)
    tokens = jax.random.randint(k_tok, (4096, 200), 0, VOCAB, dtype=jnp.int64 if jax.config.jax_enable_x64 else jnp.int32)
    table = jax.random.normal(k_tab, (VOCAB, EMB), dtype=jnp.float32)
    return {"tokens": tokens, "table": table}

def reference(tokens, table):
    # TokenEmbedding.forward: embedding lookup scaled by sqrt(emb_size)
    emb = jnp.take(table, tokens, axis=0)
    return emb * math.sqrt(EMB)

if __name__ == "__main__":
    import jax
    _d = setup_inputs()
    print(jax.jit(kernel)(*tuple(_d.values())))

</pallas_src>

<mosaic_0001>
#map = affine_map<(d0, d1) -> (0, 0)>
#map1 = affine_map<(d0, d1) -> (0, 0, 0, 0, 0)>
module attributes {stable_mosaic.version = 14 : i64} {
  func.func @_emb_body(%arg0: i32, %arg1: i32, %arg2: memref<200x4096xi32, #tpu.memory_space<hbm>>, %arg3: memref<1000000x64xf32, #tpu.memory_space<hbm>>, %arg4: memref<200x8x32x8x128xf32, #tpu.memory_space<hbm>>, %arg5: memref<4x128xi32, #tpu.memory_space<vmem>>, %arg6: memref<4x128x64xf32, #tpu.memory_space<vmem>>, %arg7: memref<4x64x129xf32, #tpu.memory_space<vmem>>, %arg8: memref<!tpu.dma_semaphore, #tpu.memory_space<semaphore_mem>>, %arg9: memref<!tpu.dma_semaphore, #tpu.memory_space<semaphore_mem>>, %arg10: memref<!tpu.dma_semaphore, #tpu.memory_space<semaphore_mem>>) attributes {dimension_semantics = [#tpu.dimension_semantics<core_parallel>, #tpu.dimension_semantics<subcore_parallel>], iteration_bounds = array<i64: 2, 16>, scalar_prefetch = 0 : i64, scratch_operands = 6 : i64, tpu.core_type = #tpu.core_type<sc_vector_subcore>, window_params = [{transform_indices = #map}, {transform_indices = #map}, {transform_indices = #map1}]} {
    %mul3A = arith.constant 2 : i32
    %mul3A_0 = arith.muli %arg1, %mul3A : i32
    %add3A = arith.addi %mul3A_0, %arg0 : i32
    %mul3A_1 = arith.constant 200 : i32
    %mul3A_2 = arith.muli %add3A, %mul3A_1 : i32
    %iota3A = tpu.iota {dimensions = array<i32: 0>} : vector<16xi32>
    %add3A_3 = arith.constant 0 : i32
    %add3A_4 = vector.broadcast %add3A_3 : i32 to vector<16xi32>
    %add3A_5 = arith.addi %iota3A, %add3A_4 : vector<16xi32>
    %add3A_6 = arith.constant 16 : i32
    %add3A_7 = vector.broadcast %add3A_6 : i32 to vector<16xi32>
    %add3A_8 = arith.addi %iota3A, %add3A_7 : vector<16xi32>
    %add3A_9 = arith.constant 32 : i32
    %add3A_10 = vector.broadcast %add3A_9 : i32 to vector<16xi32>
    %add3A_11 = arith.addi %iota3A, %add3A_10 : vector<16xi32>
    %add3A_12 = arith.constant 48 : i32
    %add3A_13 = vector.broadcast %add3A_12 : i32 to vector<16xi32>
    %add3A_14 = arith.addi %iota3A, %add3A_13 : vector<16xi32>
    %add3A_15 = arith.constant 0 : i32
    %add3A_16 = arith.addi %mul3A_2, %add3A_15 : i32
    %jit3A = arith.constant 32 : i32
    %div3A = arith.divsi %add3A_16, %jit3A : i32
    %sign3A = arith.constant 0 : i32
    %sign3A_17 = arith.cmpi sgt, %add3A_16, %sign3A : i32
    %sign3A_18 = arith.extui %sign3A_17 : i1 to i32
    %sign3A_19 = arith.constant 0 : i32
    %sign3A_20 = arith.cmpi slt, %add3A_16, %sign3A_19 : i32
    %sign3A_21 = arith.extui %sign3A_20 : i1 to i32
    %sign3A_22 = arith.subi %sign3A_18, %sign3A_21 : i32
    %sign3A_23 = arith.constant 0 : i32
    %sign3A_24 = arith.cmpi sgt, %jit3A, %sign3A_23 : i32
    %sign3A_25 = arith.extui %sign3A_24 : i1 to i32
    %sign3A_26 = arith.constant 0 : i32
    %sign3A_27 = arith.cmpi slt, %jit3A, %sign3A_26 : i32
    %sign3A_28 = arith.extui %sign3A_27 : i1 to i32
    %sign3A_29 = arith.subi %sign3A_25, %sign3A_28 : i32
    %ne3A = arith.cmpi ne, %sign3A_22, %sign3A_29 : i32
    %rem3A = arith.remsi %add3A_16, %jit3A : i32
    %ne3A_30 = arith.constant 0 : i32
    %ne3A_31 = arith.cmpi ne, %rem3A, %ne3A_30 : i32
    %and3A = arith.andi %ne3A, %ne3A_31 : i1
    %sub3A = arith.constant 1 : i32
    %sub3A_32 = arith.subi %div3A, %sub3A : i32
    %select_n3A = arith.select %and3A, %sub3A_32, %div3A : i32
    %jit3A_33 = arith.constant 32 : i32
    %eq3A = arith.constant 0 : i32
    %eq3A_34 = arith.cmpi eq, %jit3A_33, %eq3A : i32
    %jit3A_35 = arith.constant 1 : i32
    %select_n3A_36 = arith.select %eq3A_34, %jit3A_35, %jit3A_33 : i32
    %rem3A_37 = arith.remsi %add3A_16, %select_n3A_36 : i32
    %ne3A_38 = arith.constant 0 : i32
    %ne3A_39 = arith.cmpi ne, %rem3A_37, %ne3A_38 : i32
    %lt3A = arith.constant 0 : i32
    %lt3A_40 = arith.cmpi slt, %rem3A_37, %lt3A : i32
    %lt3A_41 = arith.constant 0 : i32
    %lt3A_42 = arith.cmpi slt, %select_n3A_36, %lt3A_41 : i32
    %ne3A_43 = arith.xori %lt3A_40, %lt3A_42 : i1
    %and3A_44 = arith.andi %ne3A_43, %ne3A_39 : i1
    %add3A_45 = arith.addi %rem3A_37, %select_n3A_36 : i32
    %select_n3A_46 = arith.select %and3A_44, %add3A_45, %rem3A_37 : i32
    %mul3A_47 = arith.constant 128 : i32
    %mul3A_48 = arith.muli %select_n3A_46, %mul3A_47 : i32
    %dma_start3A = arith.constant 0 : i32
    %dma_start3A_49 = arith.constant 0 : i32
    %dma_start3A_50 = tpu.memref_slice %arg5[%dma_start3A, %dma_start3A_49] : memref<4x128xi32, #tpu.memory_space<vmem>> -> memref<1x128xi32, #tpu.memory_space<vmem>>
    %dma_start3A_51 = tpu.memref_squeeze %dma_start3A_50 : memref<1x128xi32, #tpu.memory_space<vmem>> -> memref<128xi32, #tpu.memory_space<vmem>>
    %dma_start3A_52 = tpu.memref_slice %arg2[%select_n3A, %mul3A_48] : memref<200x4096xi32, #tpu.memory_space<hbm>> -> memref<1x128xi32, #tpu.memory_space<hbm>>
    %dma_start3A_53 = tpu.memref_squeeze %dma_start3A_52 : memref<1x128xi32, #tpu.memory_space<hbm>> -> memref<128xi32, #tpu.memory_space<hbm>>
    %dma_start3A_54 = arith.constant 0 : i32
    %dma_start3A_55 = tpu.memref_slice %arg5[%dma_start3A, %dma_start3A_54] : memref<4x128xi32, #tpu.memory_space<vmem>> -> memref<1x128xi32, #tpu.memory_space<vmem>>
    %dma_start3A_56 = tpu.memref_squeeze %dma_start3A_55 : memref<1x128xi32, #tpu.memory_space<vmem>> -> memref<128xi32, #tpu.memory_space<vmem>>
    %dma_start3A_57 = tpu.memref_slice %arg2[%select_n3A, %mul3A_48] : memref<200x4096xi32, #tpu.memory_space<hbm>> -> memref<1x128xi32, #tpu.memory_space<hbm>>
    %dma_start3A_58 = tpu.memref_squeeze %dma_start3A_57 : memref<1x128xi32, #tpu.memory_space<hbm>> -> memref<128xi32, #tpu.memory_space<hbm>>
    tpu.enqueue_dma source(%dma_start3A_58 : memref<128xi32, #tpu.memory_space<hbm>>) target(%dma_start3A_56 : memref<128xi32, #tpu.memory_space<vmem>>) target_semaphore(%arg8 : memref<!tpu.dma_semaphore, #tpu.memory_space<semaphore_mem>>)
    %add3A_59 = arith.constant 1 : i32
    %add3A_60 = arith.addi %mul3A_2, %add3A_59 : i32
    %jit3A_61 = arith.constant 32 : i32
    %div3A_62 = arith.divsi %add3A_60, %jit3A_61 : i32
    %sign3A_63 = arith.constant 0 : i32
    %sign3A_64 = arith.cmpi sgt, %add3A_60, %sign3A_63 : i32
    %sign3A_65 = arith.extui %sign3A_64 : i1 to i32
    %sign3A_66 = arith.constant 0 : i32
    %sign3A_67 = arith.cmpi slt, %add3A_60, %sign3A_66 : i32
    %sign3A_68 = arith.extui %sign3A_67 : i1 to i32
    %sign3A_69 = arith.subi %sign3A_65, %sign3A_68 : i32
    %sign3A_70 = arith.constant 0 : i32
    %sign3A_71 = arith.cmpi sgt, %jit3A_61, %sign3A_70 : i32
    %sign3A_72 = arith.extui %sign3A_71 : i1 to i32
    %sign3A_73 = arith.constant 0 : i32
    %sign3A_74 = arith.cmpi slt, %jit3A_61, %sign3A_73 : i32
    %sign3A_75 = arith.extui %sign3A_74 : i1 to i32
    %sign3A_76 = arith.subi %sign3A_72, %sign3A_75 : i32
    %ne3A_77 = arith.cmpi ne, %sign3A_69, %sign3A_76 : i32
    %rem3A_78 = arith.remsi %add3A_60, %jit3A_61 : i32
    %ne3A_79 = arith.constant 0 : i32
    %ne3A_80 = arith.cmpi ne, %rem3A_78, %ne3A_79 : i32
    %and3A_81 = arith.andi %ne3A_77, %ne3A_80 : i1
    %sub3A_82 = arith.constant 1 : i32
    %sub3A_83 = arith.subi %div3A_62, %sub3A_82 : i32
    %select_n3A_84 = arith.select %and3A_81, %sub3A_83, %div3A_62 : i32
    %jit3A_85 = arith.constant 32 : i32
    %eq3A_86 = arith.constant 0 : i32
    %eq3A_87 = arith.cmpi eq, %jit3A_85, %eq3A_86 : i32
    %jit3A_88 = arith.constant 1 : i32
    %select_n3A_89 = arith.select %eq3A_87, %jit3A_88, %jit3A_85 : i32
    %rem3A_90 = arith.remsi %add3A_60, %select_n3A_89 : i32
    %ne3A_91 = arith.constant 0 : i32
    %ne3A_92 = arith.cmpi ne, %rem3A_90, %ne3A_91 : i32
    %lt3A_93 = arith.constant 0 : i32
    %lt3A_94 = arith.cmpi slt, %rem3A_90, %lt3A_93 : i32
    %lt3A_95 = arith.constant 0 : i32
    %lt3A_96 = arith.cmpi slt, %select_n3A_89, %lt3A_95 : i32
    %ne3A_97 = arith.xori %lt3A_94, %lt3A_96 : i1
    %and3A_98 = arith.andi %ne3A_97, %ne3A_92 : i1
    %add3A_99 = arith.addi %rem3A_90, %select_n3A_89 : i32
    %select_n3A_100 = arith.select %and3A_98, %add3A_99, %rem3A_90 : i32
    %mul3A_101 = arith.constant 128 : i32
    %mul3A_102 = arith.muli %select_n3A_100, %mul3A_101 : i32
    %dma_start3A_103 = arith.constant 1 : i32
    %dma_start3A_104 = arith.constant 0 : i32
    %dma_start3A_105 = tpu.memref_slice %arg5[%dma_start3A_103, %dma_start3A_104] : memref<4x128xi32, #tpu.memory_space<vmem>> -> memref<1x128xi32, #tpu.memory_space<vmem>>
    %dma_start3A_106 = tpu.memref_squeeze %dma_start3A_105 : memref<1x128xi32, #tpu.memory_space<vmem>> -> memref<128xi32, #tpu.memory_space<vmem>>
    %dma_start3A_107 = tpu.memref_slice %arg2[%select_n3A_84, %mul3A_102] : memref<200x4096xi32, #tpu.memory_space<hbm>> -> memref<1x128xi32, #tpu.memory_space<hbm>>
    %dma_start3A_108 = tpu.memref_squeeze %dma_start3A_107 : memref<1x128xi32, #tpu.memory_space<hbm>> -> memref<128xi32, #tpu.memory_space<hbm>>
    %dma_start3A_109 = arith.constant 0 : i32
    %dma_start3A_110 = tpu.memref_slice %arg5[%dma_start3A_103, %dma_start3A_109] : memref<4x128xi32, #tpu.memory_space<vmem>> -> memref<1x128xi32, #tpu.memory_space<vmem>>
    %dma_start3A_111 = tpu.memref_squeeze %dma_start3A_110 : memref<1x128xi32, #tpu.memory_space<vmem>> -> memref<128xi32, #tpu.memory_space<vmem>>
    %dma_start3A_112 = tpu.memref_slice %arg2[%select_n3A_84, %mul3A_102] : memref<200x4096xi32, #tpu.memory_space<hbm>> -> memref<1x128xi32, #tpu.memory_space<hbm>>
    %dma_start3A_113 = tpu.memref_squeeze %dma_start3A_112 : memref<1x128xi32, #tpu.memory_space<hbm>> -> memref<128xi32, #tpu.memory_space<hbm>>
    tpu.enqueue_dma source(%dma_start3A_113 : memref<128xi32, #tpu.memory_space<hbm>>) target(%dma_start3A_111 : memref<128xi32, #tpu.memory_space<vmem>>) target_semaphore(%arg8 : memref<!tpu.dma_semaphore, #tpu.memory_space<semaphore_mem>>)
    %add3A_114 = arith.constant 2 : i32
    %add3A_115 = arith.addi %mul3A_2, %add3A_114 : i32
    %jit3A_116 = arith.constant 32 : i32
    %div3A_117 = arith.divsi %add3A_115, %jit3A_116 : i32
    %sign3A_118 = arith.constant 0 : i32
    %sign3A_119 = arith.cmpi sgt, %add3A_115, %sign3A_118 : i32
    %sign3A_120 = arith.extui %sign3A_119 : i1 to i32
    %sign3A_121 = arith.constant 0 : i32
    %sign3A_122 = arith.cmpi slt, %add3A_115, %sign3A_121 : i32
    %sign3A_123 = arith.extui %sign3A_122 : i1 to i32
    %sign3A_124 = arith.subi %sign3A_120, %sign3A_123 : i32
    %sign3A_125 = arith.constant 0 : i32
    %sign3A_126 = arith.cmpi sgt, %jit3A_116, %sign3A_125 : i32
    %sign3A_127 = arith.extui %sign3A_126 : i1 to i32
    %sign3A_128 = arith.constant 0 : i32
    %sign3A_129 = arith.cmpi slt, %jit3A_116, %sign3A_128 : i32
    %sign3A_130 = arith.extui %sign3A_129 : i1 to i32
    %sign3A_131 = arith.subi %sign3A_127, %sign3A_130 : i32
    %ne3A_132 = arith.cmpi ne, %sign3A_124, %sign3A_131 : i32
    %rem3A_133 = arith.remsi %add3A_115, %jit3A_116 : i32
    %ne3A_134 = arith.constant 0 : i32
    %ne3A_135 = arith.cmpi ne, %rem3A_133, %ne3A_134 : i32
    %and3A_136 = arith.andi %ne3A_132, %ne3A_135 : i1
    %sub3A_137 = arith.constant 1 : i32
    %sub3A_138 = arith.subi %div3A_117, %sub3A_137 : i32
    %select_n3A_139 = arith.select %and3A_136, %sub3A_138, %div3A_117 : i32
    %jit3A_140 = arith.constant 32 : i32
    %eq3A_141 = arith.constant 0 : i32
    %eq3A_142 = arith.cmpi eq, %jit3A_140, %eq3A_141 : i32
    %jit3A_143 = arith.constant 1 : i32
    %select_n3A_144 = arith.select %eq3A_142, %jit3A_143, %jit3A_140 : i32
    %rem3A_145 = arith.remsi %add3A_115, %select_n3A_144 : i32
    %ne3A_146 = arith.constant 0 : i32
    %ne3A_147 = arith.cmpi ne, %rem3A_145, %ne3A_146 : i32
    %lt3A_148 = arith.constant 0 : i32
    %lt3A_149 = arith.cmpi slt, %rem3A_145, %lt3A_148 : i32
    %lt3A_150 = arith.constant 0 : i32
    %lt3A_151 = arith.cmpi slt, %select_n3A_144, %lt3A_150 : i32
    %ne3A_152 = arith.xori %lt3A_149, %lt3A_151 : i1
    %and3A_153 = arith.andi %ne3A_152, %ne3A_147 : i1
    %add3A_154 = arith.addi %rem3A_145, %select_n3A_144 : i32
    %select_n3A_155 = arith.select %and3A_153, %add3A_154, %rem3A_145 : i32
    %mul3A_156 = arith.constant 128 : i32
    %mul3A_157 = arith.muli %select_n3A_155, %mul3A_156 : i32
    %dma_start3A_158 = arith.constant 2 : i32
    %dma_start3A_159 = arith.constant 0 : i32
    %dma_start3A_160 = tpu.memref_slice %arg5[%dma_start3A_158, %dma_start3A_159] : memref<4x128xi32, #tpu.memory_space<vmem>> -> memref<1x128xi32, #tpu.memory_space<vmem>>
    %dma_start3A_161 = tpu.memref_squeeze %dma_start3A_160 : memref<1x128xi32, #tpu.memory_space<vmem>> -> memref<128xi32, #tpu.memory_space<vmem>>
    %dma_start3A_162 = tpu.memref_slice %arg2[%select_n3A_139, %mul3A_157] : memref<200x4096xi32, #tpu.memory_space<hbm>> -> memref<1x128xi32, #tpu.memory_space<hbm>>
    %dma_start3A_163 = tpu.memref_squeeze %dma_start3A_162 : memref<1x128xi32, #tpu.memory_space<hbm>> -> memref<128xi32, #tpu.memory_space<hbm>>
    %dma_start3A_164 = arith.constant 0 : i32
    %dma_start3A_165 = tpu.memref_slice %arg5[%dma_start3A_158, %dma_start3A_164] : memref<4x128xi32, #tpu.memory_space<vmem>> -> memref<1x128xi32, #tpu.memory_space<vmem>>
    %dma_start3A_166 = tpu.memref_squeeze %dma_start3A_165 : memref<1x128xi32, #tpu.memory_space<vmem>> -> memref<128xi32, #tpu.memory_space<vmem>>
    %dma_start3A_167 = tpu.memref_slice %arg2[%select_n3A_139, %mul3A_157] : memref<200x4096xi32, #tpu.memory_space<hbm>> -> memref<1x128xi32, #tpu.memory_space<hbm>>
    %dma_start3A_168 = tpu.memref_squeeze %dma_start3A_167 : memref<1x128xi32, #tpu.memory_space<hbm>> -> memref<128xi32, #tpu.memory_space<hbm>>
    tpu.enqueue_dma source(%dma_start3A_168 : memref<128xi32, #tpu.memory_space<hbm>>) target(%dma_start3A_166 : memref<128xi32, #tpu.memory_space<vmem>>) target_semaphore(%arg8 : memref<!tpu.dma_semaphore, #tpu.memory_space<semaphore_mem>>)
    %add3A_169 = arith.constant 3 : i32
    %add3A_170 = arith.addi %mul3A_2, %add3A_169 : i32
    %jit3A_171 = arith.constant 32 : i32
    %div3A_172 = arith.divsi %add3A_170, %jit3A_171 : i32
    %sign3A_173 = arith.constant 0 : i32
    %sign3A_174 = arith.cmpi sgt, %add3A_170, %sign3A_173 : i32
    %sign3A_175 = arith.extui %sign3A_174 : i1 to i32
    %sign3A_176 = arith.constant 0 : i32
    %sign3A_177 = arith.cmpi slt, %add3A_170, %sign3A_176 : i32
    %sign3A_178 = arith.extui %sign3A_177 : i1 to i32
    %sign3A_179 = arith.subi %sign3A_175, %sign3A_178 : i32
    %sign3A_180 = arith.constant 0 : i32
    %sign3A_181 = arith.cmpi sgt, %jit3A_171, %sign3A_180 : i32
    %sign3A_182 = arith.extui %sign3A_181 : i1 to i32
    %sign3A_183 = arith.constant 0 : i32
    %sign3A_184 = arith.cmpi slt, %jit3A_171, %sign3A_183 : i32
    %sign3A_185 = arith.extui %sign3A_184 : i1 to i32
    %sign3A_186 = arith.subi %sign3A_182, %sign3A_185 : i32
    %ne3A_187 = arith.cmpi ne, %sign3A_179, %sign3A_186 : i32
    %rem3A_188 = arith.remsi %add3A_170, %jit3A_171 : i32
    %ne3A_189 = arith.constant 0 : i32
    %ne3A_190 = arith.cmpi ne, %rem3A_188, %ne3A_189 : i32
    %and3A_191 = arith.andi %ne3A_187, %ne3A_190 : i1
    %sub3A_192 = arith.constant 1 : i32
    %sub3A_193 = arith.subi %div3A_172, %sub3A_192 : i32
    %select_n3A_194 = arith.select %and3A_191, %sub3A_193, %div3A_172 : i32
    %jit3A_195 = arith.constant 32 : i32
    %eq3A_196 = arith.constant 0 : i32
    %eq3A_197 = arith.cmpi eq, %jit3A_195, %eq3A_196 : i32
    %jit3A_198 = arith.constant 1 : i32
    %select_n3A_199 = arith.select %eq3A_197, %jit3A_198, %jit3A_195 : i32
    %rem3A_200 = arith.remsi %add3A_170, %select_n3A_199 : i32
    %ne3A_201 = arith.constant 0 : i32
    %ne3A_202 = arith.cmpi ne, %rem3A_200, %ne3A_201 : i32
    %lt3A_203 = arith.constant 0 : i32
    %lt3A_204 = arith.cmpi slt, %rem3A_200, %lt3A_203 : i32
    %lt3A_205 = arith.constant 0 : i32
    %lt3A_206 = arith.cmpi slt, %select_n3A_199, %lt3A_205 : i32
    %ne3A_207 = arith.xori %lt3A_204, %lt3A_206 : i1
    %and3A_208 = arith.andi %ne3A_207, %ne3A_202 : i1
    %add3A_209 = arith.addi %rem3A_200, %select_n3A_199 : i32
    %select_n3A_210 = arith.select %and3A_208, %add3A_209, %rem3A_200 : i32
    %mul3A_211 = arith.constant 128 : i32
    %mul3A_212 = arith.muli %select_n3A_210, %mul3A_211 : i32
    %dma_start3A_213 = arith.constant 3 : i32
    %dma_start3A_214 = arith.constant 0 : i32
    %dma_start3A_215 = tpu.memref_slice %arg5[%dma_start3A_213, %dma_start3A_214] : memref<4x128xi32, #tpu.memory_space<vmem>> -> memref<1x128xi32, #tpu.memory_space<vmem>>
    %dma_start3A_216 = tpu.memref_squeeze %dma_start3A_215 : memref<1x128xi32, #tpu.memory_space<vmem>> -> memref<128xi32, #tpu.memory_space<vmem>>
    %dma_start3A_217 = tpu.memref_slice %arg2[%select_n3A_194, %mul3A_212] : memref<200x4096xi32, #tpu.memory_space<hbm>> -> memref<1x128xi32, #tpu.memory_space<hbm>>
    %dma_start3A_218 = tpu.memref_squeeze %dma_start3A_217 : memref<1x128xi32, #tpu.memory_space<hbm>> -> memref<128xi32, #tpu.memory_space<hbm>>
    %dma_start3A_219 = arith.constant 0 : i32
    %dma_start3A_220 = tpu.memref_slice %arg5[%dma_start3A_213, %dma_start3A_219] : memref<4x128xi32, #tpu.memory_space<vmem>> -> memref<1x128xi32, #tpu.memory_space<vmem>>
    %dma_start3A_221 = tpu.memref_squeeze %dma_start3A_220 : memref<1x128xi32, #tpu.memory_space<vmem>> -> memref<128xi32, #tpu.memory_space<vmem>>
    %dma_start3A_222 = tpu.memref_slice %arg2[%select_n3A_194, %mul3A_212] : memref<200x4096xi32, #tpu.memory_space<hbm>> -> memref<1x128xi32, #tpu.memory_space<hbm>>
    %dma_start3A_223 = tpu.memref_squeeze %dma_start3A_222 : memref<1x128xi32, #tpu.memory_space<hbm>> -> memref<128xi32, #tpu.memory_space<hbm>>
    tpu.enqueue_dma source(%dma_start3A_223 : memref<128xi32, #tpu.memory_space<hbm>>) target(%dma_start3A_221 : memref<128xi32, #tpu.memory_space<vmem>>) target_semaphore(%arg8 : memref<!tpu.dma_semaphore, #tpu.memory_space<semaphore_mem>>)
    %dma_wait3A = arith.constant 0 : i32
    %dma_wait3A_224 = arith.constant 0 : i32
    %dma_wait3A_225 = arith.constant 0 : i32
    %dma_wait3A_226 = tpu.memref_slice %arg5[%dma_wait3A_224, %dma_wait3A_225] : memref<4x128xi32, #tpu.memory_space<vmem>> -> memref<1x128xi32, #tpu.memory_space<vmem>>
    %dma_wait3A_227 = tpu.memref_squeeze %dma_wait3A_226 : memref<1x128xi32, #tpu.memory_space<vmem>> -> memref<128xi32, #tpu.memory_space<vmem>>
    %dma_wait3A_228 = arith.constant 0 : i32
    %dma_wait3A_229 = tpu.memref_slice %arg2[%dma_wait3A, %dma_wait3A_228] : memref<200x4096xi32, #tpu.memory_space<hbm>> -> memref<1x128xi32, #tpu.memory_space<hbm>>
    %dma_wait3A_230 = tpu.memref_squeeze %dma_wait3A_229 : memref<1x128xi32, #tpu.memory_space<hbm>> -> memref<128xi32, #tpu.memory_space<hbm>>
    %dma_wait3A_231 = arith.constant 0 : i32
    %dma_wait3A_232 = tpu.memref_slice %arg5[%dma_wait3A_224, %dma_wait3A_231] : memref<4x128xi32, #tpu.memory_space<vmem>> -> memref<1x128xi32, #tpu.memory_space<vmem>>
    %dma_wait3A_233 = tpu.memref_squeeze %dma_wait3A_232 : memref<1x128xi32, #tpu.memory_space<vmem>> -> memref<128xi32, #tpu.memory_space<vmem>>
    %dma_wait3A_234 = arith.constant 0 : i32
    %dma_wait3A_235 = tpu.memref_slice %arg2[%dma_wait3A, %dma_wait3A_234] : memref<200x4096xi32, #tpu.memory_space<hbm>> -> memref<1x128xi32, #tpu.memory_space<hbm>>
    %dma_wait3A_236 = tpu.memref_squeeze %dma_wait3A_235 : memref<1x128xi32, #tpu.memory_space<hbm>> -> memref<128xi32, #tpu.memory_space<hbm>>
    tpu.wait_dma2 semaphore(%arg8 : memref<!tpu.dma_semaphore, #tpu.memory_space<semaphore_mem>>) src(%dma_wait3A_236 : memref<128xi32, #tpu.memory_space<hbm>>) dst(%dma_wait3A_233 : memref<128xi32, #tpu.memory_space<vmem>>)
    %parallel_loop3A = arith.constant 0 : i32
    %parallel_loop3A_237 = arith.constant 128 : i32
    %parallel_loop3A_238 = arith.constant 16 : i32
    scf.for %parallel_loop3A_606 = %parallel_loop3A to %parallel_loop3A_237 step %parallel_loop3A_238  : i32 {
      %parallel_loop3A_607 = arith.constant 0 : i32
      %parallel_loop3A_608 = arith.index_cast %parallel_loop3A_607 : i32 to index
      %parallel_loop3A_609 = arith.index_cast %parallel_loop3A_606 : i32 to index
      %parallel_loop3A_610 = tpu.vector_load %arg5[%parallel_loop3A_608, %parallel_loop3A_609] {strides = array<i32>} : memref<4x128xi32, #tpu.memory_space<vmem>>, vector<16xi32>,
      %parallel_loop3A_611 = arith.constant 500000 : i32
      %parallel_loop3A_612 = vector.broadcast %parallel_loop3A_611 : i32 to vector<16xi32>
      %parallel_loop3A_613 = arith.cmpi slt, %parallel_loop3A_610, %parallel_loop3A_612 : vector<16xi32>
      %parallel_loop3A_614 = arith.addi %parallel_loop3A_610, %parallel_loop3A_610 : vector<16xi32>
      %parallel_loop3A_615 = arith.addi %parallel_loop3A_610, %parallel_loop3A_610 : vector<16xi32>
      %parallel_loop3A_616 = arith.constant 999999 : i32
      %parallel_loop3A_617 = vector.broadcast %parallel_loop3A_616 : i32 to vector<16xi32>
      %parallel_loop3A_618 = arith.subi %parallel_loop3A_615, %parallel_loop3A_617 : vector<16xi32>
      %parallel_loop3A_619 = arith.select %parallel_loop3A_613, %parallel_loop3A_614, %parallel_loop3A_618 : vector<16xi1>, vector<16xi32>
      %parallel_loop3A_620 = arith.constant 0 : i32
      %parallel_loop3A_621 = arith.index_cast %parallel_loop3A_620 : i32 to index
      %parallel_loop3A_622 = arith.index_cast %parallel_loop3A_606 : i32 to index
      %parallel_loop3A_623 = tpu.vector_load %arg5[%parallel_loop3A_621, %parallel_loop3A_622] {strides = array<i32>} : memref<4x128xi32, #tpu.memory_space<vmem>>, vector<16xi32>,
      tpu.vector_store %arg5[%parallel_loop3A_621, %parallel_loop3A_622], %parallel_loop3A_619 {strides = array<i32>} : memref<4x128xi32, #tpu.memory_space<vmem>>, vector<16xi32>,
    } {sc.loop_unroll_factor = 4 : i64, sc.parallel_access}
    %dma_start3A_239 = arith.constant 0 : i32
    %dma_start3A_240 = arith.constant 0 : i32
    %dma_start3A_241 = arith.constant 0 : i32
    %dma_start3A_242 = arith.constant 0 : i32
    %dma_start3A_243 = tpu.memref_slice %arg6[%dma_start3A_240, %dma_start3A_241, %dma_start3A_242] : memref<4x128x64xf32, #tpu.memory_space<vmem>> -> memref<1x128x64xf32, #tpu.memory_space<vmem>>
    %dma_start3A_244 = tpu.memref_squeeze %dma_start3A_243 : memref<1x128x64xf32, #tpu.memory_space<vmem>> -> memref<128x64xf32, #tpu.memory_space<vmem>>
    %dma_start3A_245 = arith.constant 0 : i32
    %dma_start3A_246 = tpu.memref_slice %arg5[%dma_start3A_239, %dma_start3A_245] : memref<4x128xi32, #tpu.memory_space<vmem>> -> memref<1x128xi32, #tpu.memory_space<vmem>>
    %dma_start3A_247 = tpu.memref_squeeze %dma_start3A_246 : memref<1x128xi32, #tpu.memory_space<vmem>> -> memref<128xi32, #tpu.memory_space<vmem>>
    %dma_start3A_248 = arith.constant 0 : i32
    %dma_start3A_249 = arith.constant 0 : i32
    %dma_start3A_250 = tpu.memref_slice %arg3[%dma_start3A_248, %dma_start3A_249] : memref<1000000x64xf32, #tpu.memory_space<hbm>> -> memref<1000000x64xf32, #tpu.memory_space<hbm>>
    tpu.enqueue_indirect_dma source(%dma_start3A_250 : memref<1000000x64xf32, #tpu.memory_space<hbm>>) target(%dma_start3A_244 : memref<128x64xf32, #tpu.memory_space<vmem>>) offsets(%dma_start3A_247 : memref<128xi32, #tpu.memory_space<vmem>>) semaphore(%arg9 : memref<!tpu.dma_semaphore, #tpu.memory_space<semaphore_mem>>)
    %dma_wait3A_251 = arith.constant 0 : i32
    %dma_wait3A_252 = arith.constant 0 : i32
    %dma_wait3A_253 = arith.constant 0 : i32
    %dma_wait3A_254 = tpu.memref_slice %arg5[%dma_wait3A_252, %dma_wait3A_253] : memref<4x128xi32, #tpu.memory_space<vmem>> -> memref<1x128xi32, #tpu.memory_space<vmem>>
    %dma_wait3A_255 = tpu.memref_squeeze %dma_wait3A_254 : memref<1x128xi32, #tpu.memory_space<vmem>> -> memref<128xi32, #tpu.memory_space<vmem>>
    %dma_wait3A_256 = arith.constant 0 : i32
    %dma_wait3A_257 = tpu.memref_slice %arg2[%dma_wait3A_251, %dma_wait3A_256] : memref<200x4096xi32, #tpu.memory_space<hbm>> -> memref<1x128xi32, #tpu.memory_space<hbm>>
    %dma_wait3A_258 = tpu.memref_squeeze %dma_wait3A_257 : memref<1x128xi32, #tpu.memory_space<hbm>> -> memref<128xi32, #tpu.memory_space<hbm>>
    %dma_wait3A_259 = arith.constant 0 : i32
    %dma_wait3A_260 = tpu.memref_slice %arg5[%dma_wait3A_252, %dma_wait3A_259] : memref<4x128xi32, #tpu.memory_space<vmem>> -> memref<1x128xi32, #tpu.memory_space<vmem>>
    %dma_wait3A_261 = tpu.memref_squeeze %dma_wait3A_260 : memref<1x128xi32, #tpu.memory_space<vmem>> -> memref<128xi32, #tpu.memory_space<vmem>>
    %dma_wait3A_262 = arith.constant 0 : i32
    %dma_wait3A_263 = tpu.memref_slice %arg2[%dma_wait3A_251, %dma_wait3A_262] : memref<200x4096xi32, #tpu.memory_space<hbm>> -> memref<1x128xi32, #tpu.memory_space<hbm>>
    %dma_wait3A_264 = tpu.memref_squeeze %dma_wait3A_263 : memref<1x128xi32, #tpu.memory_space<hbm>> -> memref<128xi32, #tpu.memory_space<hbm>>
    tpu.wait_dma2 semaphore(%arg8 : memref<!tpu.dma_semaphore, #tpu.memory_space<semaphore_mem>>) src(%dma_wait3A_264 : memref<128xi32, #tpu.memory_space<hbm>>) dst(%dma_wait3A_261 : memref<128xi32, #tpu.memory_space<vmem>>)
    %parallel_loop3A_265 = arith.constant 0 : i32
    %parallel_loop3A_266 = arith.constant 128 : i32
    %parallel_loop3A_267 = arith.constant 16 : i32
    scf.for %parallel_loop3A_606 = %parallel_loop3A_265 to %parallel_loop3A_266 step %parallel_loop3A_267  : i32 {
      %parallel_loop3A_607 = arith.constant 1 : i32
      %parallel_loop3A_608 = arith.index_cast %parallel_loop3A_607 : i32 to index
      %parallel_loop3A_609 = arith.index_cast %parallel_loop3A_606 : i32 to index
      %parallel_loop3A_610 = tpu.vector_load %arg5[%parallel_loop3A_608, %parallel_loop3A_609] {strides = array<i32>} : memref<4x128xi32, #tpu.memory_space<vmem>>, vector<16xi32>,
      %parallel_loop3A_611 = arith.constant 500000 : i32
      %parallel_loop3A_612 = vector.broadcast %parallel_loop3A_611 : i32 to vector<16xi32>
      %parallel_loop3A_613 = arith.cmpi slt, %parallel_loop3A_610, %parallel_loop3A_612 : vector<16xi32>
      %parallel_loop3A_614 = arith.addi %parallel_loop3A_610, %parallel_loop3A_610 : vector<16xi32>
      %parallel_loop3A_615 = arith.addi %parallel_loop3A_610, %parallel_loop3A_610 : vector<16xi32>
      %parallel_loop3A_616 = arith.constant 999999 : i32
      %parallel_loop3A_617 = vector.broadcast %parallel_loop3A_616 : i32 to vector<16xi32>
      %parallel_loop3A_618 = arith.subi %parallel_loop3A_615, %parallel_loop3A_617 : vector<16xi32>
      %parallel_loop3A_619 = arith.select %parallel_loop3A_613, %parallel_loop3A_614, %parallel_loop3A_618 : vector<16xi1>, vector<16xi32>
      %parallel_loop3A_620 = arith.constant 1 : i32
      %parallel_loop3A_621 = arith.index_cast %parallel_loop3A_620 : i32 to index
      %parallel_loop3A_622 = arith.index_cast %parallel_loop3A_606 : i32 to index
      %parallel_loop3A_623 = tpu.vector_load %arg5[%parallel_loop3A_621, %parallel_loop3A_622] {strides = array<i32>} : memref<4x128xi32, #tpu.memory_space<vmem>>, vector<16xi32>,
      tpu.vector_store %arg5[%parallel_loop3A_621, %parallel_loop3A_622], %parallel_loop3A_619 {strides = array<i32>} : memref<4x128xi32, #tpu.memory_space<vmem>>, vector<16xi32>,
    } {sc.loop_unroll_factor = 4 : i64, sc.parallel_access}
    %dma_start3A_268 = arith.constant 1 : i32
    %dma_start3A_269 = arith.constant 1 : i32
    %dma_start3A_270 = arith.constant 0 : i32
    %dma_start3A_271 = arith.constant 0 : i32
    %dma_start3A_272 = tpu.memref_slice %arg6[%dma_start3A_269, %dma_start3A_270, %dma_start3A_271] : memref<4x128x64xf32, #tpu.memory_space<vmem>> -> memref<1x128x64xf32, #tpu.memory_space<vmem>>
    %dma_start3A_273 = tpu.memref_squeeze %dma_start3A_272 : memref<1x128x64xf32, #tpu.memory_space<vmem>> -> memref<128x64xf32, #tpu.memory_space<vmem>>
    %dma_start3A_274 = arith.constant 0 : i32
    %dma_start3A_275 = tpu.memref_slice %arg5[%dma_start3A_268, %dma_start3A_274] : memref<4x128xi32, #tpu.memory_space<vmem>> -> memref<1x128xi32, #tpu.memory_space<vmem>>
    %dma_start3A_276 = tpu.memref_squeeze %dma_start3A_275 : memref<1x128xi32, #tpu.memory_space<vmem>> -> memref<128xi32, #tpu.memory_space<vmem>>
    %dma_start3A_277 = arith.constant 0 : i32
    %dma_start3A_278 = arith.constant 0 : i32
    %dma_start3A_279 = tpu.memref_slice %arg3[%dma_start3A_277, %dma_start3A_278] : memref<1000000x64xf32, #tpu.memory_space<hbm>> -> memref<1000000x64xf32, #tpu.memory_space<hbm>>
    tpu.enqueue_indirect_dma source(%dma_start3A_279 : memref<1000000x64xf32, #tpu.memory_space<hbm>>) target(%dma_start3A_273 : memref<128x64xf32, #tpu.memory_space<vmem>>) offsets(%dma_start3A_276 : memref<128xi32, #tpu.memory_space<vmem>>) semaphore(%arg9 : memref<!tpu.dma_semaphore, #tpu.memory_space<semaphore_mem>>)
    %scan3A = arith.constant 0 : i32
    %scan3A_280 = arith.constant 0 : i32
    %scan3A_281 = arith.constant 200 : i32
    %scan3A_282 = arith.addi %scan3A_280, %scan3A_281 : i32
    %scan3A_283 = arith.constant 1 : i32
    %scan3A_284 = scf.for %scan3A_606 = %scan3A_280 to %scan3A_282 step %scan3A_283 iter_args(%scan3A_607 = %scan3A) -> (i32)  : i32 {
      %jit3A_608 = arith.constant 4 : i32
      %eq3A_609 = arith.constant 0 : i32
      %eq3A_610 = arith.cmpi eq, %jit3A_608, %eq3A_609 : i32
      %jit3A_611 = arith.constant 1 : i32
      %select_n3A_612 = arith.select %eq3A_610, %jit3A_611, %jit3A_608 : i32
      %rem3A_613 = arith.remsi %scan3A_606, %select_n3A_612 : i32
      %ne3A_614 = arith.constant 0 : i32
      %ne3A_615 = arith.cmpi ne, %rem3A_613, %ne3A_614 : i32
      %lt3A_616 = arith.constant 0 : i32
      %lt3A_617 = arith.cmpi slt, %rem3A_613, %lt3A_616 : i32
      %lt3A_618 = arith.constant 0 : i32
      %lt3A_619 = arith.cmpi slt, %select_n3A_612, %lt3A_618 : i32
      %ne3A_620 = arith.xori %lt3A_617, %lt3A_619 : i1
      %and3A_621 = arith.andi %ne3A_620, %ne3A_615 : i1
      %add3A_622 = arith.addi %rem3A_613, %select_n3A_612 : i32
      %select_n3A_623 = arith.select %and3A_621, %add3A_622, %rem3A_613 : i32
      %add3A_624 = arith.addi %mul3A_2, %scan3A_606 : i32
      %jit3A_625 = arith.constant 32 : i32
      %div3A_626 = arith.divsi %add3A_624, %jit3A_625 : i32
      %sign3A_627 = arith.constant 0 : i32
      %sign3A_628 = arith.cmpi sgt, %add3A_624, %sign3A_627 : i32
      %sign3A_629 = arith.extui %sign3A_628 : i1 to i32
      %sign3A_630 = arith.constant 0 : i32
      %sign3A_631 = arith.cmpi slt, %add3A_624, %sign3A_630 : i32
      %sign3A_632 = arith.extui %sign3A_631 : i1 to i32
      %sign3A_633 = arith.subi %sign3A_629, %sign3A_632 : i32
      %sign3A_634 = arith.constant 0 : i32
      %sign3A_635 = arith.cmpi sgt, %jit3A_625, %sign3A_634 : i32
      %sign3A_636 = arith.extui %sign3A_635 : i1 to i32
      %sign3A_637 = arith.constant 0 : i32
      %sign3A_638 = arith.cmpi slt, %jit3A_625, %sign3A_637 : i32
      %sign3A_639 = arith.extui %sign3A_638 : i1 to i32
      %sign3A_640 = arith.subi %sign3A_636, %sign3A_639 : i32
      %ne3A_641 = arith.cmpi ne, %sign3A_633, %sign3A_640 : i32
      %rem3A_642 = arith.remsi %add3A_624, %jit3A_625 : i32
      %ne3A_643 = arith.constant 0 : i32
      %ne3A_644 = arith.cmpi ne, %rem3A_642, %ne3A_643 : i32
      %and3A_645 = arith.andi %ne3A_641, %ne3A_644 : i1
      %sub3A_646 = arith.constant 1 : i32
      %sub3A_647 = arith.subi %div3A_626, %sub3A_646 : i32
      %select_n3A_648 = arith.select %and3A_645, %sub3A_647, %div3A_626 : i32
      %jit3A_649 = arith.constant 32 : i32
      %eq3A_650 = arith.constant 0 : i32
      %eq3A_651 = arith.cmpi eq, %jit3A_649, %eq3A_650 : i32
      %jit3A_652 = arith.constant 1 : i32
      %select_n3A_653 = arith.select %eq3A_651, %jit3A_652, %jit3A_649 : i32
      %rem3A_654 = arith.remsi %add3A_624, %select_n3A_653 : i32
      %ne3A_655 = arith.constant 0 : i32
      %ne3A_656 = arith.cmpi ne, %rem3A_654, %ne3A_655 : i32
      %lt3A_657 = arith.constant 0 : i32
      %lt3A_658 = arith.cmpi slt, %rem3A_654, %lt3A_657 : i32
      %lt3A_659 = arith.constant 0 : i32
      %lt3A_660 = arith.cmpi slt, %select_n3A_653, %lt3A_659 : i32
      %ne3A_661 = arith.xori %lt3A_658, %lt3A_660 : i1
      %and3A_662 = arith.andi %ne3A_661, %ne3A_656 : i1
      %add3A_663 = arith.addi %rem3A_654, %select_n3A_653 : i32
      %select_n3A_664 = arith.select %and3A_662, %add3A_663, %rem3A_654 : i32
      %ge3A = arith.constant 2 : i32
      %ge3A_665 = arith.cmpi sge, %scan3A_606, %ge3A : i32
      %convert_element_type3A = arith.extui %ge3A_665 : i1 to i32
      %cond3A = arith.constant 0 : i32
      %cond3A_666 = arith.cmpi ne, %convert_element_type3A, %cond3A : i32
      scf.if %cond3A_666 {
        %dma_wait3A_836 = arith.constant 0 : i32
        %dma_wait3A_837 = arith.constant 0 : i32
        %dma_wait3A_838 = arith.constant 0 : i32
        %dma_wait3A_839 = arith.constant 0 : i32
        %dma_wait3A_840 = arith.constant 0 : i32
        %dma_wait3A_841 = arith.constant 0 : i32
        %dma_wait3A_842 = tpu.memref_slice %arg7[%dma_wait3A_836, %dma_wait3A_840, %dma_wait3A_841] : memref<4x64x129xf32, #tpu.memory_space<vmem>> -> memref<1x8x128xf32, #tpu.memory_space<vmem>>
        %dma_wait3A_843 = tpu.memref_squeeze %dma_wait3A_842 : memref<1x8x128xf32, #tpu.memory_space<vmem>> -> memref<8x128xf32, #tpu.memory_space<vmem>>
        %dma_wait3A_844 = arith.constant 0 : i32
        %dma_wait3A_845 = arith.constant 0 : i32
        %dma_wait3A_846 = tpu.memref_slice %arg4[%dma_wait3A_837, %dma_wait3A_838, %dma_wait3A_839, %dma_wait3A_844, %dma_wait3A_845] : memref<200x8x32x8x128xf32, #tpu.memory_space<hbm>> -> memref<1x1x1x8x128xf32, #tpu.memory_space<hbm>>
        %dma_wait3A_847 = tpu.memref_squeeze %dma_wait3A_846 : memref<1x1x1x8x128xf32, #tpu.memory_space<hbm>> -> memref<8x128xf32, #tpu.memory_space<hbm>>
        %dma_wait3A_848 = arith.constant 0 : i32
        %dma_wait3A_849 = arith.constant 0 : i32
        %dma_wait3A_850 = tpu.memref_slice %arg4[%dma_wait3A_837, %dma_wait3A_838, %dma_wait3A_839, %dma_wait3A_848, %dma_wait3A_849] : memref<200x8x32x8x128xf32, #tpu.memory_space<hbm>> -> memref<1x1x1x8x128xf32, #tpu.memory_space<hbm>>
        %dma_wait3A_851 = tpu.memref_squeeze %dma_wait3A_850 : memref<1x1x1x8x128xf32, #tpu.memory_space<hbm>> -> memref<8x128xf32, #tpu.memory_space<hbm>>
        %dma_wait3A_852 = arith.constant 0 : i32
        %dma_wait3A_853 = arith.constant 0 : i32
        %dma_wait3A_854 = tpu.memref_slice %arg7[%dma_wait3A_836, %dma_wait3A_852, %dma_wait3A_853] : memref<4x64x129xf32, #tpu.memory_space<vmem>> -> memref<1x8x128xf32, #tpu.memory_space<vmem>>
        %dma_wait3A_855 = tpu.memref_squeeze %dma_wait3A_854 : memref<1x8x128xf32, #tpu.memory_space<vmem>> -> memref<8x128xf32, #tpu.memory_space<vmem>>
        tpu.wait_dma2 semaphore(%arg10 : memref<!tpu.dma_semaphore, #tpu.memory_space<semaphore_mem>>) src(%dma_wait3A_855 : memref<8x128xf32, #tpu.memory_space<vmem>>) dst(%dma_wait3A_851 : memref<8x128xf32, #tpu.memory_space<hbm>>)
        %dma_wait3A_856 = arith.constant 0 : i32
        %dma_wait3A_857 = arith.constant 0 : i32
        %dma_wait3A_858 = arith.constant 0 : i32
        %dma_wait3A_859 = arith.constant 0 : i32
        %dma_wait3A_860 = arith.constant 0 : i32
        %dma_wait3A_861 = arith.constant 0 : i32
        %dma_wait3A_862 = tpu.memref_slice %arg7[%dma_wait3A_856, %dma_wait3A_860, %dma_wait3A_861] : memref<4x64x129xf32, #tpu.memory_space<vmem>> -> memref<1x8x128xf32, #tpu.memory_space<vmem>>
        %dma_wait3A_863 = tpu.memref_squeeze %dma_wait3A_862 : memref<1x8x128xf32, #tpu.memory_space<vmem>> -> memref<8x128xf32, #tpu.memory_space<vmem>>
        %dma_wait3A_864 = arith.constant 0 : i32
        %dma_wait3A_865 = arith.constant 0 : i32
        %dma_wait3A_866 = tpu.memref_slice %arg4[%dma_wait3A_857, %dma_wait3A_858, %dma_wait3A_859, %dma_wait3A_864, %dma_wait3A_865] : memref<200x8x32x8x128xf32, #tpu.memory_space<hbm>> -> memref<1x1x1x8x128xf32, #tpu.memory_space<hbm>>
        %dma_wait3A_867 = tpu.memref_squeeze %dma_wait3A_866 : memref<1x1x1x8x128xf32, #tpu.memory_space<hbm>> -> memref<8x128xf32, #tpu.memory_space<hbm>>
        %dma_wait3A_868 = arith.constant 0 : i32
        %dma_wait3A_869 = arith.constant 0 : i32
        %dma_wait3A_870 = tpu.memref_slice %arg4[%dma_wait3A_857, %dma_wait3A_858, %dma_wait3A_859, %dma_wait3A_868, %dma_wait3A_869] : memref<200x8x32x8x128xf32, #tpu.memory_space<hbm>> -> memref<1x1x1x8x128xf32, #tpu.memory_space<hbm>>
        %dma_wait3A_871 = tpu.memref_squeeze %dma_wait3A_870 : memref<1x1x1x8x128xf32, #tpu.memory_space<hbm>> -> memref<8x128xf32, #tpu.memory_space<hbm>>
        %dma_wait3A_872 = arith.constant 0 : i32
        %dma_wait3A_873 = arith.constant 0 : i32
        %dma_wait3A_874 = tpu.memref_slice %arg7[%dma_wait3A_856, %dma_wait3A_872, %dma_wait3A_873] : memref<4x64x129xf32, #tpu.memory_space<vmem>> -> memref<1x8x128xf32, #tpu.memory_space<vmem>>
        %dma_wait3A_875 = tpu.memref_squeeze %dma_wait3A_874 : memref<1x8x128xf32, #tpu.memory_space<vmem>> -> memref<8x128xf32, #tpu.memory_space<vmem>>
        tpu.wait_dma2 semaphore(%arg10 : memref<!tpu.dma_semaphore, #tpu.memory_space<semaphore_mem>>) src(%dma_wait3A_875 : memref<8x128xf32, #tpu.memory_space<vmem>>) dst(%dma_wait3A_871 : memref<8x128xf32, #tpu.memory_space<hbm>>)
        %dma_wait3A_876 = arith.constant 0 : i32
        %dma_wait3A_877 = arith.constant 0 : i32
        %dma_wait3A_878 = arith.constant 0 : i32
        %dma_wait3A_879 = arith.constant 0 : i32
        %dma_wait3A_880 = arith.constant 0 : i32
        %dma_wait3A_881 = arith.constant 0 : i32
        %dma_wait3A_882 = tpu.memref_slice %arg7[%dma_wait3A_876, %dma_wait3A_880, %dma_wait3A_881] : memref<4x64x129xf32, #tpu.memory_space<vmem>> -> memref<1x8x128xf32, #tpu.memory_space<vmem>>
        %dma_wait3A_883 = tpu.memref_squeeze %dma_wait3A_882 : memref<1x8x128xf32, #tpu.memory_space<vmem>> -> memref<8x128xf32, #tpu.memory_space<vmem>>
        %dma_wait3A_884 = arith.constant 0 : i32
        %dma_wait3A_885 = arith.constant 0 : i32
        %dma_wait3A_886 = tpu.memref_slice %arg4[%dma_wait3A_877, %dma_wait3A_878, %dma_wait3A_879, %dma_wait3A_884, %dma_wait3A_885] : memref<200x8x32x8x128xf32, #tpu.memory_space<hbm>> -> memref<1x1x1x8x128xf32, #tpu.memory_space<hbm>>
        %dma_wait3A_887 = tpu.memref_squeeze %dma_wait3A_886 : memref<1x1x1x8x128xf32, #tpu.memory_space<hbm>> -> memref<8x128xf32, #tpu.memory_space<hbm>>
        %dma_wait3A_888 = arith.constant 0 : i32
        %dma_wait3A_889 = arith.constant 0 : i32
        %dma_wait3A_890 = tpu.memref_slice %arg4[%dma_wait3A_877, %dma_wait3A_878, %dma_wait3A_879, %dma_wait3A_888, %dma_wait3A_889] : memref<200x8x32x8x128xf32, #tpu.memory_space<hbm>> -> memref<1x1x1x8x128xf32, #tpu.memory_space<hbm>>
        %dma_wait3A_891 = tpu.memref_squeeze %dma_wait3A_890 : memref<1x1x1x8x128xf32, #tpu.memory_space<hbm>> -> memref<8x128xf32, #tpu.memory_space<hbm>>
        %dma_wait3A_892 = arith.constant 0 : i32
        %dma_wait3A_893 = arith.constant 0 : i32
        %dma_wait3A_894 = tpu.memref_slice %arg7[%dma_wait3A_876, %dma_wait3A_892, %dma_wait3A_893] : memref<4x64x129xf32, #tpu.memory_space<vmem>> -> memref<1x8x128xf32, #tpu.memory_space<vmem>>
        %dma_wait3A_895 = tpu.memref_squeeze %dma_wait3A_894 : memref<1x8x128xf32, #tpu.memory_space<vmem>> -> memref<8x128xf32, #tpu.memory_space<vmem>>
        tpu.wait_dma2 semaphore(%arg10 : memref<!tpu.dma_semaphore, #tpu.memory_space<semaphore_mem>>) src(%dma_wait3A_895 : memref<8x128xf32, #tpu.memory_space<vmem>>) dst(%dma_wait3A_891 : memref<8x128xf32, #tpu.memory_space<hbm>>)
        %dma_wait3A_896 = arith.constant 0 : i32
        %dma_wait3A_897 = arith.constant 0 : i32
        %dma_wait3A_898 = arith.constant 0 : i32
        %dma_wait3A_899 = arith.constant 0 : i32
        %dma_wait3A_900 = arith.constant 0 : i32
        %dma_wait3A_901 = arith.constant 0 : i32
        %dma_wait3A_902 = tpu.memref_slice %arg7[%dma_wait3A_896, %dma_wait3A_900, %dma_wait3A_901] : memref<4x64x129xf32, #tpu.memory_space<vmem>> -> memref<1x8x128xf32, #tpu.memory_space<vmem>>
        %dma_wait3A_903 = tpu.memref_squeeze %dma_wait3A_902 : memref<1x8x128xf32, #tpu.memory_space<vmem>> -> memref<8x128xf32, #tpu.memory_space<vmem>>
        %dma_wait3A_904 = arith.constant 0 : i32
        %dma_wait3A_905 = arith.constant 0 : i32
        %dma_wait3A_906 = tpu.memref_slice %arg4[%dma_wait3A_897, %dma_wait3A_898, %dma_wait3A_899, %dma_wait3A_904, %dma_wait3A_905] : memref<200x8x32x8x128xf32, #tpu.memory_space<hbm>> -> memref<1x1x1x8x128xf32, #tpu.memory_space<hbm>>
        %dma_wait3A_907 = tpu.memref_squeeze %dma_wait3A_906 : memref<1x1x1x8x128xf32, #tpu.memory_space<hbm>> -> memref<8x128xf32, #tpu.memory_space<hbm>>
        %dma_wait3A_908 = arith.constant 0 : i32
        %dma_wait3A_909 = arith.constant 0 : i32
        %dma_wait3A_910 = tpu.memref_slice %arg4[%dma_wait3A_897, %dma_wait3A_898, %dma_wait3A_899, %dma_wait3A_908, %dma_wait3A_909] : memref<200x8x32x8x128xf32, #tpu.memory_space<hbm>> -> memref<1x1x1x8x128xf32, #tpu.memory_space<hbm>>
        %dma_wait3A_911 = tpu.memref_squeeze %dma_wait3A_910 : memref<1x1x1x8x128xf32, #tpu.memory_space<hbm>> -> memref<8x128xf32, #tpu.memory_space<hbm>>
        %dma_wait3A_912 = arith.constant 0 : i32
        %dma_wait3A_913 = arith.constant 0 : i32
        %dma_wait3A_914 = tpu.memref_slice %arg7[%dma_wait3A_896, %dma_wait3A_912, %dma_wait3A_913] : memref<4x64x129xf32, #tpu.memory_space<vmem>> -> memref<1x8x128xf32, #tpu.memory_space<vmem>>
        %dma_wait3A_915 = tpu.memref_squeeze %dma_wait3A_914 : memref<1x8x128xf32, #tpu.memory_space<vmem>> -> memref<8x128xf32, #tpu.memory_space<vmem>>
        tpu.wait_dma2 semaphore(%arg10 : memref<!tpu.dma_semaphore, #tpu.memory_space<semaphore_mem>>) src(%dma_wait3A_915 : memref<8x128xf32, #tpu.memory_space<vmem>>) dst(%dma_wait3A_911 : memref<8x128xf32, #tpu.memory_space<hbm>>)
        %dma_wait3A_916 = arith.constant 0 : i32
        %dma_wait3A_917 = arith.constant 0 : i32
        %dma_wait3A_918 = arith.constant 0 : i32
        %dma_wait3A_919 = arith.constant 0 : i32
        %dma_wait3A_920 = arith.constant 0 : i32
        %dma_wait3A_921 = arith.constant 0 : i32
        %dma_wait3A_922 = tpu.memref_slice %arg7[%dma_wait3A_916, %dma_wait3A_920, %dma_wait3A_921] : memref<4x64x129xf32, #tpu.memory_space<vmem>> -> memref<1x8x128xf32, #tpu.memory_space<vmem>>
        %dma_wait3A_923 = tpu.memref_squeeze %dma_wait3A_922 : memref<1x8x128xf32, #tpu.memory_space<vmem>> -> memref<8x128xf32, #tpu.memory_space<vmem>>
        %dma_wait3A_924 = arith.constant 0 : i32
        %dma_wait3A_925 = arith.constant 0 : i32
        %dma_wait3A_926 = tpu.memref_slice %arg4[%dma_wait3A_917, %dma_wait3A_918, %dma_wait3A_919, %dma_wait3A_924, %dma_wait3A_925] : memref<200x8x32x8x128xf32, #tpu.memory_space<hbm>> -> memref<1x1x1x8x128xf32, #tpu.memory_space<hbm>>
        %dma_wait3A_927 = tpu.memref_squeeze %dma_wait3A_926 : memref<1x1x1x8x128xf32, #tpu.memory_space<hbm>> -> memref<8x128xf32, #tpu.memory_space<hbm>>
        %dma_wait3A_928 = arith.constant 0 : i32
        %dma_wait3A_929 = arith.constant 0 : i32
        %dma_wait3A_930 = tpu.memref_slice %arg4[%dma_wait3A_917, %dma_wait3A_918, %dma_wait3A_919, %dma_wait3A_928, %dma_wait3A_929] : memref<200x8x32x8x128xf32, #tpu.memory_space<hbm>> -> memref<1x1x1x8x128xf32, #tpu.memory_space<hbm>>
        %dma_wait3A_931 = tpu.memref_squeeze %dma_wait3A_930 : memref<1x1x1x8x128xf32, #tpu.memory_space<hbm>> -> memref<8x128xf32, #tpu.memory_space<hbm>>
        %dma_wait3A_932 = arith.constant 0 : i32
        %dma_wait3A_933 = arith.constant 0 : i32
        %dma_wait3A_934 = tpu.memref_slice %arg7[%dma_wait3A_916, %dma_wait3A_932, %dma_wait3A_933] : memref<4x64x129xf32, #tpu.memory_space<vmem>> -> memref<1x8x128xf32, #tpu.memory_space<vmem>>
        %dma_wait3A_935 = tpu.memref_squeeze %dma_wait3A_934 : memref<1x8x128xf32, #tpu.memory_space<vmem>> -> memref<8x128xf32, #tpu.memory_space<vmem>>
        tpu.wait_dma2 semaphore(%arg10 : memref<!tpu.dma_semaphore, #tpu.memory_space<semaphore_mem>>) src(%dma_wait3A_935 : memref<8x128xf32, #tpu.memory_space<vmem>>) dst(%dma_wait3A_931 : memref<8x128xf32, #tpu.memory_space<hbm>>)
        %dma_wait3A_936 = arith.constant 0 : i32
        %dma_wait3A_937 = arith.constant 0 : i32
        %dma_wait3A_938 = arith.constant 0 : i32
        %dma_wait3A_939 = arith.constant 0 : i32
        %dma_wait3A_940 = arith.constant 0 : i32
        %dma_wait3A_941 = arith.constant 0 : i32
        %dma_wait3A_942 = tpu.memref_slice %arg7[%dma_wait3A_936, %dma_wait3A_940, %dma_wait3A_941] : memref<4x64x129xf32, #tpu.memory_space<vmem>> -> memref<1x8x128xf32, #tpu.memory_space<vmem>>
        %dma_wait3A_943 = tpu.memref_squeeze %dma_wait3A_942 : memref<1x8x128xf32, #tpu.memory_space<vmem>> -> memref<8x128xf32, #tpu.memory_space<vmem>>
        %dma_wait3A_944 = arith.constant 0 : i32
        %dma_wait3A_945 = arith.constant 0 : i32
        %dma_wait3A_946 = tpu.memref_slice %arg4[%dma_wait3A_937, %dma_wait3A_938, %dma_wait3A_939, %dma_wait3A_944, %dma_wait3A_945] : memref<200x8x32x8x128xf32, #tpu.memory_space<hbm>> -> memref<1x1x1x8x128xf32, #tpu.memory_space<hbm>>
        %dma_wait3A_947 = tpu.memref_squeeze %dma_wait3A_946 : memref<1x1x1x8x128xf32, #tpu.memory_space<hbm>> -> memref<8x128xf32, #tpu.memory_space<hbm>>
        %dma_wait3A_948 = arith.constant 0 : i32
        %dma_wait3A_949 = arith.constant 0 : i32
        %dma_wait3A_950 = tpu.memref_slice %arg4[%dma_wait3A_937, %dma_wait3A_938, %dma_wait3A_939, %dma_wait3A_948, %dma_wait3A_949] : memref<200x8x32x8x128xf32, #tpu.memory_space<hbm>> -> memref<1x1x1x8x128xf32, #tpu.memory_space<hbm>>
        %dma_wait3A_951 = tpu.memref_squeeze %dma_wait3A_950 : memref<1x1x1x8x128xf32, #tpu.memory_space<hbm>> -> memref<8x128xf32, #tpu.memory_space<hbm>>
        %dma_wait3A_952 = arith.constant 0 : i32
        %dma_wait3A_953 = arith.constant 0 : i32
        %dma_wait3A_954 = tpu.memref_slice %arg7[%dma_wait3A_936, %dma_wait3A_952, %dma_wait3A_953] : memref<4x64x129xf32, #tpu.memory_space<vmem>> -> memref<1x8x128xf32, #tpu.memory_space<vmem>>
        %dma_wait3A_955 = tpu.memref_squeeze %dma_wait3A_954 : memref<1x8x128xf32, #tpu.memory_space<vmem>> -> memref<8x128xf32, #tpu.memory_space<vmem>>
        tpu.wait_dma2 semaphore(%arg10 : memref<!tpu.dma_semaphore, #tpu.memory_space<semaphore_mem>>) src(%dma_wait3A_955 : memref<8x128xf32, #tpu.memory_space<vmem>>) dst(%dma_wait3A_951 : memref<8x128xf32, #tpu.memory_space<hbm>>)
        %dma_wait3A_956 = arith.constant 0 : i32
        %dma_wait3A_957 = arith.constant 0 : i32
        %dma_wait3A_958 = arith.constant 0 : i32
        %dma_wait3A_959 = arith.constant 0 : i32
        %dma_wait3A_960 = arith.constant 0 : i32
        %dma_wait3A_961 = arith.constant 0 : i32
        %dma_wait3A_962 = tpu.memref_slice %arg7[%dma_wait3A_956, %dma_wait3A_960, %dma_wait3A_961] : memref<4x64x129xf32, #tpu.memory_space<vmem>> -> memref<1x8x128xf32, #tpu.memory_space<vmem>>
        %dma_wait3A_963 = tpu.memref_squeeze %dma_wait3A_962 : memref<1x8x128xf32, #tpu.memory_space<vmem>> -> memref<8x128xf32, #tpu.memory_space<vmem>>
        %dma_wait3A_964 = arith.constant 0 : i32
        %dma_wait3A_965 = arith.constant 0 : i32
        %dma_wait3A_966 = tpu.memref_slice %arg4[%dma_wait3A_957, %dma_wait3A_958, %dma_wait3A_959, %dma_wait3A_964, %dma_wait3A_965] : memref<200x8x32x8x128xf32, #tpu.memory_space<hbm>> -> memref<1x1x1x8x128xf32, #tpu.memory_space<hbm>>
        %dma_wait3A_967 = tpu.memref_squeeze %dma_wait3A_966 : memref<1x1x1x8x128xf32, #tpu.memory_space<hbm>> -> memref<8x128xf32, #tpu.memory_space<hbm>>
        %dma_wait3A_968 = arith.constant 0 : i32
        %dma_wait3A_969 = arith.constant 0 : i32
        %dma_wait3A_970 = tpu.memref_slice %arg4[%dma_wait3A_957, %dma_wait3A_958, %dma_wait3A_959, %dma_wait3A_968, %dma_wait3A_969] : memref<200x8x32x8x128xf32, #tpu.memory_space<hbm>> -> memref<1x1x1x8x128xf32, #tpu.memory_space<hbm>>
        %dma_wait3A_971 = tpu.memref_squeeze %dma_wait3A_970 : memref<1x1x1x8x128xf32, #tpu.memory_space<hbm>> -> memref<8x128xf32, #tpu.memory_space<hbm>>
        %dma_wait3A_972 = arith.constant 0 : i32
        %dma_wait3A_973 = arith.constant 0 : i32
        %dma_wait3A_974 = tpu.memref_slice %arg7[%dma_wait3A_956, %dma_wait3A_972, %dma_wait3A_973] : memref<4x64x129xf32, #tpu.memory_space<vmem>> -> memref<1x8x128xf32, #tpu.memory_space<vmem>>
        %dma_wait3A_975 = tpu.memref_squeeze %dma_wait3A_974 : memref<1x8x128xf32, #tpu.memory_space<vmem>> -> memref<8x128xf32, #tpu.memory_space<vmem>>
        tpu.wait_dma2 semaphore(%arg10 : memref<!tpu.dma_semaphore, #tpu.memory_space<semaphore_mem>>) src(%dma_wait3A_975 : memref<8x128xf32, #tpu.memory_space<vmem>>) dst(%dma_wait3A_971 : memref<8x128xf32, #tpu.memory_space<hbm>>)
        %dma_wait3A_976 = arith.constant 0 : i32
        %dma_wait3A_977 = arith.constant 0 : i32
        %dma_wait3A_978 = arith.constant 0 : i32
        %dma_wait3A_979 = arith.constant 0 : i32
        %dma_wait3A_980 = arith.constant 0 : i32
        %dma_wait3A_981 = arith.constant 0 : i32
        %dma_wait3A_982 = tpu.memref_slice %arg7[%dma_wait3A_976, %dma_wait3A_980, %dma_wait3A_981] : memref<4x64x129xf32, #tpu.memory_space<vmem>> -> memref<1x8x128xf32, #tpu.memory_space<vmem>>
        %dma_wait3A_983 = tpu.memref_squeeze %dma_wait3A_982 : memref<1x8x128xf32, #tpu.memory_space<vmem>> -> memref<8x128xf32, #tpu.memory_space<vmem>>
        %dma_wait3A_984 = arith.constant 0 : i32
        %dma_wait3A_985 = arith.constant 0 : i32
        %dma_wait3A_986 = tpu.memref_slice %arg4[%dma_wait3A_977, %dma_wait3A_978, %dma_wait3A_979, %dma_wait3A_984, %dma_wait3A_985] : memref<200x8x32x8x128xf32, #tpu.memory_space<hbm>> -> memref<1x1x1x8x128xf32, #tpu.memory_space<hbm>>
        %dma_wait3A_987 = tpu.memref_squeeze %dma_wait3A_986 : memref<1x1x1x8x128xf32, #tpu.memory_space<hbm>> -> memref<8x128xf32, #tpu.memory_space<hbm>>
        %dma_wait3A_988 = arith.constant 0 : i32
        %dma_wait3A_989 = arith.constant 0 : i32
        %dma_wait3A_990 = tpu.memref_slice %arg4[%dma_wait3A_977, %dma_wait3A_978, %dma_wait3A_979, %dma_wait3A_988, %dma_wait3A_989] : memref<200x8x32x8x128xf32, #tpu.memory_space<hbm>> -> memref<1x1x1x8x128xf32, #tpu.memory_space<hbm>>
        %dma_wait3A_991 = tpu.memref_squeeze %dma_wait3A_990 : memref<1x1x1x8x128xf32, #tpu.memory_space<hbm>> -> memref<8x128xf32, #tpu.memory_space<hbm>>
        %dma_wait3A_992 = arith.constant 0 : i32
        %dma_wait3A_993 = arith.constant 0 : i32
        %dma_wait3A_994 = tpu.memref_slice %arg7[%dma_wait3A_976, %dma_wait3A_992, %dma_wait3A_993] : memref<4x64x129xf32, #tpu.memory_space<vmem>> -> memref<1x8x128xf32, #tpu.memory_space<vmem>>
        %dma_wait3A_995 = tpu.memref_squeeze %dma_wait3A_994 : memref<1x8x128xf32, #tpu.memory_space<vmem>> -> memref<8x128xf32, #tpu.memory_space<vmem>>
        tpu.wait_dma2 semaphore(%arg10 : memref<!tpu.dma_semaphore, #tpu.memory_space<semaphore_mem>>) src(%dma_wait3A_995 : memref<8x128xf32, #tpu.memory_space<vmem>>) dst(%dma_wait3A_991 : memref<8x128xf32, #tpu.memory_space<hbm>>)
      } else {
      }
      %add3A_667 = arith.constant 2 : i32
      %add3A_668 = arith.addi %scan3A_606, %add3A_667 : i32
      %lt3A_669 = arith.constant 200 : i32
      %lt3A_670 = arith.cmpi slt, %add3A_668, %lt3A_669 : i32
      %convert_element_type3A_671 = arith.extui %lt3A_670 : i1 to i32
      %cond3A_672 = arith.constant 0 : i32
      %cond3A_673 = arith.cmpi ne, %convert_element_type3A_671, %cond3A_672 : i32
      scf.if %cond3A_673 {
        %dma_wait3A_836 = arith.constant 0 : i32
        %dma_wait3A_837 = arith.constant 0 : i32
        %dma_wait3A_838 = arith.constant 0 : i32
        %dma_wait3A_839 = tpu.memref_slice %arg5[%dma_wait3A_837, %dma_wait3A_838] : memref<4x128xi32, #tpu.memory_space<vmem>> -> memref<1x128xi32, #tpu.memory_space<vmem>>
        %dma_wait3A_840 = tpu.memref_squeeze %dma_wait3A_839 : memref<1x128xi32, #tpu.memory_space<vmem>> -> memref<128xi32, #tpu.memory_space<vmem>>
        %dma_wait3A_841 = arith.constant 0 : i32
        %dma_wait3A_842 = tpu.memref_slice %arg2[%dma_wait3A_836, %dma_wait3A_841] : memref<200x4096xi32, #tpu.memory_space<hbm>> -> memref<1x128xi32, #tpu.memory_space<hbm>>
        %dma_wait3A_843 = tpu.memref_squeeze %dma_wait3A_842 : memref<1x128xi32, #tpu.memory_space<hbm>> -> memref<128xi32, #tpu.memory_space<hbm>>
        %dma_wait3A_844 = arith.constant 0 : i32
        %dma_wait3A_845 = tpu.memref_slice %arg5[%dma_wait3A_837, %dma_wait3A_844] : memref<4x128xi32, #tpu.memory_space<vmem>> -> memref<1x128xi32, #tpu.memory_space<vmem>>
        %dma_wait3A_846 = tpu.memref_squeeze %dma_wait3A_845 : memref<1x128xi32, #tpu.memory_space<vmem>> -> memref<128xi32, #tpu.memory_space<vmem>>
        %dma_wait3A_847 = arith.constant 0 : i32
        %dma_wait3A_848 = tpu.memref_slice %arg2[%dma_wait3A_836, %dma_wait3A_847] : memref<200x4096xi32, #tpu.memory_space<hbm>> -> memref<1x128xi32, #tpu.memory_space<hbm>>
        %dma_wait3A_849 = tpu.memref_squeeze %dma_wait3A_848 : memref<1x128xi32, #tpu.memory_space<hbm>> -> memref<128xi32, #tpu.memory_space<hbm>>
        tpu.wait_dma2 semaphore(%arg8 : memref<!tpu.dma_semaphore, #tpu.memory_space<semaphore_mem>>) src(%dma_wait3A_849 : memref<128xi32, #tpu.memory_space<hbm>>) dst(%dma_wait3A_846 : memref<128xi32, #tpu.memory_space<vmem>>)
        %add3A_850 = arith.constant 2 : i32
        %add3A_851 = arith.addi %scan3A_606, %add3A_850 : i32
        %jit3A_852 = arith.constant 4 : i32
        %eq3A_853 = arith.constant 0 : i32
        %eq3A_854 = arith.cmpi eq, %jit3A_852, %eq3A_853 : i32
        %jit3A_855 = arith.constant 1 : i32
        %select_n3A_856 = arith.select %eq3A_854, %jit3A_855, %jit3A_852 : i32
        %rem3A_857 = arith.remsi %add3A_851, %select_n3A_856 : i32
        %ne3A_858 = arith.constant 0 : i32
        %ne3A_859 = arith.cmpi ne, %rem3A_857, %ne3A_858 : i32
        %lt3A_860 = arith.constant 0 : i32
        %lt3A_861 = arith.cmpi slt, %rem3A_857, %lt3A_860 : i32
        %lt3A_862 = arith.constant 0 : i32
        %lt3A_863 = arith.cmpi slt, %select_n3A_856, %lt3A_862 : i32
        %ne3A_864 = arith.xori %lt3A_861, %lt3A_863 : i1
        %and3A_865 = arith.andi %ne3A_864, %ne3A_859 : i1
        %add3A_866 = arith.addi %rem3A_857, %select_n3A_856 : i32
        %select_n3A_867 = arith.select %and3A_865, %add3A_866, %rem3A_857 : i32
        %parallel_loop3A_868 = arith.constant 0 : i32
        %parallel_loop3A_869 = arith.constant 128 : i32
        %parallel_loop3A_870 = arith.constant 16 : i32
        scf.for %parallel_loop3A_881 = %parallel_loop3A_868 to %parallel_loop3A_869 step %parallel_loop3A_870  : i32 {
          %parallel_loop3A_882 = arith.index_cast %select_n3A_867 : i32 to index
          %parallel_loop3A_883 = arith.index_cast %parallel_loop3A_881 : i32 to index
          %parallel_loop3A_884 = tpu.vector_load %arg5[%parallel_loop3A_882, %parallel_loop3A_883] {strides = array<i32>} : memref<4x128xi32, #tpu.memory_space<vmem>>, vector<16xi32>,
          %parallel_loop3A_885 = arith.constant 500000 : i32
          %parallel_loop3A_886 = vector.broadcast %parallel_loop3A_885 : i32 to vector<16xi32>
          %parallel_loop3A_887 = arith.cmpi slt, %parallel_loop3A_884, %parallel_loop3A_886 : vector<16xi32>
          %parallel_loop3A_888 = arith.addi %parallel_loop3A_884, %parallel_loop3A_884 : vector<16xi32>
          %parallel_loop3A_889 = arith.addi %parallel_loop3A_884, %parallel_loop3A_884 : vector<16xi32>
          %parallel_loop3A_890 = arith.constant 999999 : i32
          %parallel_loop3A_891 = vector.broadcast %parallel_loop3A_890 : i32 to vector<16xi32>
          %parallel_loop3A_892 = arith.subi %parallel_loop3A_889, %parallel_loop3A_891 : vector<16xi32>
          %parallel_loop3A_893 = arith.select %parallel_loop3A_887, %parallel_loop3A_888, %parallel_loop3A_892 : vector<16xi1>, vector<16xi32>
          %parallel_loop3A_894 = arith.index_cast %select_n3A_867 : i32 to index
          %parallel_loop3A_895 = arith.index_cast %parallel_loop3A_881 : i32 to index
          %parallel_loop3A_896 = tpu.vector_load %arg5[%parallel_loop3A_894, %parallel_loop3A_895] {strides = array<i32>} : memref<4x128xi32, #tpu.memory_space<vmem>>, vector<16xi32>,
          tpu.vector_store %arg5[%parallel_loop3A_894, %parallel_loop3A_895], %parallel_loop3A_893 {strides = array<i32>} : memref<4x128xi32, #tpu.memory_space<vmem>>, vector<16xi32>,
        } {sc.loop_unroll_factor = 4 : i64, sc.parallel_access}
        %dma_start3A_871 = arith.constant 0 : i32
        %dma_start3A_872 = arith.constant 0 : i32
        %dma_start3A_873 = tpu.memref_slice %arg6[%select_n3A_867, %dma_start3A_871, %dma_start3A_872] : memref<4x128x64xf32, #tpu.memory_space<vmem>> -> memref<1x128x64xf32, #tpu.memory_space<vmem>>
        %dma_start3A_874 = tpu.memref_squeeze %dma_start3A_873 : memref<1x128x64xf32, #tpu.memory_space<vmem>> -> memref<128x64xf32, #tpu.memory_space<vmem>>
        %dma_start3A_875 = arith.constant 0 : i32
        %dma_start3A_876 = tpu.memref_slice %arg5[%select_n3A_867, %dma_start3A_875] : memref<4x128xi32, #tpu.memory_space<vmem>> -> memref<1x128xi32, #tpu.memory_space<vmem>>
        %dma_start3A_877 = tpu.memref_squeeze %dma_start3A_876 : memref<1x128xi32, #tpu.memory_space<vmem>> -> memref<128xi32, #tpu.memory_space<vmem>>
        %dma_start3A_878 = arith.constant 0 : i32
        %dma_start3A_879 = arith.constant 0 : i32
        %dma_start3A_880 = tpu.memref_slice %arg3[%dma_start3A_878, %dma_start3A_879] : memref<1000000x64xf32, #tpu.memory_space<hbm>> -> memref<1000000x64xf32, #tpu.memory_space<hbm>>
        tpu.enqueue_indirect_dma source(%dma_start3A_880 : memref<1000000x64xf32, #tpu.memory_space<hbm>>) target(%dma_start3A_874 : memref<128x64xf32, #tpu.memory_space<vmem>>) offsets(%dma_start3A_877 : memref<128xi32, #tpu.memory_space<vmem>>) semaphore(%arg9 : memref<!tpu.dma_semaphore, #tpu.memory_space<semaphore_mem>>)
      } else {
      }
      %dma_wait3A_674 = arith.constant 0 : i32
      %dma_wait3A_675 = arith.constant 0 : i32
      %dma_wait3A_676 = arith.constant 0 : i32
      %dma_wait3A_677 = tpu.memref_slice %arg6[%dma_wait3A_674, %dma_wait3A_675, %dma_wait3A_676] : memref<4x128x64xf32, #tpu.memory_space<vmem>> -> memref<1x128x64xf32, #tpu.memory_space<vmem>>
      %dma_wait3A_678 = tpu.memref_squeeze %dma_wait3A_677 : memref<1x128x64xf32, #tpu.memory_space<vmem>> -> memref<128x64xf32, #tpu.memory_space<vmem>>
      %dma_wait3A_679 = arith.constant 0 : i32
      %dma_wait3A_680 = arith.constant 0 : i32
      %dma_wait3A_681 = tpu.memref_slice %arg3[%dma_wait3A_679, %dma_wait3A_680] : memref<1000000x64xf32, #tpu.memory_space<hbm>> -> memref<128x64xf32, #tpu.memory_space<hbm>>
      %dma_wait3A_682 = arith.constant 0 : i32
      %dma_wait3A_683 = arith.constant 0 : i32
      %dma_wait3A_684 = tpu.memref_slice %arg6[%dma_wait3A_674, %dma_wait3A_682, %dma_wait3A_683] : memref<4x128x64xf32, #tpu.memory_space<vmem>> -> memref<1x128x64xf32, #tpu.memory_space<vmem>>
      %dma_wait3A_685 = tpu.memref_squeeze %dma_wait3A_684 : memref<1x128x64xf32, #tpu.memory_space<vmem>> -> memref<128x64xf32, #tpu.memory_space<vmem>>
      %dma_wait3A_686 = arith.constant 0 : i32
      %dma_wait3A_687 = arith.constant 0 : i32
      %dma_wait3A_688 = tpu.memref_slice %arg3[%dma_wait3A_686, %dma_wait3A_687] : memref<1000000x64xf32, #tpu.memory_space<hbm>> -> memref<128x64xf32, #tpu.memory_space<hbm>>
      tpu.wait_dma2 semaphore(%arg9 : memref<!tpu.dma_semaphore, #tpu.memory_space<semaphore_mem>>) src(%dma_wait3A_688 : memref<128x64xf32, #tpu.memory_space<hbm>>) dst(%dma_wait3A_685 : memref<128x64xf32, #tpu.memory_space<vmem>>)
      %parallel_loop3A_689 = arith.constant 0 : i32
      %parallel_loop3A_690 = arith.constant 128 : i32
      %parallel_loop3A_691 = arith.constant 1 : i32
      scf.for %parallel_loop3A_836 = %parallel_loop3A_689 to %parallel_loop3A_690 step %parallel_loop3A_691  : i32 {
        %parallel_loop3A_837 = vector.broadcast %parallel_loop3A_836 : i32 to vector<16xi32>
        %parallel_loop3A_838 = arith.index_cast %select_n3A_623 : i32 to index
        %parallel_loop3A_839 = arith.index_cast %parallel_loop3A_836 : i32 to index
        %parallel_loop3A_840 = arith.constant 0 : index
        %parallel_loop3A_841 = tpu.vector_load %arg6[%parallel_loop3A_838, %parallel_loop3A_839, %parallel_loop3A_840] {strides = array<i32>} : memref<4x128x64xf32, #tpu.memory_space<vmem>>, vector<16xf32>,
        %parallel_loop3A_842 = arith.constant 8.000000e+00 : f32
        %parallel_loop3A_843 = vector.broadcast %parallel_loop3A_842 : f32 to vector<16xf32>
        %parallel_loop3A_844 = arith.mulf %parallel_loop3A_841, %parallel_loop3A_843 : vector<16xf32>
        %parallel_loop3A_845 = arith.constant 0 : i32
        %parallel_loop3A_846 = arith.constant 0 : i32
        %parallel_loop3A_847 = tpu.memref_slice %arg7[%select_n3A_623, %parallel_loop3A_845, %parallel_loop3A_846] : memref<4x64x129xf32, #tpu.memory_space<vmem>> -> memref<1x64x129xf32, #tpu.memory_space<vmem>>
        %parallel_loop3A_848 = tpu.memref_squeeze %parallel_loop3A_847 : memref<1x64x129xf32, #tpu.memory_space<vmem>> -> memref<64x129xf32, #tpu.memory_space<vmem>>
        tpu.vector_store_idx %parallel_loop3A_848[%add3A_5, %parallel_loop3A_837], %parallel_loop3A_844 : memref<64x129xf32, #tpu.memory_space<vmem>>[vector<16xi32>, vector<16xi32>], vector<16xf32>,
        %parallel_loop3A_849 = arith.index_cast %select_n3A_623 : i32 to index
        %parallel_loop3A_850 = arith.index_cast %parallel_loop3A_836 : i32 to index
        %parallel_loop3A_851 = arith.constant 16 : index
        %parallel_loop3A_852 = tpu.vector_load %arg6[%parallel_loop3A_849, %parallel_loop3A_850, %parallel_loop3A_851] {strides = array<i32>} : memref<4x128x64xf32, #tpu.memory_space<vmem>>, vector<16xf32>,
        %parallel_loop3A_853 = arith.constant 8.000000e+00 : f32
        %parallel_loop3A_854 = vector.broadcast %parallel_loop3A_853 : f32 to vector<16xf32>
        %parallel_loop3A_855 = arith.mulf %parallel_loop3A_852, %parallel_loop3A_854 : vector<16xf32>
        %parallel_loop3A_856 = arith.constant 0 : i32
        %parallel_loop3A_857 = arith.constant 0 : i32
        %parallel_loop3A_858 = tpu.memref_slice %arg7[%select_n3A_623, %parallel_loop3A_856, %parallel_loop3A_857] : memref<4x64x129xf32, #tpu.memory_space<vmem>> -> memref<1x64x129xf32, #tpu.memory_space<vmem>>
        %parallel_loop3A_859 = tpu.memref_squeeze %parallel_loop3A_858 : memref<1x64x129xf32, #tpu.memory_space<vmem>> -> memref<64x129xf32, #tpu.memory_space<vmem>>
        tpu.vector_store_idx %parallel_loop3A_859[%add3A_8, %parallel_loop3A_837], %parallel_loop3A_855 : memref<64x129xf32, #tpu.memory_space<vmem>>[vector<16xi32>, vector<16xi32>], vector<16xf32>,
        %parallel_loop3A_860 = arith.index_cast %select_n3A_623 : i32 to index
        %parallel_loop3A_861 = arith.index_cast %parallel_loop3A_836 : i32 to index
        %parallel_loop3A_862 = arith.constant 32 : index
        %parallel_loop3A_863 = tpu.vector_load %arg6[%parallel_loop3A_860, %parallel_loop3A_861, %parallel_loop3A_862] {strides = array<i32>} : memref<4x128x64xf32, #tpu.memory_space<vmem>>, vector<16xf32>,
        %parallel_loop3A_864 = arith.constant 8.000000e+00 : f32
        %parallel_loop3A_865 = vector.broadcast %parallel_loop3A_864 : f32 to vector<16xf32>
        %parallel_loop3A_866 = arith.mulf %parallel_loop3A_863, %parallel_loop3A_865 : vector<16xf32>
        %parallel_loop3A_867 = arith.constant 0 : i32
        %parallel_loop3A_868 = arith.constant 0 : i32
        %parallel_loop3A_869 = tpu.memref_slice %arg7[%select_n3A_623, %parallel_loop3A_867, %parallel_loop3A_868] : memref<4x64x129xf32, #tpu.memory_space<vmem>> -> memref<1x64x129xf32, #tpu.memory_space<vmem>>
        %parallel_loop3A_870 = tpu.memref_squeeze %parallel_loop3A_869 : memref<1x64x129xf32, #tpu.memory_space<vmem>> -> memref<64x129xf32, #tpu.memory_space<vmem>>
        tpu.vector_store_idx %parallel_loop3A_870[%add3A_11, %parallel_loop3A_837], %parallel_loop3A_866 : memref<64x129xf32, #tpu.memory_space<vmem>>[vector<16xi32>, vector<16xi32>], vector<16xf32>,
        %parallel_loop3A_871 = arith.index_cast %select_n3A_623 : i32 to index
        %parallel_loop3A_872 = arith.index_cast %parallel_loop3A_836 : i32 to index
        %parallel_loop3A_873 = arith.constant 48 : index
        %parallel_loop3A_874 = tpu.vector_load %arg6[%parallel_loop3A_871, %parallel_loop3A_872, %parallel_loop3A_873] {strides = array<i32>} : memref<4x128x64xf32, #tpu.memory_space<vmem>>, vector<16xf32>,
        %parallel_loop3A_875 = arith.constant 8.000000e+00 : f32
        %parallel_loop3A_876 = vector.broadcast %parallel_loop3A_875 : f32 to vector<16xf32>
        %parallel_loop3A_877 = arith.mulf %parallel_loop3A_874, %parallel_loop3A_876 : vector<16xf32>
        %parallel_loop3A_878 = arith.constant 0 : i32
        %parallel_loop3A_879 = arith.constant 0 : i32
        %parallel_loop3A_880 = tpu.memref_slice %arg7[%select_n3A_623, %parallel_loop3A_878, %parallel_loop3A_879] : memref<4x64x129xf32, #tpu.memory_space<vmem>> -> memref<1x64x129xf32, #tpu.memory_space<vmem>>
        %parallel_loop3A_881 = tpu.memref_squeeze %parallel_loop3A_880 : memref<1x64x129xf32, #tpu.memory_space<vmem>> -> memref<64x129xf32, #tpu.memory_space<vmem>>
        tpu.vector_store_idx %parallel_loop3A_881[%add3A_14, %parallel_loop3A_837], %parallel_loop3A_877 : memref<64x129xf32, #tpu.memory_space<vmem>>[vector<16xi32>, vector<16xi32>], vector<16xf32>,
      } {sc.loop_unroll_factor = 8 : i64, sc.parallel_access}
      %dma_start3A_692 = arith.constant 0 : i32
      %dma_start3A_693 = arith.constant 0 : i32
      %dma_start3A_694 = arith.constant 0 : i32
      %dma_start3A_695 = tpu.memref_slice %arg7[%select_n3A_623, %dma_start3A_693, %dma_start3A_694] : memref<4x64x129xf32, #tpu.memory_space<vmem>> -> memref<1x8x128xf32, #tpu.memory_space<vmem>>
      %dma_start3A_696 = tpu.memref_squeeze %dma_start3A_695 : memref<1x8x128xf32, #tpu.memory_space<vmem>> -> memref<8x128xf32, #tpu.memory_space<vmem>>
      %dma_start3A_697 = arith.constant 0 : i32
      %dma_start3A_698 = arith.constant 0 : i32
      %dma_start3A_699 = tpu.memref_slice %arg4[%select_n3A_648, %dma_start3A_692, %select_n3A_664, %dma_start3A_697, %dma_start3A_698] : memref<200x8x32x8x128xf32, #tpu.memory_space<hbm>> -> memref<1x1x1x8x128xf32, #tpu.memory_space<hbm>>
      %dma_start3A_700 = tpu.memref_squeeze %dma_start3A_699 : memref<1x1x1x8x128xf32, #tpu.memory_space<hbm>> -> memref<8x128xf32, #tpu.memory_space<hbm>>
      %dma_start3A_701 = arith.constant 0 : i32
      %dma_start3A_702 = arith.constant 0 : i32
      %dma_start3A_703 = tpu.memref_slice %arg4[%select_n3A_648, %dma_start3A_692, %select_n3A_664, %dma_start3A_701, %dma_start3A_702] : memref<200x8x32x8x128xf32, #tpu.memory_space<hbm>> -> memref<1x1x1x8x128xf32, #tpu.memory_space<hbm>>
      %dma_start3A_704 = tpu.memref_squeeze %dma_start3A_703 : memref<1x1x1x8x128xf32, #tpu.memory_space<hbm>> -> memref<8x128xf32, #tpu.memory_space<hbm>>
      %dma_start3A_705 = arith.constant 0 : i32
      %dma_start3A_706 = arith.constant 0 : i32
      %dma_start3A_707 = tpu.memref_slice %arg7[%select_n3A_623, %dma_start3A_705, %dma_start3A_706] : memref<4x64x129xf32, #tpu.memory_space<vmem>> -> memref<1x8x128xf32, #tpu.memory_space<vmem>>
      %dma_start3A_708 = tpu.memref_squeeze %dma_start3A_707 : memref<1x8x128xf32, #tpu.memory_space<vmem>> -> memref<8x128xf32, #tpu.memory_space<vmem>>
      tpu.enqueue_dma source(%dma_start3A_708 : memref<8x128xf32, #tpu.memory_space<vmem>>) target(%dma_start3A_704 : memref<8x128xf32, #tpu.memory_space<hbm>>) target_semaphore(%arg10 : memref<!tpu.dma_semaphore, #tpu.memory_space<semaphore_mem>>)
      %dma_start3A_709 = arith.constant 1 : i32
      %dma_start3A_710 = arith.constant 8 : i32
      %dma_start3A_711 = arith.constant 0 : i32
      %dma_start3A_712 = tpu.memref_slice %arg7[%select_n3A_623, %dma_start3A_710, %dma_start3A_711] : memref<4x64x129xf32, #tpu.memory_space<vmem>> -> memref<1x8x128xf32, #tpu.memory_space<vmem>>
      %dma_start3A_713 = tpu.memref_squeeze %dma_start3A_712 : memref<1x8x128xf32, #tpu.memory_space<vmem>> -> memref<8x128xf32, #tpu.memory_space<vmem>>
      %dma_start3A_714 = arith.constant 0 : i32
      %dma_start3A_715 = arith.constant 0 : i32
      %dma_start3A_716 = tpu.memref_slice %arg4[%select_n3A_648, %dma_start3A_709, %select_n3A_664, %dma_start3A_714, %dma_start3A_715] : memref<200x8x32x8x128xf32, #tpu.memory_space<hbm>> -> memref<1x1x1x8x128xf32, #tpu.memory_space<hbm>>
      %dma_start3A_717 = tpu.memref_squeeze %dma_start3A_716 : memref<1x1x1x8x128xf32, #tpu.memory_space<hbm>> -> memref<8x128xf32, #tpu.memory_space<hbm>>
      %dma_start3A_718 = arith.constant 0 : i32
      %dma_start3A_719 = arith.constant 0 : i32
      %dma_start3A_720 = tpu.memref_slice %arg4[%select_n3A_648, %dma_start3A_709, %select_n3A_664, %dma_start3A_718, %dma_start3A_719] : memref<200x8x32x8x128xf32, #tpu.memory_space<hbm>> -> memref<1x1x1x8x128xf32, #tpu.memory_space<hbm>>
      %dma_start3A_721 = tpu.memref_squeeze %dma_start3A_720 : memref<1x1x1x8x128xf32, #tpu.memory_space<hbm>> -> memref<8x128xf32, #tpu.memory_space<hbm>>
      %dma_start3A_722 = arith.constant 8 : i32
      %dma_start3A_723 = arith.constant 0 : i32
      %dma_start3A_724 = tpu.memref_slice %arg7[%select_n3A_623, %dma_start3A_722, %dma_start3A_723] : memref<4x64x129xf32, #tpu.memory_space<vmem>> -> memref<1x8x128xf32, #tpu.memory_space<vmem>>
      %dma_start3A_725 = tpu.memref_squeeze %dma_start3A_724 : memref<1x8x128xf32, #tpu.memory_space<vmem>> -> memref<8x128xf32, #tpu.memory_space<vmem>>
      tpu.enqueue_dma source(%dma_start3A_725 : memref<8x128xf32, #tpu.memory_space<vmem>>) target(%dma_start3A_721 : memref<8x128xf32, #tpu.memory_space<hbm>>) target_semaphore(%arg10 : memref<!tpu.dma_semaphore, #tpu.memory_space<semaphore_mem>>)
      %dma_start3A_726 = arith.constant 2 : i32
      %dma_start3A_727 = arith.constant 16 : i32
      %dma_start3A_728 = arith.constant 0 : i32
      %dma_start3A_729 = tpu.memref_slice %arg7[%select_n3A_623, %dma_start3A_727, %dma_start3A_728] : memref<4x64x129xf32, #tpu.memory_space<vmem>> -> memref<1x8x128xf32, #tpu.memory_space<vmem>>
      %dma_start3A_730 = tpu.memref_squeeze %dma_start3A_729 : memref<1x8x128xf32, #tpu.memory_space<vmem>> -> memref<8x128xf32, #tpu.memory_space<vmem>>
      %dma_start3A_731 = arith.constant 0 : i32
      %dma_start3A_732 = arith.constant 0 : i32
      %dma_start3A_733 = tpu.memref_slice %arg4[%select_n3A_648, %dma_start3A_726, %select_n3A_664, %dma_start3A_731, %dma_start3A_732] : memref<200x8x32x8x128xf32, #tpu.memory_space<hbm>> -> memref<1x1x1x8x128xf32, #tpu.memory_space<hbm>>
      %dma_start3A_734 = tpu.memref_squeeze %dma_start3A_733 : memref<1x1x1x8x128xf32, #tpu.memory_space<hbm>> -> memref<8x128xf32, #tpu.memory_space<hbm>>
      %dma_start3A_735 = arith.constant 0 : i32
      %dma_start3A_736 = arith.constant 0 : i32
      %dma_start3A_737 = tpu.memref_slice %arg4[%select_n3A_648, %dma_start3A_726, %select_n3A_664, %dma_start3A_735, %dma_start3A_736] : memref<200x8x32x8x128xf32, #tpu.memory_space<hbm>> -> memref<1x1x1x8x128xf32, #tpu.memory_space<hbm>>
      %dma_start3A_738 = tpu.memref_squeeze %dma_start3A_737 : memref<1x1x1x8x128xf32, #tpu.memory_space<hbm>> -> memref<8x128xf32, #tpu.memory_space<hbm>>
      %dma_start3A_739 = arith.constant 16 : i32
      %dma_start3A_740 = arith.constant 0 : i32
      %dma_start3A_741 = tpu.memref_slice %arg7[%select_n3A_623, %dma_start3A_739, %dma_start3A_740] : memref<4x64x129xf32, #tpu.memory_space<vmem>> -> memref<1x8x128xf32, #tpu.memory_space<vmem>>
      %dma_start3A_742 = tpu.memref_squeeze %dma_start3A_741 : memref<1x8x128xf32, #tpu.memory_space<vmem>> -> memref<8x128xf32, #tpu.memory_space<vmem>>
      tpu.enqueue_dma source(%dma_start3A_742 : memref<8x128xf32, #tpu.memory_space<vmem>>) target(%dma_start3A_738 : memref<8x128xf32, #tpu.memory_space<hbm>>) target_semaphore(%arg10 : memref<!tpu.dma_semaphore, #tpu.memory_space<semaphore_mem>>)
      %dma_start3A_743 = arith.constant 3 : i32
      %dma_start3A_744 = arith.constant 24 : i32
      %dma_start3A_745 = arith.constant 0 : i32
      %dma_start3A_746 = tpu.memref_slice %arg7[%select_n3A_623, %dma_start3A_744, %dma_start3A_745] : memref<4x64x129xf32, #tpu.memory_space<vmem>> -> memref<1x8x128xf32, #tpu.memory_space<vmem>>
      %dma_start3A_747 = tpu.memref_squeeze %dma_start3A_746 : memref<1x8x128xf32, #tpu.memory_space<vmem>> -> memref<8x128xf32, #tpu.memory_space<vmem>>
      %dma_start3A_748 = arith.constant 0 : i32
      %dma_start3A_749 = arith.constant 0 : i32
      %dma_start3A_750 = tpu.memref_slice %arg4[%select_n3A_648, %dma_start3A_743, %select_n3A_664, %dma_start3A_748, %dma_start3A_749] : memref<200x8x32x8x128xf32, #tpu.memory_space<hbm>> -> memref<1x1x1x8x128xf32, #tpu.memory_space<hbm>>
      %dma_start3A_751 = tpu.memref_squeeze %dma_start3A_750 : memref<1x1x1x8x128xf32, #tpu.memory_space<hbm>> -> memref<8x128xf32, #tpu.memory_space<hbm>>
      %dma_start3A_752 = arith.constant 0 : i32
      %dma_start3A_753 = arith.constant 0 : i32
      %dma_start3A_754 = tpu.memref_slice %arg4[%select_n3A_648, %dma_start3A_743, %select_n3A_664, %dma_start3A_752, %dma_start3A_753] : memref<200x8x32x8x128xf32, #tpu.memory_space<hbm>> -> memref<1x1x1x8x128xf32, #tpu.memory_space<hbm>>
      %dma_start3A_755 = tpu.memref_squeeze %dma_start3A_754 : memref<1x1x1x8x128xf32, #tpu.memory_space<hbm>> -> memref<8x128xf32, #tpu.memory_space<hbm>>
      %dma_start3A_756 = arith.constant 24 : i32
      %dma_start3A_757 = arith.constant 0 : i32
      %dma_start3A_758 = tpu.memref_slice %arg7[%select_n3A_623, %dma_start3A_756, %dma_start3A_757] : memref<4x64x129xf32, #tpu.memory_space<vmem>> -> memref<1x8x128xf32, #tpu.memory_space<vmem>>
      %dma_start3A_759 = tpu.memref_squeeze %dma_start3A_758 : memref<1x8x128xf32, #tpu.memory_space<vmem>> -> memref<8x128xf32, #tpu.memory_space<vmem>>
      tpu.enqueue_dma source(%dma_start3A_759 : memref<8x128xf32, #tpu.memory_space<vmem>>) target(%dma_start3A_755 : memref<8x128xf32, #tpu.memory_space<hbm>>) target_semaphore(%arg10 : memref<!tpu.dma_semaphore, #tpu.memory_space<semaphore_mem>>)
      %dma_start3A_760 = arith.constant 4 : i32
      %dma_start3A_761 = arith.constant 32 : i32
      %dma_start3A_762 = arith.constant 0 : i32
      %dma_start3A_763 = tpu.memref_slice %arg7[%select_n3A_623, %dma_start3A_761, %dma_start3A_762] : memref<4x64x129xf32, #tpu.memory_space<vmem>> -> memref<1x8x128xf32, #tpu.memory_space<vmem>>
      %dma_start3A_764 = tpu.memref_squeeze %dma_start3A_763 : memref<1x8x128xf32, #tpu.memory_space<vmem>> -> memref<8x128xf32, #tpu.memory_space<vmem>>
      %dma_start3A_765 = arith.constant 0 : i32
      %dma_start3A_766 = arith.constant 0 : i32
      %dma_start3A_767 = tpu.memref_slice %arg4[%select_n3A_648, %dma_start3A_760, %select_n3A_664, %dma_start3A_765, %dma_start3A_766] : memref<200x8x32x8x128xf32, #tpu.memory_space<hbm>> -> memref<1x1x1x8x128xf32, #tpu.memory_space<hbm>>
      %dma_start3A_768 = tpu.memref_squeeze %dma_start3A_767 : memref<1x1x1x8x128xf32, #tpu.memory_space<hbm>> -> memref<8x128xf32, #tpu.memory_space<hbm>>
      %dma_start3A_769 = arith.constant 0 : i32
      %dma_start3A_770 = arith.constant 0 : i32
      %dma_start3A_771 = tpu.memref_slice %arg4[%select_n3A_648, %dma_start3A_760, %select_n3A_664, %dma_start3A_769, %dma_start3A_770] : memref<200x8x32x8x128xf32, #tpu.memory_space<hbm>> -> memref<1x1x1x8x128xf32, #tpu.memory_space<hbm>>
      %dma_start3A_772 = tpu.memref_squeeze %dma_start3A_771 : memref<1x1x1x8x128xf32, #tpu.memory_space<hbm>> -> memref<8x128xf32, #tpu.memory_space<hbm>>
      %dma_start3A_773 = arith.constant 32 : i32
      %dma_start3A_774 = arith.constant 0 : i32
      %dma_start3A_775 = tpu.memref_slice %arg7[%select_n3A_623, %dma_start3A_773, %dma_start3A_774] : memref<4x64x129xf32, #tpu.memory_space<vmem>> -> memref<1x8x128xf32, #tpu.memory_space<vmem>>
      %dma_start3A_776 = tpu.memref_squeeze %dma_start3A_775 : memref<1x8x128xf32, #tpu.memory_space<vmem>> -> memref<8x128xf32, #tpu.memory_space<vmem>>
      tpu.enqueue_dma source(%dma_start3A_776 : memref<8x128xf32, #tpu.memory_space<vmem>>) target(%dma_start3A_772 : memref<8x128xf32, #tpu.memory_space<hbm>>) target_semaphore(%arg10 : memref<!tpu.dma_semaphore, #tpu.memory_space<semaphore_mem>>)
      %dma_start3A_777 = arith.constant 5 : i32
      %dma_start3A_778 = arith.constant 40 : i32
      %dma_start3A_779 = arith.constant 0 : i32
      %dma_start3A_780 = tpu.memref_slice %arg7[%select_n3A_623, %dma_start3A_778, %dma_start3A_779] : memref<4x64x129xf32, #tpu.memory_space<vmem>> -> memref<1x8x128xf32, #tpu.memory_space<vmem>>
      %dma_start3A_781 = tpu.memref_squeeze %dma_start3A_780 : memref<1x8x128xf32, #tpu.memory_space<vmem>> -> memref<8x128xf32, #tpu.memory_space<vmem>>
      %dma_start3A_782 = arith.constant 0 : i32
      %dma_start3A_783 = arith.constant 0 : i32
      %dma_start3A_784 = tpu.memref_slice %arg4[%select_n3A_648, %dma_start3A_777, %select_n3A_664, %dma_start3A_782, %dma_start3A_783] : memref<200x8x32x8x128xf32, #tpu.memory_space<hbm>> -> memref<1x1x1x8x128xf32, #tpu.memory_space<hbm>>
      %dma_start3A_785 = tpu.memref_squeeze %dma_start3A_784 : memref<1x1x1x8x128xf32, #tpu.memory_space<hbm>> -> memref<8x128xf32, #tpu.memory_space<hbm>>
      %dma_start3A_786 = arith.constant 0 : i32
      %dma_start3A_787 = arith.constant 0 : i32
      %dma_start3A_788 = tpu.memref_slice %arg4[%select_n3A_648, %dma_start3A_777, %select_n3A_664, %dma_start3A_786, %dma_start3A_787] : memref<200x8x32x8x128xf32, #tpu.memory_space<hbm>> -> memref<1x1x1x8x128xf32, #tpu.memory_space<hbm>>
      %dma_start3A_789 = tpu.memref_squeeze %dma_start3A_788 : memref<1x1x1x8x128xf32, #tpu.memory_space<hbm>> -> memref<8x128xf32, #tpu.memory_space<hbm>>
      %dma_start3A_790 = arith.constant 40 : i32
      %dma_start3A_791 = arith.constant 0 : i32
      %dma_start3A_792 = tpu.memref_slice %arg7[%select_n3A_623, %dma_start3A_790, %dma_start3A_791] : memref<4x64x129xf32, #tpu.memory_space<vmem>> -> memref<1x8x128xf32, #tpu.memory_space<vmem>>
      %dma_start3A_793 = tpu.memref_squeeze %dma_start3A_792 : memref<1x8x128xf32, #tpu.memory_space<vmem>> -> memref<8x128xf32, #tpu.memory_space<vmem>>
      tpu.enqueue_dma source(%dma_start3A_793 : memref<8x128xf32, #tpu.memory_space<vmem>>) target(%dma_start3A_789 : memref<8x128xf32, #tpu.memory_space<hbm>>) target_semaphore(%arg10 : memref<!tpu.dma_semaphore, #tpu.memory_space<semaphore_mem>>)
      %dma_start3A_794 = arith.constant 6 : i32
      %dma_start3A_795 = arith.constant 48 : i32
      %dma_start3A_796 = arith.constant 0 : i32
      %dma_start3A_797 = tpu.memref_slice %arg7[%select_n3A_623, %dma_start3A_795, %dma_start3A_796] : memref<4x64x129xf32, #tpu.memory_space<vmem>> -> memref<1x8x128xf32, #tpu.memory_space<vmem>>
      %dma_start3A_798 = tpu.memref_squeeze %dma_start3A_797 : memref<1x8x128xf32, #tpu.memory_space<vmem>> -> memref<8x128xf32, #tpu.memory_space<vmem>>
      %dma_start3A_799 = arith.constant 0 : i32
      %dma_start3A_800 = arith.constant 0 : i32
      %dma_start3A_801 = tpu.memref_slice %arg4[%select_n3A_648, %dma_start3A_794, %select_n3A_664, %dma_start3A_799, %dma_start3A_800] : memref<200x8x32x8x128xf32, #tpu.memory_space<hbm>> -> memref<1x1x1x8x128xf32, #tpu.memory_space<hbm>>
      %dma_start3A_802 = tpu.memref_squeeze %dma_start3A_801 : memref<1x1x1x8x128xf32, #tpu.memory_space<hbm>> -> memref<8x128xf32, #tpu.memory_space<hbm>>
      %dma_start3A_803 = arith.constant 0 : i32
      %dma_start3A_804 = arith.constant 0 : i32
      %dma_start3A_805 = tpu.memref_slice %arg4[%select_n3A_648, %dma_start3A_794, %select_n3A_664, %dma_start3A_803, %dma_start3A_804] : memref<200x8x32x8x128xf32, #tpu.memory_space<hbm>> -> memref<1x1x1x8x128xf32, #tpu.memory_space<hbm>>
      %dma_start3A_806 = tpu.memref_squeeze %dma_start3A_805 : memref<1x1x1x8x128xf32, #tpu.memory_space<hbm>> -> memref<8x128xf32, #tpu.memory_space<hbm>>
      %dma_start3A_807 = arith.constant 48 : i32
      %dma_start3A_808 = arith.constant 0 : i32
      %dma_start3A_809 = tpu.memref_slice %arg7[%select_n3A_623, %dma_start3A_807, %dma_start3A_808] : memref<4x64x129xf32, #tpu.memory_space<vmem>> -> memref<1x8x128xf32, #tpu.memory_space<vmem>>
      %dma_start3A_810 = tpu.memref_squeeze %dma_start3A_809 : memref<1x8x128xf32, #tpu.memory_space<vmem>> -> memref<8x128xf32, #tpu.memory_space<vmem>>
      tpu.enqueue_dma source(%dma_start3A_810 : memref<8x128xf32, #tpu.memory_space<vmem>>) target(%dma_start3A_806 : memref<8x128xf32, #tpu.memory_space<hbm>>) target_semaphore(%arg10 : memref<!tpu.dma_semaphore, #tpu.memory_space<semaphore_mem>>)
      %dma_start3A_811 = arith.constant 7 : i32
      %dma_start3A_812 = arith.constant 56 : i32
      %dma_start3A_813 = arith.constant 0 : i32
      %dma_start3A_814 = tpu.memref_slice %arg7[%select_n3A_623, %dma_start3A_812, %dma_start3A_813] : memref<4x64x129xf32, #tpu.memory_space<vmem>> -> memref<1x8x128xf32, #tpu.memory_space<vmem>>
      %dma_start3A_815 = tpu.memref_squeeze %dma_start3A_814 : memref<1x8x128xf32, #tpu.memory_space<vmem>> -> memref<8x128xf32, #tpu.memory_space<vmem>>
      %dma_start3A_816 = arith.constant 0 : i32
      %dma_start3A_817 = arith.constant 0 : i32
      %dma_start3A_818 = tpu.memref_slice %arg4[%select_n3A_648, %dma_start3A_811, %select_n3A_664, %dma_start3A_816, %dma_start3A_817] : memref<200x8x32x8x128xf32, #tpu.memory_space<hbm>> -> memref<1x1x1x8x128xf32, #tpu.memory_space<hbm>>
      %dma_start3A_819 = tpu.memref_squeeze %dma_start3A_818 : memref<1x1x1x8x128xf32, #tpu.memory_space<hbm>> -> memref<8x128xf32, #tpu.memory_space<hbm>>
      %dma_start3A_820 = arith.constant 0 : i32
      %dma_start3A_821 = arith.constant 0 : i32
      %dma_start3A_822 = tpu.memref_slice %arg4[%select_n3A_648, %dma_start3A_811, %select_n3A_664, %dma_start3A_820, %dma_start3A_821] : memref<200x8x32x8x128xf32, #tpu.memory_space<hbm>> -> memref<1x1x1x8x128xf32, #tpu.memory_space<hbm>>
      %dma_start3A_823 = tpu.memref_squeeze %dma_start3A_822 : memref<1x1x1x8x128xf32, #tpu.memory_space<hbm>> -> memref<8x128xf32, #tpu.memory_space<hbm>>
      %dma_start3A_824 = arith.constant 56 : i32
      %dma_start3A_825 = arith.constant 0 : i32
      %dma_start3A_826 = tpu.memref_slice %arg7[%select_n3A_623, %dma_start3A_824, %dma_start3A_825] : memref<4x64x129xf32, #tpu.memory_space<vmem>> -> memref<1x8x128xf32, #tpu.memory_space<vmem>>
      %dma_start3A_827 = tpu.memref_squeeze %dma_start3A_826 : memref<1x8x128xf32, #tpu.memory_space<vmem>> -> memref<8x128xf32, #tpu.memory_space<vmem>>
      tpu.enqueue_dma source(%dma_start3A_827 : memref<8x128xf32, #tpu.memory_space<vmem>>) target(%dma_start3A_823 : memref<8x128xf32, #tpu.memory_space<hbm>>) target_semaphore(%arg10 : memref<!tpu.dma_semaphore, #tpu.memory_space<semaphore_mem>>)
      %add3A_828 = arith.constant 4 : i32
      %add3A_829 = arith.addi %scan3A_606, %add3A_828 : i32
      %lt3A_830 = arith.constant 200 : i32
      %lt3A_831 = arith.cmpi slt, %add3A_829, %lt3A_830 : i32
      %convert_element_type3A_832 = arith.extui %lt3A_831 : i1 to i32
      %cond3A_833 = arith.constant 0 : i32
      %cond3A_834 = arith.cmpi ne, %convert_element_type3A_832, %cond3A_833 : i32
      scf.if %cond3A_834 {
        %add3A_836 = arith.constant 4 : i32
        %add3A_837 = arith.addi %scan3A_606, %add3A_836 : i32
        %add3A_838 = arith.addi %mul3A_2, %add3A_837 : i32
        %jit3A_839 = arith.constant 32 : i32
        %div3A_840 = arith.divsi %add3A_838, %jit3A_839 : i32
        %sign3A_841 = arith.constant 0 : i32
        %sign3A_842 = arith.cmpi sgt, %add3A_838, %sign3A_841 : i32
        %sign3A_843 = arith.extui %sign3A_842 : i1 to i32
        %sign3A_844 = arith.constant 0 : i32
        %sign3A_845 = arith.cmpi slt, %add3A_838, %sign3A_844 : i32
        %sign3A_846 = arith.extui %sign3A_845 : i1 to i32
        %sign3A_847 = arith.subi %sign3A_843, %sign3A_846 : i32
        %sign3A_848 = arith.constant 0 : i32
        %sign3A_849 = arith.cmpi sgt, %jit3A_839, %sign3A_848 : i32
        %sign3A_850 = arith.extui %sign3A_849 : i1 to i32
        %sign3A_851 = arith.constant 0 : i32
        %sign3A_852 = arith.cmpi slt, %jit3A_839, %sign3A_851 : i32
        %sign3A_853 = arith.extui %sign3A_852 : i1 to i32
        %sign3A_854 = arith.subi %sign3A_850, %sign3A_853 : i32
        %ne3A_855 = arith.cmpi ne, %sign3A_847, %sign3A_854 : i32
        %rem3A_856 = arith.remsi %add3A_838, %jit3A_839 : i32
        %ne3A_857 = arith.constant 0 : i32
        %ne3A_858 = arith.cmpi ne, %rem3A_856, %ne3A_857 : i32
        %and3A_859 = arith.andi %ne3A_855, %ne3A_858 : i1
        %sub3A_860 = arith.constant 1 : i32
        %sub3A_861 = arith.subi %div3A_840, %sub3A_860 : i32
        %select_n3A_862 = arith.select %and3A_859, %sub3A_861, %div3A_840 : i32
        %jit3A_863 = arith.constant 32 : i32
        %eq3A_864 = arith.constant 0 : i32
        %eq3A_865 = arith.cmpi eq, %jit3A_863, %eq3A_864 : i32
        %jit3A_866 = arith.constant 1 : i32
        %select_n3A_867 = arith.select %eq3A_865, %jit3A_866, %jit3A_863 : i32
        %rem3A_868 = arith.remsi %add3A_838, %select_n3A_867 : i32
        %ne3A_869 = arith.constant 0 : i32
        %ne3A_870 = arith.cmpi ne, %rem3A_868, %ne3A_869 : i32
        %lt3A_871 = arith.constant 0 : i32
        %lt3A_872 = arith.cmpi slt, %rem3A_868, %lt3A_871 : i32
        %lt3A_873 = arith.constant 0 : i32
        %lt3A_874 = arith.cmpi slt, %select_n3A_867, %lt3A_873 : i32
        %ne3A_875 = arith.xori %lt3A_872, %lt3A_874 : i1
        %and3A_876 = arith.andi %ne3A_875, %ne3A_870 : i1
        %add3A_877 = arith.addi %rem3A_868, %select_n3A_867 : i32
        %select_n3A_878 = arith.select %and3A_876, %add3A_877, %rem3A_868 : i32
        %mul3A_879 = arith.constant 128 : i32
        %mul3A_880 = arith.muli %select_n3A_878, %mul3A_879 : i32
        %jit3A_881 = arith.constant 4 : i32
        %eq3A_882 = arith.constant 0 : i32
        %eq3A_883 = arith.cmpi eq, %jit3A_881, %eq3A_882 : i32
        %jit3A_884 = arith.constant 1 : i32
        %select_n3A_885 = arith.select %eq3A_883, %jit3A_884, %jit3A_881 : i32
        %rem3A_886 = arith.remsi %add3A_837, %select_n3A_885 : i32
        %ne3A_887 = arith.constant 0 : i32
        %ne3A_888 = arith.cmpi ne, %rem3A_886, %ne3A_887 : i32
        %lt3A_889 = arith.constant 0 : i32
        %lt3A_890 = arith.cmpi slt, %rem3A_886, %lt3A_889 : i32
        %lt3A_891 = arith.constant 0 : i32
        %lt3A_892 = arith.cmpi slt, %select_n3A_885, %lt3A_891 : i32
        %ne3A_893 = arith.xori %lt3A_890, %lt3A_892 : i1
        %and3A_894 = arith.andi %ne3A_893, %ne3A_888 : i1
        %add3A_895 = arith.addi %rem3A_886, %select_n3A_885 : i32
        %select_n3A_896 = arith.select %and3A_894, %add3A_895, %rem3A_886 : i32
        %dma_start3A_897 = arith.constant 0 : i32
        %dma_start3A_898 = tpu.memref_slice %arg5[%select_n3A_896, %dma_start3A_897] : memref<4x128xi32, #tpu.memory_space<vmem>> -> memref<1x128xi32, #tpu.memory_space<vmem>>
        %dma_start3A_899 = tpu.memref_squeeze %dma_start3A_898 : memref<1x128xi32, #tpu.memory_space<vmem>> -> memref<128xi32, #tpu.memory_space<vmem>>
        %dma_start3A_900 = tpu.memref_slice %arg2[%select_n3A_862, %mul3A_880] : memref<200x4096xi32, #tpu.memory_space<hbm>> -> memref<1x128xi32, #tpu.memory_space<hbm>>
        %dma_start3A_901 = tpu.memref_squeeze %dma_start3A_900 : memref<1x128xi32, #tpu.memory_space<hbm>> -> memref<128xi32, #tpu.memory_space<hbm>>
        %dma_start3A_902 = arith.constant 0 : i32
        %dma_start3A_903 = tpu.memref_slice %arg5[%select_n3A_896, %dma_start3A_902] : memref<4x128xi32, #tpu.memory_space<vmem>> -> memref<1x128xi32, #tpu.memory_space<vmem>>
        %dma_start3A_904 = tpu.memref_squeeze %dma_start3A_903 : memref<1x128xi32, #tpu.memory_space<vmem>> -> memref<128xi32, #tpu.memory_space<vmem>>
        %dma_start3A_905 = tpu.memref_slice %arg2[%select_n3A_862, %mul3A_880] : memref<200x4096xi32, #tpu.memory_space<hbm>> -> memref<1x128xi32, #tpu.memory_space<hbm>>
        %dma_start3A_906 = tpu.memref_squeeze %dma_start3A_905 : memref<1x128xi32, #tpu.memory_space<hbm>> -> memref<128xi32, #tpu.memory_space<hbm>>
        tpu.enqueue_dma source(%dma_start3A_906 : memref<128xi32, #tpu.memory_space<hbm>>) target(%dma_start3A_904 : memref<128xi32, #tpu.memory_space<vmem>>) target_semaphore(%arg8 : memref<!tpu.dma_semaphore, #tpu.memory_space<semaphore_mem>>)
      } else {
      }
      %scan3A_835 = arith.constant 0 : i32
      scf.yield %scan3A_835 : i32
    }
    %scan3A_285 = arith.constant 200 : i32
    %dma_wait3A_286 = arith.constant 0 : i32
    %dma_wait3A_287 = arith.constant 0 : i32
    %dma_wait3A_288 = arith.constant 0 : i32
    %dma_wait3A_289 = arith.constant 0 : i32
    %dma_wait3A_290 = arith.constant 0 : i32
    %dma_wait3A_291 = arith.constant 0 : i32
    %dma_wait3A_292 = tpu.memref_slice %arg7[%dma_wait3A_286, %dma_wait3A_290, %dma_wait3A_291] : memref<4x64x129xf32, #tpu.memory_space<vmem>> -> memref<1x8x128xf32, #tpu.memory_space<vmem>>
    %dma_wait3A_293 = tpu.memref_squeeze %dma_wait3A_292 : memref<1x8x128xf32, #tpu.memory_space<vmem>> -> memref<8x128xf32, #tpu.memory_space<vmem>>
    %dma_wait3A_294 = arith.constant 0 : i32
    %dma_wait3A_295 = arith.constant 0 : i32
    %dma_wait3A_296 = tpu.memref_slice %arg4[%dma_wait3A_287, %dma_wait3A_288, %dma_wait3A_289, %dma_wait3A_294, %dma_wait3A_295] : memref<200x8x32x8x128xf32, #tpu.memory_space<hbm>> -> memref<1x1x1x8x128xf32, #tpu.memory_space<hbm>>
    %dma_wait3A_297 = tpu.memref_squeeze %dma_wait3A_296 : memref<1x1x1x8x128xf32, #tpu.memory_space<hbm>> -> memref<8x128xf32, #tpu.memory_space<hbm>>
    %dma_wait3A_298 = arith.constant 0 : i32
    %dma_wait3A_299 = arith.constant 0 : i32
    %dma_wait3A_300 = tpu.memref_slice %arg4[%dma_wait3A_287, %dma_wait3A_288, %dma_wait3A_289, %dma_wait3A_298, %dma_wait3A_299] : memref<200x8x32x8x128xf32, #tpu.memory_space<hbm>> -> memref<1x1x1x8x128xf32, #tpu.memory_space<hbm>>
    %dma_wait3A_301 = tpu.memref_squeeze %dma_wait3A_300 : memref<1x1x1x8x128xf32, #tpu.memory_space<hbm>> -> memref<8x128xf32, #tpu.memory_space<hbm>>
    %dma_wait3A_302 = arith.constant 0 : i32
    %dma_wait3A_303 = arith.constant 0 : i32
    %dma_wait3A_304 = tpu.memref_slice %arg7[%dma_wait3A_286, %dma_wait3A_302, %dma_wait3A_303] : memref<4x64x129xf32, #tpu.memory_space<vmem>> -> memref<1x8x128xf32, #tpu.memory_space<vmem>>
    %dma_wait3A_305 = tpu.memref_squeeze %dma_wait3A_304 : memref<1x8x128xf32, #tpu.memory_space<vmem>> -> memref<8x128xf32, #tpu.memory_space<vmem>>
    tpu.wait_dma2 semaphore(%arg10 : memref<!tpu.dma_semaphore, #tpu.memory_space<semaphore_mem>>) src(%dma_wait3A_305 : memref<8x128xf32, #tpu.memory_space<vmem>>) dst(%dma_wait3A_301 : memref<8x128xf32, #tpu.memory_space<hbm>>)
    %dma_wait3A_306 = arith.constant 0 : i32
    %dma_wait3A_307 = arith.constant 0 : i32
    %dma_wait3A_308 = arith.constant 0 : i32
    %dma_wait3A_309 = arith.constant 0 : i32
    %dma_wait3A_310 = arith.constant 0 : i32
    %dma_wait3A_311 = arith.constant 0 : i32
    %dma_wait3A_312 = tpu.memref_slice %arg7[%dma_wait3A_306, %dma_wait3A_310, %dma_wait3A_311] : memref<4x64x129xf32, #tpu.memory_space<vmem>> -> memref<1x8x128xf32, #tpu.memory_space<vmem>>
    %dma_wait3A_313 = tpu.memref_squeeze %dma_wait3A_312 : memref<1x8x128xf32, #tpu.memory_space<vmem>> -> memref<8x128xf32, #tpu.memory_space<vmem>>
    %dma_wait3A_314 = arith.constant 0 : i32
    %dma_wait3A_315 = arith.constant 0 : i32
    %dma_wait3A_316 = tpu.memref_slice %arg4[%dma_wait3A_307, %dma_wait3A_308, %dma_wait3A_309, %dma_wait3A_314, %dma_wait3A_315] : memref<200x8x32x8x128xf32, #tpu.memory_space<hbm>> -> memref<1x1x1x8x128xf32, #tpu.memory_space<hbm>>
    %dma_wait3A_317 = tpu.memref_squeeze %dma_wait3A_316 : memref<1x1x1x8x128xf32, #tpu.memory_space<hbm>> -> memref<8x128xf32, #tpu.memory_space<hbm>>
    %dma_wait3A_318 = arith.constant 0 : i32
    %dma_wait3A_319 = arith.constant 0 : i32
    %dma_wait3A_320 = tpu.memref_slice %arg4[%dma_wait3A_307, %dma_wait3A_308, %dma_wait3A_309, %dma_wait3A_318, %dma_wait3A_319] : memref<200x8x32x8x128xf32, #tpu.memory_space<hbm>> -> memref<1x1x1x8x128xf32, #tpu.memory_space<hbm>>
    %dma_wait3A_321 = tpu.memref_squeeze %dma_wait3A_320 : memref<1x1x1x8x128xf32, #tpu.memory_space<hbm>> -> memref<8x128xf32, #tpu.memory_space<hbm>>
    %dma_wait3A_322 = arith.constant 0 : i32
    %dma_wait3A_323 = arith.constant 0 : i32
    %dma_wait3A_324 = tpu.memref_slice %arg7[%dma_wait3A_306, %dma_wait3A_322, %dma_wait3A_323] : memref<4x64x129xf32, #tpu.memory_space<vmem>> -> memref<1x8x128xf32, #tpu.memory_space<vmem>>
    %dma_wait3A_325 = tpu.memref_squeeze %dma_wait3A_324 : memref<1x8x128xf32, #tpu.memory_space<vmem>> -> memref<8x128xf32, #tpu.memory_space<vmem>>
    tpu.wait_dma2 semaphore(%arg10 : memref<!tpu.dma_semaphore, #tpu.memory_space<semaphore_mem>>) src(%dma_wait3A_325 : memref<8x128xf32, #tpu.memory_space<vmem>>) dst(%dma_wait3A_321 : memref<8x128xf32, #tpu.memory_space<hbm>>)
    %dma_wait3A_326 = arith.constant 0 : i32
    %dma_wait3A_327 = arith.constant 0 : i32
    %dma_wait3A_328 = arith.constant 0 : i32
    %dma_wait3A_329 = arith.constant 0 : i32
    %dma_wait3A_330 = arith.constant 0 : i32
    %dma_wait3A_331 = arith.constant 0 : i32
    %dma_wait3A_332 = tpu.memref_slice %arg7[%dma_wait3A_326, %dma_wait3A_330, %dma_wait3A_331] : memref<4x64x129xf32, #tpu.memory_space<vmem>> -> memref<1x8x128xf32, #tpu.memory_space<vmem>>
    %dma_wait3A_333 = tpu.memref_squeeze %dma_wait3A_332 : memref<1x8x128xf32, #tpu.memory_space<vmem>> -> memref<8x128xf32, #tpu.memory_space<vmem>>
    %dma_wait3A_334 = arith.constant 0 : i32
    %dma_wait3A_335 = arith.constant 0 : i32
    %dma_wait3A_336 = tpu.memref_slice %arg4[%dma_wait3A_327, %dma_wait3A_328, %dma_wait3A_329, %dma_wait3A_334, %dma_wait3A_335] : memref<200x8x32x8x128xf32, #tpu.memory_space<hbm>> -> memref<1x1x1x8x128xf32, #tpu.memory_space<hbm>>
    %dma_wait3A_337 = tpu.memref_squeeze %dma_wait3A_336 : memref<1x1x1x8x128xf32, #tpu.memory_space<hbm>> -> memref<8x128xf32, #tpu.memory_space<hbm>>
    %dma_wait3A_338 = arith.constant 0 : i32
    %dma_wait3A_339 = arith.constant 0 : i32
    %dma_wait3A_340 = tpu.memref_slice %arg4[%dma_wait3A_327, %dma_wait3A_328, %dma_wait3A_329, %dma_wait3A_338, %dma_wait3A_339] : memref<200x8x32x8x128xf32, #tpu.memory_space<hbm>> -> memref<1x1x1x8x128xf32, #tpu.memory_space<hbm>>
    %dma_wait3A_341 = tpu.memref_squeeze %dma_wait3A_340 : memref<1x1x1x8x128xf32, #tpu.memory_space<hbm>> -> memref<8x128xf32, #tpu.memory_space<hbm>>
    %dma_wait3A_342 = arith.constant 0 : i32
    %dma_wait3A_343 = arith.constant 0 : i32
    %dma_wait3A_344 = tpu.memref_slice %arg7[%dma_wait3A_326, %dma_wait3A_342, %dma_wait3A_343] : memref<4x64x129xf32, #tpu.memory_space<vmem>> -> memref<1x8x128xf32, #tpu.memory_space<vmem>>
    %dma_wait3A_345 = tpu.memref_squeeze %dma_wait3A_344 : memref<1x8x128xf32, #tpu.memory_space<vmem>> -> memref<8x128xf32, #tpu.memory_space<vmem>>
    tpu.wait_dma2 semaphore(%arg10 : memref<!tpu.dma_semaphore, #tpu.memory_space<semaphore_mem>>) src(%dma_wait3A_345 : memref<8x128xf32, #tpu.memory_space<vmem>>) dst(%dma_wait3A_341 : memref<8x128xf32, #tpu.memory_space<hbm>>)
    %dma_wait3A_346 = arith.constant 0 : i32
    %dma_wait3A_347 = arith.constant 0 : i32
    %dma_wait3A_348 = arith.constant 0 : i32
    %dma_wait3A_349 = arith.constant 0 : i32
    %dma_wait3A_350 = arith.constant 0 : i32
    %dma_wait3A_351 = arith.constant 0 : i32
    %dma_wait3A_352 = tpu.memref_slice %arg7[%dma_wait3A_346, %dma_wait3A_350, %dma_wait3A_351] : memref<4x64x129xf32, #tpu.memory_space<vmem>> -> memref<1x8x128xf32, #tpu.memory_space<vmem>>
    %dma_wait3A_353 = tpu.memref_squeeze %dma_wait3A_352 : memref<1x8x128xf32, #tpu.memory_space<vmem>> -> memref<8x128xf32, #tpu.memory_space<vmem>>
    %dma_wait3A_354 = arith.constant 0 : i32
    %dma_wait3A_355 = arith.constant 0 : i32
    %dma_wait3A_356 = tpu.memref_slice %arg4[%dma_wait3A_347, %dma_wait3A_348, %dma_wait3A_349, %dma_wait3A_354, %dma_wait3A_355] : memref<200x8x32x8x128xf32, #tpu.memory_space<hbm>> -> memref<1x1x1x8x128xf32, #tpu.memory_space<hbm>>
    %dma_wait3A_357 = tpu.memref_squeeze %dma_wait3A_356 : memref<1x1x1x8x128xf32, #tpu.memory_space<hbm>> -> memref<8x128xf32, #tpu.memory_space<hbm>>
    %dma_wait3A_358 = arith.constant 0 : i32
    %dma_wait3A_359 = arith.constant 0 : i32
    %dma_wait3A_360 = tpu.memref_slice %arg4[%dma_wait3A_347, %dma_wait3A_348, %dma_wait3A_349, %dma_wait3A_358, %dma_wait3A_359] : memref<200x8x32x8x128xf32, #tpu.memory_space<hbm>> -> memref<1x1x1x8x128xf32, #tpu.memory_space<hbm>>
    %dma_wait3A_361 = tpu.memref_squeeze %dma_wait3A_360 : memref<1x1x1x8x128xf32, #tpu.memory_space<hbm>> -> memref<8x128xf32, #tpu.memory_space<hbm>>
    %dma_wait3A_362 = arith.constant 0 : i32
    %dma_wait3A_363 = arith.constant 0 : i32
    %dma_wait3A_364 = tpu.memref_slice %arg7[%dma_wait3A_346, %dma_wait3A_362, %dma_wait3A_363] : memref<4x64x129xf32, #tpu.memory_space<vmem>> -> memref<1x8x128xf32, #tpu.memory_space<vmem>>
    %dma_wait3A_365 = tpu.memref_squeeze %dma_wait3A_364 : memref<1x8x128xf32, #tpu.memory_space<vmem>> -> memref<8x128xf32, #tpu.memory_space<vmem>>
    tpu.wait_dma2 semaphore(%arg10 : memref<!tpu.dma_semaphore, #tpu.memory_space<semaphore_mem>>) src(%dma_wait3A_365 : memref<8x128xf32, #tpu.memory_space<vmem>>) dst(%dma_wait3A_361 : memref<8x128xf32, #tpu.memory_space<hbm>>)
    %dma_wait3A_366 = arith.constant 0 : i32
    %dma_wait3A_367 = arith.constant 0 : i32
    %dma_wait3A_368 = arith.constant 0 : i32
    %dma_wait3A_369 = arith.constant 0 : i32
    %dma_wait3A_370 = arith.constant 0 : i32
    %dma_wait3A_371 = arith.constant 0 : i32
    %dma_wait3A_372 = tpu.memref_slice %arg7[%dma_wait3A_366, %dma_wait3A_370, %dma_wait3A_371] : memref<4x64x129xf32, #tpu.memory_space<vmem>> -> memref<1x8x128xf32, #tpu.memory_space<vmem>>
    %dma_wait3A_373 = tpu.memref_squeeze %dma_wait3A_372 : memref<1x8x128xf32, #tpu.memory_space<vmem>> -> memref<8x128xf32, #tpu.memory_space<vmem>>
    %dma_wait3A_374 = arith.constant 0 : i32
    %dma_wait3A_375 = arith.constant 0 : i32
    %dma_wait3A_376 = tpu.memref_slice %arg4[%dma_wait3A_367, %dma_wait3A_368, %dma_wait3A_369, %dma_wait3A_374, %dma_wait3A_375] : memref<200x8x32x8x128xf32, #tpu.memory_space<hbm>> -> memref<1x1x1x8x128xf32, #tpu.memory_space<hbm>>
    %dma_wait3A_377 = tpu.memref_squeeze %dma_wait3A_376 : memref<1x1x1x8x128xf32, #tpu.memory_space<hbm>> -> memref<8x128xf32, #tpu.memory_space<hbm>>
    %dma_wait3A_378 = arith.constant 0 : i32
    %dma_wait3A_379 = arith.constant 0 : i32
    %dma_wait3A_380 = tpu.memref_slice %arg4[%dma_wait3A_367, %dma_wait3A_368, %dma_wait3A_369, %dma_wait3A_378, %dma_wait3A_379] : memref<200x8x32x8x128xf32, #tpu.memory_space<hbm>> -> memref<1x1x1x8x128xf32, #tpu.memory_space<hbm>>
    %dma_wait3A_381 = tpu.memref_squeeze %dma_wait3A_380 : memref<1x1x1x8x128xf32, #tpu.memory_space<hbm>> -> memref<8x128xf32, #tpu.memory_space<hbm>>
    %dma_wait3A_382 = arith.constant 0 : i32
    %dma_wait3A_383 = arith.constant 0 : i32
    %dma_wait3A_384 = tpu.memref_slice %arg7[%dma_wait3A_366, %dma_wait3A_382, %dma_wait3A_383] : memref<4x64x129xf32, #tpu.memory_space<vmem>> -> memref<1x8x128xf32, #tpu.memory_space<vmem>>
    %dma_wait3A_385 = tpu.memref_squeeze %dma_wait3A_384 : memref<1x8x128xf32, #tpu.memory_space<vmem>> -> memref<8x128xf32, #tpu.memory_space<vmem>>
    tpu.wait_dma2 semaphore(%arg10 : memref<!tpu.dma_semaphore, #tpu.memory_space<semaphore_mem>>) src(%dma_wait3A_385 : memref<8x128xf32, #tpu.memory_space<vmem>>) dst(%dma_wait3A_381 : memref<8x128xf32, #tpu.memory_space<hbm>>)
    %dma_wait3A_386 = arith.constant 0 : i32
    %dma_wait3A_387 = arith.constant 0 : i32
    %dma_wait3A_388 = arith.constant 0 : i32
    %dma_wait3A_389 = arith.constant 0 : i32
    %dma_wait3A_390 = arith.constant 0 : i32
    %dma_wait3A_391 = arith.constant 0 : i32
    %dma_wait3A_392 = tpu.memref_slice %arg7[%dma_wait3A_386, %dma_wait3A_390, %dma_wait3A_391] : memref<4x64x129xf32, #tpu.memory_space<vmem>> -> memref<1x8x128xf32, #tpu.memory_space<vmem>>
    %dma_wait3A_393 = tpu.memref_squeeze %dma_wait3A_392 : memref<1x8x128xf32, #tpu.memory_space<vmem>> -> memref<8x128xf32, #tpu.memory_space<vmem>>
    %dma_wait3A_394 = arith.constant 0 : i32
    %dma_wait3A_395 = arith.constant 0 : i32
    %dma_wait3A_396 = tpu.memref_slice %arg4[%dma_wait3A_387, %dma_wait3A_388, %dma_wait3A_389, %dma_wait3A_394, %dma_wait3A_395] : memref<200x8x32x8x128xf32, #tpu.memory_space<hbm>> -> memref<1x1x1x8x128xf32, #tpu.memory_space<hbm>>
    %dma_wait3A_397 = tpu.memref_squeeze %dma_wait3A_396 : memref<1x1x1x8x128xf32, #tpu.memory_space<hbm>> -> memref<8x128xf32, #tpu.memory_space<hbm>>
    %dma_wait3A_398 = arith.constant 0 : i32
    %dma_wait3A_399 = arith.constant 0 : i32
    %dma_wait3A_400 = tpu.memref_slice %arg4[%dma_wait3A_387, %dma_wait3A_388, %dma_wait3A_389, %dma_wait3A_398, %dma_wait3A_399] : memref<200x8x32x8x128xf32, #tpu.memory_space<hbm>> -> memref<1x1x1x8x128xf32, #tpu.memory_space<hbm>>
    %dma_wait3A_401 = tpu.memref_squeeze %dma_wait3A_400 : memref<1x1x1x8x128xf32, #tpu.memory_space<hbm>> -> memref<8x128xf32, #tpu.memory_space<hbm>>
    %dma_wait3A_402 = arith.constant 0 : i32
    %dma_wait3A_403 = arith.constant 0 : i32
    %dma_wait3A_404 = tpu.memref_slice %arg7[%dma_wait3A_386, %dma_wait3A_402, %dma_wait3A_403] : memref<4x64x129xf32, #tpu.memory_space<vmem>> -> memref<1x8x128xf32, #tpu.memory_space<vmem>>
    %dma_wait3A_405 = tpu.memref_squeeze %dma_wait3A_404 : memref<1x8x128xf32, #tpu.memory_space<vmem>> -> memref<8x128xf32, #tpu.memory_space<vmem>>
    tpu.wait_dma2 semaphore(%arg10 : memref<!tpu.dma_semaphore, #tpu.memory_space<semaphore_mem>>) src(%dma_wait3A_405 : memref<8x128xf32, #tpu.memory_space<vmem>>) dst(%dma_wait3A_401 : memref<8x128xf32, #tpu.memory_space<hbm>>)
    %dma_wait3A_406 = arith.constant 0 : i32
    %dma_wait3A_407 = arith.constant 0 : i32
    %dma_wait3A_408 = arith.constant 0 : i32
    %dma_wait3A_409 = arith.constant 0 : i32
    %dma_wait3A_410 = arith.constant 0 : i32
    %dma_wait3A_411 = arith.constant 0 : i32
    %dma_wait3A_412 = tpu.memref_slice %arg7[%dma_wait3A_406, %dma_wait3A_410, %dma_wait3A_411] : memref<4x64x129xf32, #tpu.memory_space<vmem>> -> memref<1x8x128xf32, #tpu.memory_space<vmem>>
    %dma_wait3A_413 = tpu.memref_squeeze %dma_wait3A_412 : memref<1x8x128xf32, #tpu.memory_space<vmem>> -> memref<8x128xf32, #tpu.memory_space<vmem>>
    %dma_wait3A_414 = arith.constant 0 : i32
    %dma_wait3A_415 = arith.constant 0 : i32
    %dma_wait3A_416 = tpu.memref_slice %arg4[%dma_wait3A_407, %dma_wait3A_408, %dma_wait3A_409, %dma_wait3A_414, %dma_wait3A_415] : memref<200x8x32x8x128xf32, #tpu.memory_space<hbm>> -> memref<1x1x1x8x128xf32, #tpu.memory_space<hbm>>
    %dma_wait3A_417 = tpu.memref_squeeze %dma_wait3A_416 : memref<1x1x1x8x128xf32, #tpu.memory_space<hbm>> -> memref<8x128xf32, #tpu.memory_space<hbm>>
    %dma_wait3A_418 = arith.constant 0 : i32
    %dma_wait3A_419 = arith.constant 0 : i32
    %dma_wait3A_420 = tpu.memref_slice %arg4[%dma_wait3A_407, %dma_wait3A_408, %dma_wait3A_409, %dma_wait3A_418, %dma_wait3A_419] : memref<200x8x32x8x128xf32, #tpu.memory_space<hbm>> -> memref<1x1x1x8x128xf32, #tpu.memory_space<hbm>>
    %dma_wait3A_421 = tpu.memref_squeeze %dma_wait3A_420 : memref<1x1x1x8x128xf32, #tpu.memory_space<hbm>> -> memref<8x128xf32, #tpu.memory_space<hbm>>
    %dma_wait3A_422 = arith.constant 0 : i32
    %dma_wait3A_423 = arith.constant 0 : i32
    %dma_wait3A_424 = tpu.memref_slice %arg7[%dma_wait3A_406, %dma_wait3A_422, %dma_wait3A_423] : memref<4x64x129xf32, #tpu.memory_space<vmem>> -> memref<1x8x128xf32, #tpu.memory_space<vmem>>
    %dma_wait3A_425 = tpu.memref_squeeze %dma_wait3A_424 : memref<1x8x128xf32, #tpu.memory_space<vmem>> -> memref<8x128xf32, #tpu.memory_space<vmem>>
    tpu.wait_dma2 semaphore(%arg10 : memref<!tpu.dma_semaphore, #tpu.memory_space<semaphore_mem>>) src(%dma_wait3A_425 : memref<8x128xf32, #tpu.memory_space<vmem>>) dst(%dma_wait3A_421 : memref<8x128xf32, #tpu.memory_space<hbm>>)
    %dma_wait3A_426 = arith.constant 0 : i32
    %dma_wait3A_427 = arith.constant 0 : i32
    %dma_wait3A_428 = arith.constant 0 : i32
    %dma_wait3A_429 = arith.constant 0 : i32
    %dma_wait3A_430 = arith.constant 0 : i32
    %dma_wait3A_431 = arith.constant 0 : i32
    %dma_wait3A_432 = tpu.memref_slice %arg7[%dma_wait3A_426, %dma_wait3A_430, %dma_wait3A_431] : memref<4x64x129xf32, #tpu.memory_space<vmem>> -> memref<1x8x128xf32, #tpu.memory_space<vmem>>
    %dma_wait3A_433 = tpu.memref_squeeze %dma_wait3A_432 : memref<1x8x128xf32, #tpu.memory_space<vmem>> -> memref<8x128xf32, #tpu.memory_space<vmem>>
    %dma_wait3A_434 = arith.constant 0 : i32
    %dma_wait3A_435 = arith.constant 0 : i32
    %dma_wait3A_436 = tpu.memref_slice %arg4[%dma_wait3A_427, %dma_wait3A_428, %dma_wait3A_429, %dma_wait3A_434, %dma_wait3A_435] : memref<200x8x32x8x128xf32, #tpu.memory_space<hbm>> -> memref<1x1x1x8x128xf32, #tpu.memory_space<hbm>>
    %dma_wait3A_437 = tpu.memref_squeeze %dma_wait3A_436 : memref<1x1x1x8x128xf32, #tpu.memory_space<hbm>> -> memref<8x128xf32, #tpu.memory_space<hbm>>
    %dma_wait3A_438 = arith.constant 0 : i32
    %dma_wait3A_439 = arith.constant 0 : i32
    %dma_wait3A_440 = tpu.memref_slice %arg4[%dma_wait3A_427, %dma_wait3A_428, %dma_wait3A_429, %dma_wait3A_438, %dma_wait3A_439] : memref<200x8x32x8x128xf32, #tpu.memory_space<hbm>> -> memref<1x1x1x8x128xf32, #tpu.memory_space<hbm>>
    %dma_wait3A_441 = tpu.memref_squeeze %dma_wait3A_440 : memref<1x1x1x8x128xf32, #tpu.memory_space<hbm>> -> memref<8x128xf32, #tpu.memory_space<hbm>>
    %dma_wait3A_442 = arith.constant 0 : i32
    %dma_wait3A_443 = arith.constant 0 : i32
    %dma_wait3A_444 = tpu.memref_slice %arg7[%dma_wait3A_426, %dma_wait3A_442, %dma_wait3A_443] : memref<4x64x129xf32, #tpu.memory_space<vmem>> -> memref<1x8x128xf32, #tpu.memory_space<vmem>>
    %dma_wait3A_445 = tpu.memref_squeeze %dma_wait3A_444 : memref<1x8x128xf32, #tpu.memory_space<vmem>> -> memref<8x128xf32, #tpu.memory_space<vmem>>
    tpu.wait_dma2 semaphore(%arg10 : memref<!tpu.dma_semaphore, #tpu.memory_space<semaphore_mem>>) src(%dma_wait3A_445 : memref<8x128xf32, #tpu.memory_space<vmem>>) dst(%dma_wait3A_441 : memref<8x128xf32, #tpu.memory_space<hbm>>)
    %dma_wait3A_446 = arith.constant 0 : i32
    %dma_wait3A_447 = arith.constant 0 : i32
    %dma_wait3A_448 = arith.constant 0 : i32
    %dma_wait3A_449 = arith.constant 0 : i32
    %dma_wait3A_450 = arith.constant 0 : i32
    %dma_wait3A_451 = arith.constant 0 : i32
    %dma_wait3A_452 = tpu.memref_slice %arg7[%dma_wait3A_446, %dma_wait3A_450, %dma_wait3A_451] : memref<4x64x129xf32, #tpu.memory_space<vmem>> -> memref<1x8x128xf32, #tpu.memory_space<vmem>>
    %dma_wait3A_453 = tpu.memref_squeeze %dma_wait3A_452 : memref<1x8x128xf32, #tpu.memory_space<vmem>> -> memref<8x128xf32, #tpu.memory_space<vmem>>
    %dma_wait3A_454 = arith.constant 0 : i32
    %dma_wait3A_455 = arith.constant 0 : i32
    %dma_wait3A_456 = tpu.memref_slice %arg4[%dma_wait3A_447, %dma_wait3A_448, %dma_wait3A_449, %dma_wait3A_454, %dma_wait3A_455] : memref<200x8x32x8x128xf32, #tpu.memory_space<hbm>> -> memref<1x1x1x8x128xf32, #tpu.memory_space<hbm>>
    %dma_wait3A_457 = tpu.memref_squeeze %dma_wait3A_456 : memref<1x1x1x8x128xf32, #tpu.memory_space<hbm>> -> memref<8x128xf32, #tpu.memory_space<hbm>>
    %dma_wait3A_458 = arith.constant 0 : i32
    %dma_wait3A_459 = arith.constant 0 : i32
    %dma_wait3A_460 = tpu.memref_slice %arg4[%dma_wait3A_447, %dma_wait3A_448, %dma_wait3A_449, %dma_wait3A_458, %dma_wait3A_459] : memref<200x8x32x8x128xf32, #tpu.memory_space<hbm>> -> memref<1x1x1x8x128xf32, #tpu.memory_space<hbm>>
    %dma_wait3A_461 = tpu.memref_squeeze %dma_wait3A_460 : memref<1x1x1x8x128xf32, #tpu.memory_space<hbm>> -> memref<8x128xf32, #tpu.memory_space<hbm>>
    %dma_wait3A_462 = arith.constant 0 : i32
    %dma_wait3A_463 = arith.constant 0 : i32
    %dma_wait3A_464 = tpu.memref_slice %arg7[%dma_wait3A_446, %dma_wait3A_462, %dma_wait3A_463] : memref<4x64x129xf32, #tpu.memory_space<vmem>> -> memref<1x8x128xf32, #tpu.memory_space<vmem>>
    %dma_wait3A_465 = tpu.memref_squeeze %dma_wait3A_464 : memref<1x8x128xf32, #tpu.memory_space<vmem>> -> memref<8x128xf32, #tpu.memory_space<vmem>>
    tpu.wait_dma2 semaphore(%arg10 : memref<!tpu.dma_semaphore, #tpu.memory_space<semaphore_mem>>) src(%dma_wait3A_465 : memref<8x128xf32, #tpu.memory_space<vmem>>) dst(%dma_wait3A_461 : memref<8x128xf32, #tpu.memory_space<hbm>>)
    %dma_wait3A_466 = arith.constant 0 : i32
    %dma_wait3A_467 = arith.constant 0 : i32
    %dma_wait3A_468 = arith.constant 0 : i32
    %dma_wait3A_469 = arith.constant 0 : i32
    %dma_wait3A_470 = arith.constant 0 : i32
    %dma_wait3A_471 = arith.constant 0 : i32
    %dma_wait3A_472 = tpu.memref_slice %arg7[%dma_wait3A_466, %dma_wait3A_470, %dma_wait3A_471] : memref<4x64x129xf32, #tpu.memory_space<vmem>> -> memref<1x8x128xf32, #tpu.memory_space<vmem>>
    %dma_wait3A_473 = tpu.memref_squeeze %dma_wait3A_472 : memref<1x8x128xf32, #tpu.memory_space<vmem>> -> memref<8x128xf32, #tpu.memory_space<vmem>>
    %dma_wait3A_474 = arith.constant 0 : i32
    %dma_wait3A_475 = arith.constant 0 : i32
    %dma_wait3A_476 = tpu.memref_slice %arg4[%dma_wait3A_467, %dma_wait3A_468, %dma_wait3A_469, %dma_wait3A_474, %dma_wait3A_475] : memref<200x8x32x8x128xf32, #tpu.memory_space<hbm>> -> memref<1x1x1x8x128xf32, #tpu.memory_space<hbm>>
    %dma_wait3A_477 = tpu.memref_squeeze %dma_wait3A_476 : memref<1x1x1x8x128xf32, #tpu.memory_space<hbm>> -> memref<8x128xf32, #tpu.memory_space<hbm>>
    %dma_wait3A_478 = arith.constant 0 : i32
    %dma_wait3A_479 = arith.constant 0 : i32
    %dma_wait3A_480 = tpu.memref_slice %arg4[%dma_wait3A_467, %dma_wait3A_468, %dma_wait3A_469, %dma_wait3A_478, %dma_wait3A_479] : memref<200x8x32x8x128xf32, #tpu.memory_space<hbm>> -> memref<1x1x1x8x128xf32, #tpu.memory_space<hbm>>
    %dma_wait3A_481 = tpu.memref_squeeze %dma_wait3A_480 : memref<1x1x1x8x128xf32, #tpu.memory_space<hbm>> -> memref<8x128xf32, #tpu.memory_space<hbm>>
    %dma_wait3A_482 = arith.constant 0 : i32
    %dma_wait3A_483 = arith.constant 0 : i32
    %dma_wait3A_484 = tpu.memref_slice %arg7[%dma_wait3A_466, %dma_wait3A_482, %dma_wait3A_483] : memref<4x64x129xf32, #tpu.memory_space<vmem>> -> memref<1x8x128xf32, #tpu.memory_space<vmem>>
    %dma_wait3A_485 = tpu.memref_squeeze %dma_wait3A_484 : memref<1x8x128xf32, #tpu.memory_space<vmem>> -> memref<8x128xf32, #tpu.memory_space<vmem>>
    tpu.wait_dma2 semaphore(%arg10 : memref<!tpu.dma_semaphore, #tpu.memory_space<semaphore_mem>>) src(%dma_wait3A_485 : memref<8x128xf32, #tpu.memory_space<vmem>>) dst(%dma_wait3A_481 : memref<8x128xf32, #tpu.memory_space<hbm>>)
    %dma_wait3A_486 = arith.constant 0 : i32
    %dma_wait3A_487 = arith.constant 0 : i32
    %dma_wait3A_488 = arith.constant 0 : i32
    %dma_wait3A_489 = arith.constant 0 : i32
    %dma_wait3A_490 = arith.constant 0 : i32
    %dma_wait3A_491 = arith.constant 0 : i32
    %dma_wait3A_492 = tpu.memref_slice %arg7[%dma_wait3A_486, %dma_wait3A_490, %dma_wait3A_491] : memref<4x64x129xf32, #tpu.memory_space<vmem>> -> memref<1x8x128xf32, #tpu.memory_space<vmem>>
    %dma_wait3A_493 = tpu.memref_squeeze %dma_wait3A_492 : memref<1x8x128xf32, #tpu.memory_space<vmem>> -> memref<8x128xf32, #tpu.memory_space<vmem>>
    %dma_wait3A_494 = arith.constant 0 : i32
    %dma_wait3A_495 = arith.constant 0 : i32
    %dma_wait3A_496 = tpu.memref_slice %arg4[%dma_wait3A_487, %dma_wait3A_488, %dma_wait3A_489, %dma_wait3A_494, %dma_wait3A_495] : memref<200x8x32x8x128xf32, #tpu.memory_space<hbm>> -> memref<1x1x1x8x128xf32, #tpu.memory_space<hbm>>
    %dma_wait3A_497 = tpu.memref_squeeze %dma_wait3A_496 : memref<1x1x1x8x128xf32, #tpu.memory_space<hbm>> -> memref<8x128xf32, #tpu.memory_space<hbm>>
    %dma_wait3A_498 = arith.constant 0 : i32
    %dma_wait3A_499 = arith.constant 0 : i32
    %dma_wait3A_500 = tpu.memref_slice %arg4[%dma_wait3A_487, %dma_wait3A_488, %dma_wait3A_489, %dma_wait3A_498, %dma_wait3A_499] : memref<200x8x32x8x128xf32, #tpu.memory_space<hbm>> -> memref<1x1x1x8x128xf32, #tpu.memory_space<hbm>>
    %dma_wait3A_501 = tpu.memref_squeeze %dma_wait3A_500 : memref<1x1x1x8x128xf32, #tpu.memory_space<hbm>> -> memref<8x128xf32, #tpu.memory_space<hbm>>
    %dma_wait3A_502 = arith.constant 0 : i32
    %dma_wait3A_503 = arith.constant 0 : i32
    %dma_wait3A_504 = tpu.memref_slice %arg7[%dma_wait3A_486, %dma_wait3A_502, %dma_wait3A_503] : memref<4x64x129xf32, #tpu.memory_space<vmem>> -> memref<1x8x128xf32, #tpu.memory_space<vmem>>
    %dma_wait3A_505 = tpu.memref_squeeze %dma_wait3A_504 : memref<1x8x128xf32, #tpu.memory_space<vmem>> -> memref<8x128xf32, #tpu.memory_space<vmem>>
    tpu.wait_dma2 semaphore(%arg10 : memref<!tpu.dma_semaphore, #tpu.memory_space<semaphore_mem>>) src(%dma_wait3A_505 : memref<8x128xf32, #tpu.memory_space<vmem>>) dst(%dma_wait3A_501 : memref<8x128xf32, #tpu.memory_space<hbm>>)
    %dma_wait3A_506 = arith.constant 0 : i32
    %dma_wait3A_507 = arith.constant 0 : i32
    %dma_wait3A_508 = arith.constant 0 : i32
    %dma_wait3A_509 = arith.constant 0 : i32
    %dma_wait3A_510 = arith.constant 0 : i32
    %dma_wait3A_511 = arith.constant 0 : i32
    %dma_wait3A_512 = tpu.memref_slice %arg7[%dma_wait3A_506, %dma_wait3A_510, %dma_wait3A_511] : memref<4x64x129xf32, #tpu.memory_space<vmem>> -> memref<1x8x128xf32, #tpu.memory_space<vmem>>
    %dma_wait3A_513 = tpu.memref_squeeze %dma_wait3A_512 : memref<1x8x128xf32, #tpu.memory_space<vmem>> -> memref<8x128xf32, #tpu.memory_space<vmem>>
    %dma_wait3A_514 = arith.constant 0 : i32
    %dma_wait3A_515 = arith.constant 0 : i32
    %dma_wait3A_516 = tpu.memref_slice %arg4[%dma_wait3A_507, %dma_wait3A_508, %dma_wait3A_509, %dma_wait3A_514, %dma_wait3A_515] : memref<200x8x32x8x128xf32, #tpu.memory_space<hbm>> -> memref<1x1x1x8x128xf32, #tpu.memory_space<hbm>>
    %dma_wait3A_517 = tpu.memref_squeeze %dma_wait3A_516 : memref<1x1x1x8x128xf32, #tpu.memory_space<hbm>> -> memref<8x128xf32, #tpu.memory_space<hbm>>
    %dma_wait3A_518 = arith.constant 0 : i32
    %dma_wait3A_519 = arith.constant 0 : i32
    %dma_wait3A_520 = tpu.memref_slice %arg4[%dma_wait3A_507, %dma_wait3A_508, %dma_wait3A_509, %dma_wait3A_518, %dma_wait3A_519] : memref<200x8x32x8x128xf32, #tpu.memory_space<hbm>> -> memref<1x1x1x8x128xf32, #tpu.memory_space<hbm>>
    %dma_wait3A_521 = tpu.memref_squeeze %dma_wait3A_520 : memref<1x1x1x8x128xf32, #tpu.memory_space<hbm>> -> memref<8x128xf32, #tpu.memory_space<hbm>>
    %dma_wait3A_522 = arith.constant 0 : i32
    %dma_wait3A_523 = arith.constant 0 : i32
    %dma_wait3A_524 = tpu.memref_slice %arg7[%dma_wait3A_506, %dma_wait3A_522, %dma_wait3A_523] : memref<4x64x129xf32, #tpu.memory_space<vmem>> -> memref<1x8x128xf32, #tpu.memory_space<vmem>>
    %dma_wait3A_525 = tpu.memref_squeeze %dma_wait3A_524 : memref<1x8x128xf32, #tpu.memory_space<vmem>> -> memref<8x128xf32, #tpu.memory_space<vmem>>
    tpu.wait_dma2 semaphore(%arg10 : memref<!tpu.dma_semaphore, #tpu.memory_space<semaphore_mem>>) src(%dma_wait3A_525 : memref<8x128xf32, #tpu.memory_space<vmem>>) dst(%dma_wait3A_521 : memref<8x128xf32, #tpu.memory_space<hbm>>)
    %dma_wait3A_526 = arith.constant 0 : i32
    %dma_wait3A_527 = arith.constant 0 : i32
    %dma_wait3A_528 = arith.constant 0 : i32
    %dma_wait3A_529 = arith.constant 0 : i32
    %dma_wait3A_530 = arith.constant 0 : i32
    %dma_wait3A_531 = arith.constant 0 : i32
    %dma_wait3A_532 = tpu.memref_slice %arg7[%dma_wait3A_526, %dma_wait3A_530, %dma_wait3A_531] : memref<4x64x129xf32, #tpu.memory_space<vmem>> -> memref<1x8x128xf32, #tpu.memory_space<vmem>>
    %dma_wait3A_533 = tpu.memref_squeeze %dma_wait3A_532 : memref<1x8x128xf32, #tpu.memory_space<vmem>> -> memref<8x128xf32, #tpu.memory_space<vmem>>
    %dma_wait3A_534 = arith.constant 0 : i32
    %dma_wait3A_535 = arith.constant 0 : i32
    %dma_wait3A_536 = tpu.memref_slice %arg4[%dma_wait3A_527, %dma_wait3A_528, %dma_wait3A_529, %dma_wait3A_534, %dma_wait3A_535] : memref<200x8x32x8x128xf32, #tpu.memory_space<hbm>> -> memref<1x1x1x8x128xf32, #tpu.memory_space<hbm>>
    %dma_wait3A_537 = tpu.memref_squeeze %dma_wait3A_536 : memref<1x1x1x8x128xf32, #tpu.memory_space<hbm>> -> memref<8x128xf32, #tpu.memory_space<hbm>>
    %dma_wait3A_538 = arith.constant 0 : i32
    %dma_wait3A_539 = arith.constant 0 : i32
    %dma_wait3A_540 = tpu.memref_slice %arg4[%dma_wait3A_527, %dma_wait3A_528, %dma_wait3A_529, %dma_wait3A_538, %dma_wait3A_539] : memref<200x8x32x8x128xf32, #tpu.memory_space<hbm>> -> memref<1x1x1x8x128xf32, #tpu.memory_space<hbm>>
    %dma_wait3A_541 = tpu.memref_squeeze %dma_wait3A_540 : memref<1x1x1x8x128xf32, #tpu.memory_space<hbm>> -> memref<8x128xf32, #tpu.memory_space<hbm>>
    %dma_wait3A_542 = arith.constant 0 : i32
    %dma_wait3A_543 = arith.constant 0 : i32
    %dma_wait3A_544 = tpu.memref_slice %arg7[%dma_wait3A_526, %dma_wait3A_542, %dma_wait3A_543] : memref<4x64x129xf32, #tpu.memory_space<vmem>> -> memref<1x8x128xf32, #tpu.memory_space<vmem>>
    %dma_wait3A_545 = tpu.memref_squeeze %dma_wait3A_544 : memref<1x8x128xf32, #tpu.memory_space<vmem>> -> memref<8x128xf32, #tpu.memory_space<vmem>>
    tpu.wait_dma2 semaphore(%arg10 : memref<!tpu.dma_semaphore, #tpu.memory_space<semaphore_mem>>) src(%dma_wait3A_545 : memref<8x128xf32, #tpu.memory_space<vmem>>) dst(%dma_wait3A_541 : memref<8x128xf32, #tpu.memory_space<hbm>>)
    %dma_wait3A_546 = arith.constant 0 : i32
    %dma_wait3A_547 = arith.constant 0 : i32
    %dma_wait3A_548 = arith.constant 0 : i32
    %dma_wait3A_549 = arith.constant 0 : i32
    %dma_wait3A_550 = arith.constant 0 : i32
    %dma_wait3A_551 = arith.constant 0 : i32
    %dma_wait3A_552 = tpu.memref_slice %arg7[%dma_wait3A_546, %dma_wait3A_550, %dma_wait3A_551] : memref<4x64x129xf32, #tpu.memory_space<vmem>> -> memref<1x8x128xf32, #tpu.memory_space<vmem>>
    %dma_wait3A_553 = tpu.memref_squeeze %dma_wait3A_552 : memref<1x8x128xf32, #tpu.memory_space<vmem>> -> memref<8x128xf32, #tpu.memory_space<vmem>>
    %dma_wait3A_554 = arith.constant 0 : i32
    %dma_wait3A_555 = arith.constant 0 : i32
    %dma_wait3A_556 = tpu.memref_slice %arg4[%dma_wait3A_547, %dma_wait3A_548, %dma_wait3A_549, %dma_wait3A_554, %dma_wait3A_555] : memref<200x8x32x8x128xf32, #tpu.memory_space<hbm>> -> memref<1x1x1x8x128xf32, #tpu.memory_space<hbm>>
    %dma_wait3A_557 = tpu.memref_squeeze %dma_wait3A_556 : memref<1x1x1x8x128xf32, #tpu.memory_space<hbm>> -> memref<8x128xf32, #tpu.memory_space<hbm>>
    %dma_wait3A_558 = arith.constant 0 : i32
    %dma_wait3A_559 = arith.constant 0 : i32
    %dma_wait3A_560 = tpu.memref_slice %arg4[%dma_wait3A_547, %dma_wait3A_548, %dma_wait3A_549, %dma_wait3A_558, %dma_wait3A_559] : memref<200x8x32x8x128xf32, #tpu.memory_space<hbm>> -> memref<1x1x1x8x128xf32, #tpu.memory_space<hbm>>
    %dma_wait3A_561 = tpu.memref_squeeze %dma_wait3A_560 : memref<1x1x1x8x128xf32, #tpu.memory_space<hbm>> -> memref<8x128xf32, #tpu.memory_space<hbm>>
    %dma_wait3A_562 = arith.constant 0 : i32
    %dma_wait3A_563 = arith.constant 0 : i32
    %dma_wait3A_564 = tpu.memref_slice %arg7[%dma_wait3A_546, %dma_wait3A_562, %dma_wait3A_563] : memref<4x64x129xf32, #tpu.memory_space<vmem>> -> memref<1x8x128xf32, #tpu.memory_space<vmem>>
    %dma_wait3A_565 = tpu.memref_squeeze %dma_wait3A_564 : memref<1x8x128xf32, #tpu.memory_space<vmem>> -> memref<8x128xf32, #tpu.memory_space<vmem>>
    tpu.wait_dma2 semaphore(%arg10 : memref<!tpu.dma_semaphore, #tpu.memory_space<semaphore_mem>>) src(%dma_wait3A_565 : memref<8x128xf32, #tpu.memory_space<vmem>>) dst(%dma_wait3A_561 : memref<8x128xf32, #tpu.memory_space<hbm>>)
    %dma_wait3A_566 = arith.constant 0 : i32
    %dma_wait3A_567 = arith.constant 0 : i32
    %dma_wait3A_568 = arith.constant 0 : i32
    %dma_wait3A_569 = arith.constant 0 : i32
    %dma_wait3A_570 = arith.constant 0 : i32
    %dma_wait3A_571 = arith.constant 0 : i32
    %dma_wait3A_572 = tpu.memref_slice %arg7[%dma_wait3A_566, %dma_wait3A_570, %dma_wait3A_571] : memref<4x64x129xf32, #tpu.memory_space<vmem>> -> memref<1x8x128xf32, #tpu.memory_space<vmem>>
    %dma_wait3A_573 = tpu.memref_squeeze %dma_wait3A_572 : memref<1x8x128xf32, #tpu.memory_space<vmem>> -> memref<8x128xf32, #tpu.memory_space<vmem>>
    %dma_wait3A_574 = arith.constant 0 : i32
    %dma_wait3A_575 = arith.constant 0 : i32
    %dma_wait3A_576 = tpu.memref_slice %arg4[%dma_wait3A_567, %dma_wait3A_568, %dma_wait3A_569, %dma_wait3A_574, %dma_wait3A_575] : memref<200x8x32x8x128xf32, #tpu.memory_space<hbm>> -> memref<1x1x1x8x128xf32, #tpu.memory_space<hbm>>
    %dma_wait3A_577 = tpu.memref_squeeze %dma_wait3A_576 : memref<1x1x1x8x128xf32, #tpu.memory_space<hbm>> -> memref<8x128xf32, #tpu.memory_space<hbm>>
    %dma_wait3A_578 = arith.constant 0 : i32
    %dma_wait3A_579 = arith.constant 0 : i32
    %dma_wait3A_580 = tpu.memref_slice %arg4[%dma_wait3A_567, %dma_wait3A_568, %dma_wait3A_569, %dma_wait3A_578, %dma_wait3A_579] : memref<200x8x32x8x128xf32, #tpu.memory_space<hbm>> -> memref<1x1x1x8x128xf32, #tpu.memory_space<hbm>>
    %dma_wait3A_581 = tpu.memref_squeeze %dma_wait3A_580 : memref<1x1x1x8x128xf32, #tpu.memory_space<hbm>> -> memref<8x128xf32, #tpu.memory_space<hbm>>
    %dma_wait3A_582 = arith.constant 0 : i32
    %dma_wait3A_583 = arith.constant 0 : i32
    %dma_wait3A_584 = tpu.memref_slice %arg7[%dma_wait3A_566, %dma_wait3A_582, %dma_wait3A_583] : memref<4x64x129xf32, #tpu.memory_space<vmem>> -> memref<1x8x128xf32, #tpu.memory_space<vmem>>
    %dma_wait3A_585 = tpu.memref_squeeze %dma_wait3A_584 : memref<1x8x128xf32, #tpu.memory_space<vmem>> -> memref<8x128xf32, #tpu.memory_space<vmem>>
    tpu.wait_dma2 semaphore(%arg10 : memref<!tpu.dma_semaphore, #tpu.memory_space<semaphore_mem>>) src(%dma_wait3A_585 : memref<8x128xf32, #tpu.memory_space<vmem>>) dst(%dma_wait3A_581 : memref<8x128xf32, #tpu.memory_space<hbm>>)
    %dma_wait3A_586 = arith.constant 0 : i32
    %dma_wait3A_587 = arith.constant 0 : i32
    %dma_wait3A_588 = arith.constant 0 : i32
    %dma_wait3A_589 = arith.constant 0 : i32
    %dma_wait3A_590 = arith.constant 0 : i32
    %dma_wait3A_591 = arith.constant 0 : i32
    %dma_wait3A_592 = tpu.memref_slice %arg7[%dma_wait3A_586, %dma_wait3A_590, %dma_wait3A_591] : memref<4x64x129xf32, #tpu.memory_space<vmem>> -> memref<1x8x128xf32, #tpu.memory_space<vmem>>
    %dma_wait3A_593 = tpu.memref_squeeze %dma_wait3A_592 : memref<1x8x128xf32, #tpu.memory_space<vmem>> -> memref<8x128xf32, #tpu.memory_space<vmem>>
    %dma_wait3A_594 = arith.constant 0 : i32
    %dma_wait3A_595 = arith.constant 0 : i32
    %dma_wait3A_596 = tpu.memref_slice %arg4[%dma_wait3A_587, %dma_wait3A_588, %dma_wait3A_589, %dma_wait3A_594, %dma_wait3A_595] : memref<200x8x32x8x128xf32, #tpu.memory_space<hbm>> -> memref<1x1x1x8x128xf32, #tpu.memory_space<hbm>>
    %dma_wait3A_597 = tpu.memref_squeeze %dma_wait3A_596 : memref<1x1x1x8x128xf32, #tpu.memory_space<hbm>> -> memref<8x128xf32, #tpu.memory_space<hbm>>
    %dma_wait3A_598 = arith.constant 0 : i32
    %dma_wait3A_599 = arith.constant 0 : i32
    %dma_wait3A_600 = tpu.memref_slice %arg4[%dma_wait3A_587, %dma_wait3A_588, %dma_wait3A_589, %dma_wait3A_598, %dma_wait3A_599] : memref<200x8x32x8x128xf32, #tpu.memory_space<hbm>> -> memref<1x1x1x8x128xf32, #tpu.memory_space<hbm>>
    %dma_wait3A_601 = tpu.memref_squeeze %dma_wait3A_600 : memref<1x1x1x8x128xf32, #tpu.memory_space<hbm>> -> memref<8x128xf32, #tpu.memory_space<hbm>>
    %dma_wait3A_602 = arith.constant 0 : i32
    %dma_wait3A_603 = arith.constant 0 : i32
    %dma_wait3A_604 = tpu.memref_slice %arg7[%dma_wait3A_586, %dma_wait3A_602, %dma_wait3A_603] : memref<4x64x129xf32, #tpu.memory_space<vmem>> -> memref<1x8x128xf32, #tpu.memory_space<vmem>>
    %dma_wait3A_605 = tpu.memref_squeeze %dma_wait3A_604 : memref<1x8x128xf32, #tpu.memory_space<vmem>> -> memref<8x128xf32, #tpu.memory_space<vmem>>
    tpu.wait_dma2 semaphore(%arg10 : memref<!tpu.dma_semaphore, #tpu.memory_space<semaphore_mem>>) src(%dma_wait3A_605 : memref<8x128xf32, #tpu.memory_space<vmem>>) dst(%dma_wait3A_601 : memref<8x128xf32, #tpu.memory_space<hbm>>)
    return
  }
}

</mosaic_0001>

<sc_bundles>
// kernel: kernel.3.cloned.1.call-start
scs
__scs_entry_jumppad:
0x0: {  	(pc) =	sbr.rel $0x88, $3  }
0x1: {  	(tag) =	ssettag $0x0;
	lr =	simm.s32 $0x1  }
0x2: {  	[smem:$0x3F9F] =	sst lr;
	_ =	strace $0xD0000000  }
0x3: {  	_ = 	snop  }
0x4: {  	_ = 	snop  }
0x5: {  	_ = 	snop  }
0x6: {  	_ = 	snop  }
0x7: {  	_ = 	snop  }
__scs_overlays_trampoline_lowered:
0x8: {  	[smem:$0x3FAE] =	sst s0  }
0x9: {  	[smem:$0x3FAF] =	sst s1  }
0xa: {  	[smem:$0x3FB0] =	sst s2  }
0xb: {  	[smem:$0x3FB1] =	sst s3  }
0xc: {  	[smem:$0x3FB2] =	sst s4  }
0xd: {  	[smem:$0x3FB3] =	sst s5  }
0xe: {  	[smem:$0x3FB4] =	sst s6  }
0xf: {  	[smem:$0x3FB5] =	sst s7  }
0x10: {  	[smem:$0x3FB6] =	sst s8  }
0x11: {  	[smem:$0x3FB7] =	sst s9;
	s0 =	simm.s32 @!p0 $0x0  }
0x12: {  	s1 =	sld [smem:$0x3F9D];
	s0 =	simm.s32 @p0 $0x1  }
0x13: {  	[smem:$0x3FB8] =	sst s0;
	s0 =	simm.s32 @!p1 $0x0  }
0x14: {  	s2 =	sld [smem:$0x3F9C];
	s0 =	simm.s32 @p1 $0x1  }
0x15: {  	[smem:$0x3FB9] =	sst s0;
	s0 =	simm.s32 @!p2 $0x0  }
0x16: {  	s3 =	sld [smem:$0x3FDB];
	s0 =	simm.s32 @p2 $0x1  }
0x17: {  	s4 =	simm.s32 $0x1BF5;
	[smem:$0x3FBB] =	sst s0  }
0x18: {  	s0 =	sld [smem:$0x3F9E];
	_ =	swait.ge [sflag:s4], $0x0  }
0x19: {  	s7 =	sld [smem:$0x3F9F]  }
0x1a: {  	s8 =	sadd.s32 $0xFFFFE003, lr  }
0x1b: {  	s9 =	sadd.s32 $0xFFFFFEF7, lr;
	s5 =	simm.s32 $0xFFFFFFFF;
	p2 =	slt.u32 s8, $0xFFFFF086  }
0x1c: {  	p1 =	slt.u32 s9, $0xF7A;
	s5 =	simm.s32 @!p2 $0x0  }
0x1d: {  	s5 =	simm.s32 @p1 $0x1;
	p0 =	seq.s32 s7, s2  }
0x1e: {  	s7 =	smul.u32 @!p0 $0xF7A, s2;
	p2 =	seq.s32 @!p0 s5, $0x0  }
0x1f: {  	s9 =	smul.u32 $0xF7A, s1;
	s8 =	simm.s32 @!p0 $0x1BF5;
	p2 =	por !p2, p0  }
0x20: {  	[sflag:s8] =	ssyncset.s32 @!p0 $0xFFFFF086;
	s6 =	sadd.s32 @!p0 s3, s7;
	s7 =	simm.s32 @!p0 $0x108  }
0x21: {  	s3 =	sadd.s32 s3, s9;
	s6 =	sadd.s32 @!p0 $0x88, s6;
	s7 =	simm.s32 @p2 $0x1082  }
0x22: {  	[simem:s7], [sflag:s8] =	dma.local @!p0 [hbm:s6], $0xF7A  }
0x23: {  	s9 =	sor.u32 $0xD0000000, s2;
	s6 =	simm.s32 $0x108;
	_ =	swait.ge @!p0 [sflag:s8], $0x0  }
0x24: {  	s3 =	sadd.s32 $0x88, s3;
	s6 =	simm.s32 @!p1 $0x1082;
	[sflag:s4] =	ssyncset.s32 $0xFFFFF086  }
0x25: {  	[simem:s6], [sflag:s4] =	dma.local [hbm:s3], $0xF7A  }
0x26: {  	[smem:$0x3F9F] =	sst s1;
	(tag) =	ssettag s2;
	_ =	strace s9  }
0x27: {  	s1 =	sld [smem:$0x3FAF]  }
0x28: {  	s2 =	sld [smem:$0x3FB0]  }
0x29: {  	s4 =	sld [smem:$0x3FB2]  }
0x2a: {  	p0 =	seq.s32 s5, $0x0;
	s5 =	sld [smem:$0x3FB3]  }
0x2b: {  	s6 =	sld [smem:$0x3FB4]  }
0x2c: {  	s7 =	sld [smem:$0x3FB5]  }
0x2d: {  	s3 =	simm.s32 $0x108;
	s8 =	sld [smem:$0x3FB6]  }
0x2e: {  	s3 =	simm.s32 @!p0 $0x1082;
	s9 =	sld [smem:$0x3FB7]  }
0x2f: {  	lr =	sadd.s32 s0, s3;
	s0 =	sld [smem:$0x3FAE]  }
0x30: {  	s3 =	sld [smem:$0x3FB1]  }
0x31: {  	[smem:$0x3FBA] =	sst s10  }
0x32: {  	s10 =	sld [smem:$0x3FB8];
	_ =	sdelay $0x3  }
0x33: {  	p0 =	seq.s32 s10, $0x1;
	s10 =	sld [smem:$0x3FBA];
	_ =	sdelay $0x3  }
0x34: {  	[smem:$0x3FBA] =	sst s10  }
0x35: {  	s10 =	sld [smem:$0x3FB9];
	_ =	sdelay $0x3  }
0x36: {  	p1 =	seq.s32 s10, $0x1;
	s10 =	sld [smem:$0x3FBA];
	_ =	sdelay $0x3  }
0x37: {  	[smem:$0x3FBA] =	sst s10  }
0x38: {  	s10 =	sld [smem:$0x3FBB]  }
0x39: {  	_ = 	snop;
	(pc) =	sbr.ind lr, $3  }
0x3a: {  	_ = 	snop  }
0x3b: {  	_ = 	snop  }
0x3c: {  	p2 =	seq.s32 s10, $0x1;
	s10 =	sld [smem:$0x3FBA]  }
0x3d: {  	_ =	shalt  }
0x3e: {  	_ =	shalt  }
0x3f: {  	_ =	shalt  }
0x40: {  	_ =	shalt  }
0x41: {  	_ =	shalt  }
0x42: {  	_ =	shalt  }
0x43: {  	_ =	shalt  }
0x44: {  	_ =	shalt  }
0x45: {  	_ =	shalt  }
0x46: {  	_ =	shalt  }
0x47: {  	_ =	shalt  }
0x48: {  	_ =	shalt  }
0x49: {  	_ =	shalt  }
0x4a: {  	_ =	shalt  }
0x4b: {  	_ =	shalt  }
0x4c: {  	_ =	shalt  }
0x4d: {  	_ =	shalt  }
0x4e: {  	_ =	shalt  }
0x4f: {  	_ =	shalt  }
0x50: {  	_ =	shalt  }
0x51: {  	_ =	shalt  }
0x52: {  	_ =	shalt  }
0x53: {  	_ =	shalt  }
0x54: {  	_ =	shalt  }
0x55: {  	_ =	shalt  }
0x56: {  	_ =	shalt  }
0x57: {  	_ =	shalt  }
0x58: {  	_ =	shalt  }
0x59: {  	_ =	shalt  }
0x5a: {  	_ =	shalt  }
0x5b: {  	_ =	shalt  }
0x5c: {  	_ =	shalt  }
0x5d: {  	_ =	shalt  }
0x5e: {  	_ =	shalt  }
0x5f: {  	_ =	shalt  }
0x60: {  	_ =	shalt  }
0x61: {  	_ =	shalt  }
0x62: {  	_ =	shalt  }
0x63: {  	_ =	shalt  }
0x64: {  	_ =	shalt  }
0x65: {  	_ =	shalt  }
0x66: {  	_ =	shalt  }
0x67: {  	_ =	shalt  }
0x68: {  	_ =	shalt  }
0x69: {  	_ =	shalt  }
0x6a: {  	_ =	shalt  }
0x6b: {  	_ =	shalt  }
0x6c: {  	_ =	shalt  }
0x6d: {  	_ =	shalt  }
0x6e: {  	_ =	shalt  }
0x6f: {  	_ =	shalt  }
0x70: {  	_ =	shalt  }
0x71: {  	_ =	shalt  }
0x72: {  	_ =	shalt  }
0x73: {  	_ =	shalt  }
0x74: {  	_ =	shalt  }
0x75: {  	_ =	shalt  }
0x76: {  	_ =	shalt  }
0x77: {  	_ =	shalt  }
0x78: {  	_ =	shalt  }
0x79: {  	_ =	shalt  }
0x7a: {  	_ =	shalt  }
0x7b: {  	_ =	shalt  }
0x7c: {  	_ =	shalt  }
0x7d: {  	_ =	shalt  }
0x7e: {  	_ =	shalt  }
0x7f: {  	_ =	shalt  }
0x80: {  	_ =	shalt  }
0x81: {  	_ =	shalt  }
0x82: {  	_ =	shalt  }
0x83: {  	_ =	shalt  }
0x84: {  	_ =	shalt  }
0x85: {  	_ =	shalt  }
0x86: {  	_ =	shalt  }
0x87: {  	_ =	shalt  }
.Lfunc_end0:
.L_simem_size_0:
called_computation.1_lowered:
.L_overlay_start_0:
0x88: {  	s2 =	sld [smem:$0x3FD9]  }
0x89: {  	s3 =	sld [smem:$0x3FFE];
	_ =	sdelay $0x1  }
0x8a: {  	s1 =	srdreg.scid  }
0x8b: {  	s0 =	sand.u32 $0x1, s1  }
0x8c: {  	s17 =	sshll.u32 s0, $0xA;
	s2 =	sadd.s32 s3, s2  }
0x8d: {  	s2 =	sadd.s32 s2, s17  }
0x8e: {  	[smem:$0x3FC6] =	sst s2  }
0x8f: {  	_ = 	snop  }
0x90: {  	s2 =	sld [smem:$0x3FD0];
	(tm) =	ssettm $0x1  }
0x91: {  	s18 =	sld [smem:$0x3FFB];
	_ =	sdelay $0x3  }
0x92: {  	_ =	strace s18  }
0x93: {  	s3 =	sld [smem:$0x3FFC];
	_ =	sdelay $0x3  }
0x94: {  	_ =	strace s3  }
0x95: {  	s3 =	sld [smem:$0x3FFD];
	_ =	sdelay $0x3  }
0x96: {  	_ =	strace s3  }
0x97: {  	_ =	strace $0x8FFFFFFF  }
0x98: {  	s19 =	sld [smem:$0x3FDB];
	_ =	sdelay $0x1  }
0x99: {  	s4 =	simm.s32 $_scs_section_size  }
0x9a: {  	s5 =	simm.s32 $_size__tile_overlayer_lowered;
	s6 =	simm.s32 $_tile_overlayer_lowered  }
0x9b: {  	s22 =	simm.s32 $0x1BFF;
	s21 =	sshll.u32 s6, $0x1;
	s3 =	sadd.s32 s4, s19  }
0x9c: {  	s7 =	simm.s32 $0x0;
	s20 =	sshll.u32 s5, $0x1;
	s5 =	sadd.s32 s21, s3  }
0x9d: {  	[timem:s7], [sflag:s22] =	dma.local [hbm:s5], s20  }
0x9e: {  	_ =	swait.ge [sflag:s22], s20  }
0x9f: {  	s4 =	ssub.s32 $0x0, s20;
	[sflag:s22] =	ssyncset.done $0x0  }
0xa0: {  	[sflag:s22] =	ssyncadd.s32 s4;
	_ =	sdelay $0x1  }
0xa1: {  	s23 =	simm.s32 $0x1B8B  }
0xa2: {  	_ =	swait.ge [sflag:s23], $0x1  }
0xa3: {  	[sflag:s23] =	ssyncset.done $0x0  }
0xa4: {  	s25 =	simm.s32 $0x1B8E;
	s24 =	sld [smem:$0x3FFE];
	[sflag:s23] =	ssyncadd.s32 $0xFFFFFFFF  }
0xa5: {  	s26 =	simm.s32 $execute0_lowered;
	[smem:$0x3FD2] =	sst s25  }
0xa6: {  	s5 =	sshll.u32 s26, $0x1;
	_ =	strace $0x80000049;
	[dreg:$0x1] =	wrdreg $0xFFFFFFFF  }
0xa7: {  	s28 =	simm.s32 $_size_execute0_lowered;
	s3 =	sadd.s32 s3, s5;
	[dreg:$0x0] =	wrdreg $0x0  }
0xa8: {  	s5 =	sshll.u32 s28, $0x1;
	[dreg:$0x2] =	wrdreg s3  }
0xa9: {  	[dreg:$0x3] =	wrdreg s5  }
0xaa: {  	[dreg:$0x4] =	wrdreg $0xC0  }
0xab: {  	_ =	task [dreg:s7], $0x5FFFF  }
0xac: {  	[dreg:$0x1] =	wrdreg $0xFFFFFFFF  }
0xad: {  	[dreg:$0x0] =	wrdreg $0x60  }
0xae: {  	[dreg:$0x2] =	wrdreg s24  }
0xaf: {  	[dreg:$0x3] =	wrdreg s2  }
0xb0: {  	[dreg:$0x4] =	wrdreg $0x9  }
0xb1: {  	_ =	task.clear_ibuf [dreg:s7], $0x5FFFF;
	_ =	strace $0x90000049  }
0xb2: {  	s29 =	simm.s32 $0x9;
	_ =	strace $0x8000004B  }
0xb3: {  	_ =	swait.ge [sflag:s29], $0x1  }
0xb4: {  	[sflag:s29] =	ssyncadd.s32 $0xFFFFFFFF  }
0xb5: {  	_ =	strace $0x9000004B  }
0xb6: {  	_ =	sfence  }
0xb7: {  	s30 =	sld [smem:$0x0];
	_ =	sdelay $0x2  }
0xb8: {  	s31 =	sshll.u32 s1, $0xD;
	s1 =	sshrl.u32 s1, $0x2  }
0xb9: {  	s3 =	sand.u32 $0x4000, s31;
	s1 =	sadd.s32 s1, s30  }
0xba: {  	s0 =	sor.u32 s3, s0;
	s1 =	sshll.u32 s1, $0x11  }
0xbb: {  	s0 =	sor.u32 s1, s0  }
0xbc: {  	s0 =	sadd.s32 $0x8F2B, s0  }
0xbd: {  	[sflag:s0] =	ssyncadd.remote.s32 $0x1  }
0xbe: {  	_ =	sfence.sel $0xFFFF  }
0xbf: {  	[dreg:$0x0] =	wrdreg $0xFFFFFFFF;
	(pc) =	sbr.abs _section_cstart, $3  }
0xc0: {  	[dreg:$0x1] =	wrdreg $0xFFFFFFFF  }
0xc1: {  	_ =	task.clear_ibuf [dreg:s7], $0x2FFFF;
	_ =	strace $0x9FFFFFFF  }
0xc2: {  	(tm) =	ssettm $0x7FFFFFFF  }
0xc3: {  	_ =	shalt  }
tec
execute0_lowered:
.L_overlay_start_1:
0x0: {  	(tag) =	ssettag $0x1  }
0x1: {  	s0 =	srdreg.scid;
	v0 =	vlaneseq.u32  }
0x2: {  	s2 =	stileid.u32;
	s1 =	rddreg [dreg:$0x0];
	s20 =	simm.s32 $0x80;
	v15 =	vmul.u32 $0x88, v0  }
0x3: {  	v1 =	vimm.s32 $0x0;
	vm0 =	vcmask $0x300;
	s23 =	simm.s32 $0x1;
	s26 =	simm.s32 $0x2;
	s28 =	simm.s32 $0x3  }
0x4: {  	s0 =	sand.u32 $0x1, s0;
	s3 =	sshll.u32 s2, $0x1;
	s2 =	rddreg [dreg:$0x1];
	v1 =	vsel vm0, $0x3, v1;
	v8 =	vadd.s32 $0x880, v15  }
0x5: {  	s6 =	sor.u32 s0, s3;
	s3 =	simm.s32 $0x0;
	s0 =	ssub.s32 $0x2, s0;
	v9 =	vadd.s32 $0x1100, v15;
	v62 =	vadd.s32 $0x1980, v15;
	v53 =	vor.u32 $0x1, v15  }
0x6: {  	s11 =	sadd.s32 $0x1000, s2;
	s12 =	sadd.s32 $0x2000, s2;
	s13 =	sadd.s32 $0x3000, s2;
	v12 =	vadd.s32 $0x881, v15;
	v29 =	vadd.s32 $0x1101, v15;
	v58 =	vadd.s32 $0x1981, v15  }
0x7: {  	s14 =	sadd.s32 $0x4000, s2;
	s15 =	sadd.s32 $0x5000, s2;
	s16 =	sadd.s32 $0x6000, s2;
	v41 =	vor.u32 $0x2, v15;
	v16 =	vadd.s32 $0x882, v15;
	v30 =	vadd.s32 $0x1102, v15  }
0x8: {  	s4 =	smul.u32 $0x6400, s6;
	[smem:$0x7FF] =	sst s3;
	s5 =	sshll.u32 s6, $0xA;
	v60 =	vadd.s32 $0x1982, v15;
	v11 =	vor.u32 $0x3, v15;
	v3 =	vadd.s32 $0x1986, v15  }
0x9: {  	s29 =	simm.s32 $0x0;
	s31 =	sshrl.u32 s0, $0x1;
	v20 =	vadd.s32 $0x883, v15;
	v31 =	vadd.s32 $0x1103, v15;
	v4 =	vadd.s32 $0x1985, v15;
	_ =	strace $0x8000004A;
	[tilespmem:$0x1FFA0] =	vst v3  }
0xa: {  	s6 =	smul.u32 $0xC8, s6;
	v7 =	vadd.s32 $0x1983, v15;
	v19 =	vor.u32 $0x4, v15;
	v13 =	vadd.s32 $0x884, v15;
	s5 =	sand.u32 $0xC00, s5;
	[tilespmem:$0x1FFB0] =	vst v4;
	s7 =	sand.u32 $0xFF000, s4  }
0xb: {  	s17 =	sadd.s32 $0x7000, s2;
	v25 =	vadd.s32 $0x1104, v15;
	v5 =	vadd.s32 $0x1984, v15;
	v63 =	vadd.s32 $0x1987, v15;
	s0 =	ssub.s32 s0, s31;
	[tilespmem:$0x1FFC0] =	vst v58;
	s7 =	sor.u32 s5, s7  }
0xc: {  	v27 =	vor.u32 $0x5, v15;
	v24 =	vadd.s32 $0x885, v15;
	v21 =	vadd.s32 $0x1105, v15;
	[tilespmem:$0x1FFD0] =	vst v63;
	s4 =	sadd.s32 $0xC00, s1;
	s18 =	sor.u32 $0x4, s6;
	s7 =	sshrl.u32 s7, $0x3  }
0xd: {  	v57 =	vor.u32 $0x6, v15;
	v17 =	vadd.s32 $0x886, v15;
	v32 =	vadd.s32 $0x1106, v15;
	[tilespmem:$0x1FFE0] =	vst v5;
	s19 =	smax.u32 s0, $0x1;
	s5 =	sadd.s32 $0xB73000, s1;
	s7 =	sadd.s32 s4, s7  }
0xe: {  	v6 =	vor.u32 $0x7, v15;
	v56 =	vadd.s32 $0x887, v15;
	v28 =	vadd.s32 $0x1107, v15;
	[tilespmem:$0x1FFF0] =	vst v7;
	s8 =	sadd.s32 $0x10, s7;
	s9 =	sadd.s32 $0x20, s7;
	s10 =	sadd.s32 $0x30, s7  }
.LBB2_1:
0xf: {  	[tilespmem:s3], [sflag:$0x1] =	stream.linear.gather [hbm4b:s7+s3], $0x80, $0x38;
	[tilespmem:$0x10A00] =	vst v63  }
0x10: {  	_ = 	snop  }
0x11: {  	[tilespmem:s20], [sflag:$0x1] =	stream.linear.gather [hbm4b:s8+s3], $0x80, $0x38;
	[tilespmem:$0x10A00] =	vst v63  }
0x12: {  	s0 =	simm.s32 $0x100  }
0x13: {  	[tilespmem:s0], [sflag:$0x1] =	stream.linear.gather [hbm4b:s9+s3], $0x80, $0x38;
	[tilespmem:$0x10A00] =	vst v63  }
0x14: {  	s31 =	simm.s32 $0x180  }
0x15: {  	[tilespmem:s31], [sflag:$0x1] =	stream.linear.gather [hbm4b:s10+s3], $0x80, $0x38;
	[tilespmem:$0x10A00] =	vst v63  }
0x16: {  	_ =	swait.ge [sflag:s23], $0x80  }
0x17: {  	[sflag:s23] =	ssyncset.done $0x0  }
0x18: {  	p0 =	por $0x1, $0x1;
	s0 =	simm.s32 $0x0;
	[sflag:s23] =	ssyncadd.s32 $0xFFFFFF80  }
.LBB2_2:
0x19: {  	v33 =	vld [tilespmem:s0+$0x0]  }
0x1a: {  	v34 =	vld [tilespmem:s0+$0x10]  }
0x1b: {  	v35 =	vld [tilespmem:s0+$0x20]  }
0x1c: {  	v36 =	vld [tilespmem:s0+$0x30];
	_ =	sdelay $0x2  }
0x1d: {  	vm0 =	vlt.s32 v33, $0x7A120;
	v33 =	vshll.u32 v33, $0x1;
	v37 =	vshll.u32 v34, $0x1  }
0x1e: {  	p1 =	por p0, p0;
	vm1 =	vlt.s32 v34, $0x7A120;
	v55 =	vshll.u32 v35, $0x1;
	v38 =	vadd.s32 $0xFFF0BDC1, v33  }
.Ltmp0:
0x1f: {  	v59 =	vshll.u32 v36, $0x1;
	v54 =	vadd.s32 $0xFFF0BDC1, v37;
	v33 =	vsel vm0, v33, v38;
	(pc) =	sbr.rel @p1 .LBB2_2-.Ltmp0, $4  }
0x20: {  	vm15 =	vlt.s32 v36, $0x7A120;
	v61 =	vadd.s32 $0xFFF0BDC1, v59;
	v34 =	vsel vm1, v37, v54;
	[tilespmem:s0+$0x0] =	vst v33  }
0x21: {  	vm14 =	vlt.s32 v35, $0x7A120;
	v58 =	vadd.s32 $0xFFF0BDC1, v55;
	v63 =	vsel vm15, v59, v61;
	[tilespmem:s0+$0x10] =	vst v34  }
0x22: {  	v33 =	vsel vm14, v55, v58;
	[tilespmem:s0+$0x30] =	vst v63  }
0x23: {  	p0 =	por $0x0, $0x0;
	[tilespmem:s0+$0x20] =	vst v33;
	s0 =	simm.s32 $0x40  }
0x24: {  	s0 =	simm.s32 $0x0;
	s1 =	simm.s32 $0x200  }
0x25: {  	[tilespmem:s1], [sflag:$0x2] =	stream.indirect.gather [hbm4b:s5+s20], $0x40, s0, s20, $0xb8;
	[tilespmem:$0x10A00] =	vst v63  }
0x26: {  	_ =	swait.ge [sflag:s23], $0x80  }
0x27: {  	[sflag:s23] =	ssyncset.done $0x0  }
0x28: {  	p0 =	por $0x1, $0x1;
	[sflag:s23] =	ssyncadd.s32 $0xFFFFFF80  }
.LBB2_4:
0x29: {  	v33 =	vld [tilespmem:s0+$0x80]  }
0x2a: {  	v34 =	vld [tilespmem:s0+$0x90]  }
0x2b: {  	v35 =	vld [tilespmem:s0+$0xA0]  }
0x2c: {  	v36 =	vld [tilespmem:s0+$0xB0];
	_ =	sdelay $0x2  }
0x2d: {  	vm0 =	vlt.s32 v33, $0x7A120;
	v33 =	vshll.u32 v33, $0x1;
	v37 =	vshll.u32 v34, $0x1  }
0x2e: {  	p1 =	por p0, p0;
	vm1 =	vlt.s32 v34, $0x7A120;
	v55 =	vshll.u32 v35, $0x1;
	v38 =	vadd.s32 $0xFFF0BDC1, v33  }
.Ltmp1:
0x2f: {  	v59 =	vshll.u32 v36, $0x1;
	v54 =	vadd.s32 $0xFFF0BDC1, v37;
	v33 =	vsel vm0, v33, v38;
	(pc) =	sbr.rel @p1 .LBB2_4-.Ltmp1, $4  }
0x30: {  	vm15 =	vlt.s32 v36, $0x7A120;
	v61 =	vadd.s32 $0xFFF0BDC1, v59;
	v34 =	vsel vm1, v37, v54;
	[tilespmem:s0+$0x80] =	vst v33  }
0x31: {  	vm14 =	vlt.s32 v35, $0x7A120;
	v58 =	vadd.s32 $0xFFF0BDC1, v55;
	v63 =	vsel vm15, v59, v61;
	[tilespmem:s0+$0x90] =	vst v34  }
0x32: {  	v33 =	vsel vm14, v55, v58;
	[tilespmem:s0+$0xB0] =	vst v63  }
0x33: {  	p0 =	por $0x0, $0x0;
	[tilespmem:s0+$0xA0] =	vst v33;
	s0 =	simm.s32 $0x40  }
0x34: {  	s0 =	simm.s32 $0x2200;
	s30 =	simm.s32 $0x0;
	s31 =	simm.s32 $0x0  }
0x35: {  	[tilespmem:s0], [sflag:$0x2] =	stream.indirect.gather [hbm4b:s5+s20], $0x40, s20, s20, $0xb8;
	[tilespmem:$0x10A00] =	vst v63  }
.LBB2_6:
0x36: {  	p0 =	slt.u32 s31, $0x2  }
0x37: {  	s1 =	simm.s32 @!p0 $0x3  }
0x38: {  	_ =	swait.ge @!p0 [sflag:s1], $0x400  }
0x39: {  	[sflag:s1] =	ssyncset.done @!p0 $0x0  }
0x3a: {  	[sflag:s1] =	ssyncadd.s32 @!p0 $0xFFFFFC00  }
0x3b: {  	_ =	swait.ge @!p0 [sflag:s1], $0x400  }
0x3c: {  	[sflag:s1] =	ssyncset.done @!p0 $0x0  }
0x3d: {  	[sflag:s1] =	ssyncadd.s32 @!p0 $0xFFFFFC00  }
0x3e: {  	_ =	swait.ge @!p0 [sflag:s1], $0x400  }
0x3f: {  	[sflag:s1] =	ssyncset.done @!p0 $0x0  }
0x40: {  	[sflag:s1] =	ssyncadd.s32 @!p0 $0xFFFFFC00  }
0x41: {  	_ =	swait.ge @!p0 [sflag:s1], $0x400  }
0x42: {  	[sflag:s1] =	ssyncset.done @!p0 $0x0  }
0x43: {  	[sflag:s1] =	ssyncadd.s32 @!p0 $0xFFFFFC00  }
0x44: {  	_ =	swait.ge @!p0 [sflag:s1], $0x400  }
0x45: {  	[sflag:s1] =	ssyncset.done @!p0 $0x0  }
0x46: {  	[sflag:s1] =	ssyncadd.s32 @!p0 $0xFFFFFC00  }
0x47: {  	_ =	swait.ge @!p0 [sflag:s1], $0x400  }
0x48: {  	[sflag:s1] =	ssyncset.done @!p0 $0x0  }
0x49: {  	p1 =	sgt.u32 @!p0 s31, $0xC5;
	[sflag:s1] =	ssyncadd.s32 @!p0 $0xFFFFFC00  }
0x4a: {  	p1 =	por p0, !p1;
	_ =	swait.ge @!p0 [sflag:s1], $0x400  }
.Ltmp2:
0x4b: {  	[sflag:s1] =	ssyncset.done @!p0 $0x0;
	(pc) =	sbr.rel @!p1 .LBB2_10-.Ltmp2, $4  }
0x4c: {  	[sflag:s1] =	ssyncadd.s32 @!p0 $0xFFFFFC00  }
0x4d: {  	_ =	swait.ge @!p0 [sflag:s1], $0x400  }
0x4e: {  	[sflag:s1] =	ssyncset.done @!p0 $0x0  }
0x4f: {  	v18 =	vmov v60;
	v22 =	vmov v62;
	s0 =	sand.u32 $0x3, s31;
	[sflag:s1] =	ssyncadd.s32 @!p0 $0xFFFFFC00  }
0x50: {  	s1 =	sxor.u32 $0x2, s0  }
0x51: {  	s21 =	sshll.u32 s1, $0x7  }
0x52: {  	v33 =	vmov s21;
	_ =	sdelay $0x1  }
0x53: {  	_ =	swait.ge [sflag:s23], $0x80  }
0x54: {  	[sflag:s23] =	ssyncset.done $0x0  }
0x55: {  	s22 =	simm.s32 $0x0;
	p0 =	por $0x1, $0x1;
	[sflag:s23] =	ssyncadd.s32 $0xFFFFFF80  }
.LBB2_8:
0x56: {  	v34 =	vld.idx.msk [tilespmem:v33+s22+$0x0 ss:$0x1], $0xffff  }
0x57: {  	v35 =	vld.idx.msk [tilespmem:v33+s22+$0x10 ss:$0x1], $0xffff  }
0x58: {  	v36 =	vld.idx.msk [tilespmem:v33+s22+$0x20 ss:$0x1], $0xffff  }
0x59: {  	v37 =	vld.idx.msk [tilespmem:v33+s22+$0x30 ss:$0x1], $0xffff;
	_ =	sdelay $0x2  }
0x5a: {  	vm0 =	vlt.s32 v34, $0x7A120;
	v34 =	vshll.u32 v34, $0x1;
	v38 =	vshll.u32 v35, $0x1  }
0x5b: {  	p1 =	por p0, p0;
	vm1 =	vlt.s32 v35, $0x7A120;
	v59 =	vshll.u32 v36, $0x1;
	v39 =	vadd.s32 $0xFFF0BDC1, v34  }
.Ltmp3:
0x5c: {  	v61 =	vshll.u32 v37, $0x1;
	v58 =	vadd.s32 $0xFFF0BDC1, v38;
	v34 =	vsel vm0, v34, v39;
	(pc) =	sbr.rel @p1 .LBB2_8-.Ltmp3, $4  }
0x5d: {  	vm15 =	vlt.s32 v37, $0x7A120;
	v62 =	vadd.s32 $0xFFF0BDC1, v61;
	v35 =	vsel vm1, v38, v58;
	[tilespmem:v33+s22+$0x0 ss:$0x1] =	vst.idx.msk $0xffff, v34  }
0x5e: {  	vm14 =	vlt.s32 v36, $0x7A120;
	v60 =	vadd.s32 $0xFFF0BDC1, v59;
	v63 =	vsel vm15, v61, v62;
	[tilespmem:v33+s22+$0x10 ss:$0x1] =	vst.idx.msk $0xffff, v35  }
0x5f: {  	v34 =	vsel vm14, v59, v60;
	[tilespmem:v33+s22+$0x30 ss:$0x1] =	vst.idx.msk $0xffff, v63  }
0x60: {  	p0 =	por $0x0, $0x0;
	[tilespmem:v33+s22+$0x20 ss:$0x1] =	vst.idx.msk $0xffff, v34;
	s22 =	simm.s32 $0x40  }
0x61: {  	s1 =	sshll.u32 s1, $0xD  }
0x62: {  	s1 =	sor.u32 $0x200, s1  }
0x63: {  	[tilespmem:s1], [sflag:$0x2] =	stream.indirect.gather [hbm4b:s5+s20], $0x40, s21, s20, $0xb8;
	[tilespmem:$0x10A00] =	vst v63  }
.LBB2_10:
0x64: {  	s1 =	simm.s32 $0x0;
	s25 =	simm.s32 $0x1  }
0x65: {  	s21 =	simm.s32 $0x2;
	s22 =	simm.s32 $0x3;
	s24 =	simm.s32 $0x5;
	v33 =	vmov s1;
	v34 =	vmov s25  }
0x66: {  	v35 =	vmov s21;
	v36 =	vmov s22;
	s22 =	simm.s32 $0x4;
	s25 =	simm.s32 $0x6;
	v38 =	vmov s24  }
0x67: {  	s21 =	simm.s32 $0x7;
	v33 =	vshrl.u32 v33, $0x3;
	v37 =	vmov s22;
	v39 =	vmov s25  }
0x68: {  	_ =	swait.ge [sflag:s26], $0x2000;
	s22 =	sand.u32 $0x3, s30;
	v34 =	vshrl.u32 v34, $0x3;
	v40 =	vmov s21;
	v35 =	vshrl.u32 v35, $0x3  }
0x69: {  	[sflag:s26] =	ssyncset.done $0x0;
	v36 =	vshrl.u32 v36, $0x3;
	v38 =	vshrl.u32 v38, $0x3;
	s24 =	sshll.u32 s22, $0xD;
	v40 =	vshrl.u32 v40, $0x3  }
0x6a: {  	[sflag:s26] =	ssyncadd.s32 $0xFFFFE000;
	v33 =	vshll.u32 v33, v1;
	v37 =	vshrl.u32 v37, $0x3;
	s22 =	sor.u32 $0x300, s24;
	v40 =	vshll.u32 v40, v1  }
0x6b: {  	v42 =	vshrl.u32 v39, $0x3;
	v34 =	vshll.u32 v34, v1;
	v59 =	vld [tilespmem:s22+$0xC0];
	v26 =	vbroadcast v40, $0x0  }
0x6c: {  	v35 =	vshll.u32 v35, v1;
	v36 =	vshll.u32 v36, v1;
	v14 =	vbroadcast v33, $0x0;
	v43 =	vld [tilespmem:s22+$0xFFFFFF00]  }
0x6d: {  	v60 =	vshll.u32 v38, v1;
	v10 =	vbroadcast v34, $0x0;
	v45 =	vld [tilespmem:s22+$0xFFFFFF40];
	v46 =	vadd.s32 v6, v26  }
0x6e: {  	s0 =	smul.u32 $0x8800, s0;
	v44 =	vshll.u32 v37, v1;
	v37 =	vbroadcast v35, $0x0;
	v47 =	vld [tilespmem:s22+$0xFFFFFF80];
	v61 =	vadd.s32 v15, v14  }
0x6f: {  	v42 =	vshll.u32 v42, v1;
	v36 =	vbroadcast v36, $0x0;
	v49 =	vld [tilespmem:s22+$0xFFFFFFC0];
	v48 =	vadd.s32 v53, v10  }
0x70: {  	s1 =	sshrl.u32 s0, $0x2;
	v51 =	vld [tilespmem:s22+$0x0];
	v35 =	vbroadcast v44, $0x0;
	v50 =	vadd.s32 v41, v37;
	v62 =	vmul.f32 $8.000000000e+00, v59  }
0x71: {  	s0 =	sadd.s32 $0x8200, s1;
	v33 =	vbroadcast v60, $0x0;
	v63 =	vld [tilespmem:s22+$0x40];
	v52 =	vadd.s32 v11, v36;
	v43 =	vmul.f32 $8.000000000e+00, v43  }
0x72: {  	v55 =	vld [tilespmem:s22+$0x80];
	v34 =	vbroadcast v42, $0x0;
	v54 =	vadd.s32 v19, v35;
	v45 =	vmul.f32 $8.000000000e+00, v45;
	[tilespmem:v46+s0+$0x0] =	vst.idx.msk $0xffff, v62  }
0x73: {  	v59 =	vmul.f32 $8.000000000e+00, v47;
	[tilespmem:v61+s0+$0x0] =	vst.idx.msk $0xffff, v43;
	v43 =	vadd.s32 v27, v33;
	v44 =	vld [tilespmem:s22+$0xD0]  }
0x74: {  	v47 =	vadd.s32 v57, v34;
	[tilespmem:v48+s0+$0x0] =	vst.idx.msk $0xffff, v45;
	v61 =	vmul.f32 $8.000000000e+00, v49;
	v60 =	vld [tilespmem:s22+$0xFFFFFF10]  }
0x75: {  	s25 =	simm.s32 $0x8;
	[tilespmem:v50+s0+$0x0] =	vst.idx.msk $0xffff, v59;
	v62 =	vmul.f32 $8.000000000e+00, v51;
	v50 =	vadd.s32 v56, v26;
	v49 =	vld [tilespmem:s22+$0xFFFFFF50]  }
0x76: {  	v23 =	vmovc v57;
	v4 =	vmovc v56;
	v58 =	vmov s25;
	v63 =	vmul.f32 $8.000000000e+00, v63;
	v56 =	vadd.s32 v8, v14;
	v57 =	vld [tilespmem:s22+$0xFFFFFF90];
	[tilespmem:v52+s0+$0x0] =	vst.idx.msk $0xffff, v61  }
0x77: {  	v5 =	vmovc v53;
	v42 =	vshrl.u32 v58, $0x3;
	v53 =	vadd.s32 v12, v10;
	v38 =	vmul.f32 $8.000000000e+00, v55;
	[tilespmem:v54+s0+$0x0] =	vst.idx.msk $0xffff, v62;
	v58 =	vld [tilespmem:s22+$0xFFFFFFD0]  }
0x78: {  	v55 =	vadd.s32 v16, v37;
	v59 =	vld [tilespmem:s22+$0x10];
	[tilespmem:v43+s0+$0x0] =	vst.idx.msk $0xffff, v63;
	v43 =	vmul.f32 $8.000000000e+00, v44  }
0x79: {  	s24 =	simm.s32 $0x9;
	v46 =	vadd.s32 v20, v36;
	[tilespmem:v47+s0+$0x0] =	vst.idx.msk $0xffff, v38;
	v45 =	vmul.f32 $8.000000000e+00, v60;
	v60 =	vld [tilespmem:s22+$0x50]  }
0x7a: {  	s25 =	simm.s32 $0xA;
	v48 =	vmov s24;
	v61 =	vld [tilespmem:s22+$0x90];
	v39 =	vmul.f32 $8.000000000e+00, v49;
	v49 =	vadd.s32 v13, v35;
	[tilespmem:v50+s0+$0x0] =	vst.idx.msk $0xffff, v43  }
0x7b: {  	v51 =	vmov s25;
	s24 =	simm.s32 $0xB;
	v63 =	vmul.f32 $8.000000000e+00, v57;
	[tilespmem:v56+s0+$0x0] =	vst.idx.msk $0xffff, v45;
	v45 =	vadd.s32 v24, v33;
	v50 =	vld [tilespmem:s22+$0xE0]  }
0x7c: {  	v52 =	vmov s24;
	[tilespmem:v53+s0+$0x0] =	vst.idx.msk $0xffff, v39;
	v39 =	vmul.f32 $8.000000000e+00, v58;
	v53 =	vadd.s32 v17, v34;
	v56 =	vld [tilespmem:s22+$0xFFFFFF20]  }
0x7d: {  	s25 =	simm.s32 $0xC;
	v43 =	vshll.u32 v42, v1;
	[tilespmem:v55+s0+$0x0] =	vst.idx.msk $0xffff, v63;
	v42 =	vmul.f32 $8.000000000e+00, v59;
	v55 =	vadd.s32 v28, v26;
	v57 =	vld [tilespmem:s22+$0xFFFFFF60]  }
0x7e: {  	v54 =	vmov s25;
	s24 =	simm.s32 $0xD;
	v58 =	vadd.s32 v9, v14;
	v59 =	vld [tilespmem:s22+$0xFFFFFFA0];
	[tilespmem:v46+s0+$0x0] =	vst.idx.msk $0xffff, v39;
	v46 =	vmul.f32 $8.000000000e+00, v60  }
0x7f: {  	v62 =	vadd.s32 v29, v10;
	v44 =	vmov s24;
	v47 =	vmul.f32 $8.000000000e+00, v61;
	[tilespmem:v49+s0+$0x0] =	vst.idx.msk $0xffff, v42  }
0x80: {  	s25 =	simm.s32 $0xE;
	v61 =	vshrl.u32 v44, $0x3;
	v49 =	vadd.s32 v30, v37;
	[tilespmem:v45+s0+$0x0] =	vst.idx.msk $0xffff, v46;
	v44 =	vmul.f32 $8.000000000e+00, v50  }
0x81: {  	v38 =	vmov s25;
	[tilespmem:v53+s0+$0x0] =	vst.idx.msk $0xffff, v47;
	v50 =	vmul.f32 $8.000000000e+00, v56  }
0x82: {  	v42 =	vshrl.u32 v38, $0x3;
	v38 =	vbroadcast v43, $0x0;
	v43 =	vmul.f32 $8.000000000e+00, v57;
	[tilespmem:v55+s0+$0x0] =	vst.idx.msk $0xffff, v44  }
0x83: {  	v63 =	vld [tilespmem:s22+$0xFFFFFFE0];
	v59 =	vmul.f32 $8.000000000e+00, v59;
	[tilespmem:v58+s0+$0x0] =	vst.idx.msk $0xffff, v50  }
0x84: {  	v39 =	vld [tilespmem:s22+$0x20];
	[tilespmem:v62+s0+$0x0] =	vst.idx.msk $0xffff, v43  }
0x85: {  	v56 =	vadd.s32 v31, v36;
	v40 =	vld [tilespmem:s22+$0x60];
	[tilespmem:v49+s0+$0x0] =	vst.idx.msk $0xffff, v59  }
0x86: {  	v0 =	vld [tilespmem:$0x1FFD0]  }
0x87: {  	v60 =	vld [tilespmem:s22+$0xA0]  }
0x88: {  	v57 =	vadd.s32 v25, v35;
	v62 =	vmul.f32 $8.000000000e+00, v63;
	v55 =	vld [tilespmem:s22+$0xF0]  }
0x89: {  	v52 =	vshrl.u32 v52, $0x3;
	v50 =	vld [tilespmem:s22+$0xFFFFFF30]  }
0x8a: {  	v45 =	vshll.u32 v52, v1;
	v52 =	vld [tilespmem:s22+$0xFFFFFF70];
	[tilespmem:v56+s0+$0x0] =	vst.idx.msk $0xffff, v62  }
0x8b: {  	v63 =	vmul.f32 $8.000000000e+00, v39;
	v53 =	vadd.s32 v0, v26;
	v0 =	vld [tilespmem:$0x1FFC0]  }
0x8c: {  	v49 =	vld [tilespmem:s22+$0xFFFFFFB0]  }
0x8d: {  	v48 =	vshrl.u32 v48, $0x3;
	v56 =	vld [tilespmem:s22+$0xFFFFFFF0];
	[tilespmem:v57+s0+$0x0] =	vst.idx.msk $0xffff, v63  }
0x8e: {  	v7 =	vmovc v41;
	v51 =	vshrl.u32 v51, $0x3;
	v41 =	vshrl.u32 v54, $0x3;
	v54 =	vadd.s32 v21, v33;
	v26 =	vld [tilespmem:$0x1FFF0]  }
0x8f: {  	v47 =	vshll.u32 v48, v1;
	v46 =	vshll.u32 v41, v1;
	v48 =	vadd.s32 v22, v14;
	v14 =	vld [tilespmem:$0x1FFB0]  }
0x90: {  	v44 =	vshll.u32 v51, v1;
	v51 =	vadd.s32 v32, v34;
	v41 =	vadd.s32 v0, v10;
	v10 =	vld [tilespmem:$0x1FFE0]  }
0x91: {  	v3 =	vmovc v32;
	s21 =	sadd.s32 s6, s31;
	s25 =	simm.s32 $0xF;
	s24 =	simm.s32 $0x10;
	v43 =	vshll.u32 v61, v1;
	v39 =	vmul.f32 $8.000000000e+00, v40;
	v40 =	vmul.f32 $8.000000000e+00, v60;
	v32 =	vld [tilespmem:$0x1FFA0]  }
.LBB2_11:
0x92: {  	_ = 	snop  }
0x93: {  	v57 =	vmov s25  }
0x94: {  	v37 =	vadd.s32 v18, v37;
	v58 =	vld [tilespmem:s22+$0x30];
	v36 =	vadd.s32 v26, v36;
	[tilespmem:v54+s0+$0x0] =	vst.idx.msk $0xffff, v39;
	v60 =	vmul.f32 $8.000000000e+00, v55  }
0x95: {  	v35 =	vadd.s32 v10, v35;
	v61 =	vshrl.u32 v57, $0x3;
	[tilespmem:v51+s0+$0x0] =	vst.idx.msk $0xffff, v40;
	v62 =	vld [tilespmem:s22+$0x70];
	v50 =	vmul.f32 $8.000000000e+00, v50  }
0x96: {  	v39 =	vmov v38;
	v38 =	vshll.u32 v61, v1;
	v63 =	vmul.f32 $8.000000000e+00, v52;
	v52 =	vld [tilespmem:s22+$0xB0];
	s22 =	sadd.s32 $0x200, s22;
	[tilespmem:v53+s0+$0x0] =	vst.idx.msk $0xffff, v60  }
0x97: {  	v33 =	vadd.s32 v14, v33;
	v40 =	vbroadcast v38, $0x0;
	v54 =	vmul.f32 $8.000000000e+00, v49;
	[tilespmem:v48+s0+$0x0] =	vst.idx.msk $0xffff, v50;
	v53 =	vld [tilespmem:s22+$0xC0]  }
0x98: {  	v42 =	vshll.u32 v42, v1;
	v34 =	vadd.s32 v32, v34;
	v57 =	vmul.f32 $8.000000000e+00, v56;
	[tilespmem:v41+s0+$0x0] =	vst.idx.msk $0xffff, v63;
	v48 =	vld [tilespmem:s22+$0xFFFFFF00]  }
0x99: {  	v41 =	vbroadcast v47, $0x0;
	v47 =	vadd.s32 v6, v40;
	[tilespmem:v37+s0+$0x0] =	vst.idx.msk $0xffff, v54;
	v60 =	vmul.f32 $8.000000000e+00, v58;
	v59 =	vld [tilespmem:s22+$0xFFFFFF40]  }
0x9a: {  	v51 =	vadd.s32 v15, v39;
	v37 =	vbroadcast v44, $0x0;
	[tilespmem:v36+s0+$0x0] =	vst.idx.msk $0xffff, v57;
	v61 =	vld [tilespmem:s22+$0xFFFFFF80];
	v62 =	vmul.f32 $8.000000000e+00, v62  }
0x9b: {  	v36 =	vbroadcast v45, $0x0;
	v63 =	vld [tilespmem:s22+$0xFFFFFFC0];
	v49 =	vadd.s32 v5, v41;
	[tilespmem:v35+s0+$0x0] =	vst.idx.msk $0xffff, v60;
	v56 =	vmul.f32 $8.000000000e+00, v52  }
0x9c: {  	v45 =	vadd.s32 v7, v37;
	v35 =	vbroadcast v46, $0x0;
	v52 =	vld [tilespmem:s22+$0x0];
	[tilespmem:v33+s0+$0x0] =	vst.idx.msk $0xffff, v62;
	v57 =	vmul.f32 $8.000000000e+00, v53  }
0x9d: {  	v33 =	vbroadcast v43, $0x0;
	[tilespmem:v34+s0+$0x0] =	vst.idx.msk $0xffff, v56;
	v58 =	vmul.f32 $8.000000000e+00, v48;
	v48 =	vadd.s32 v11, v36;
	v53 =	vld [tilespmem:s22+$0x40]  }
0x9e: {  	v43 =	vadd.s32 v19, v35;
	v34 =	vbroadcast v42, $0x0;
	v59 =	vmul.f32 $8.000000000e+00, v59;
	v50 =	vld [tilespmem:s22+$0x80];
	[tilespmem:v47+s0+$0x0] =	vst.idx.msk $0xffff, v57  }
0x9f: {  	v62 =	vadd.s32 v27, v33;
	v61 =	vmul.f32 $8.000000000e+00, v61;
	[tilespmem:v51+s0+$0x0] =	vst.idx.msk $0xffff, v58;
	v47 =	vld [tilespmem:s22+$0xD0]  }
0xa0: {  	v60 =	vmov s24;
	v63 =	vmul.f32 $8.000000000e+00, v63;
	[tilespmem:v49+s0+$0x0] =	vst.idx.msk $0xffff, v59;
	v49 =	vadd.s32 v23, v34;
	v51 =	vld [tilespmem:s22+$0xFFFFFF10]  }
0xa1: {  	v42 =	vshrl.u32 v60, $0x3;
	[tilespmem:v45+s0+$0x0] =	vst.idx.msk $0xffff, v61;
	v60 =	vmul.f32 $8.000000000e+00, v52;
	v45 =	vadd.s32 v4, v40;
	v55 =	vld [tilespmem:s22+$0xFFFFFF50]  }
0xa2: {  	v56 =	vadd.s32 v8, v39;
	v57 =	vld [tilespmem:s22+$0xFFFFFF90];
	[tilespmem:v48+s0+$0x0] =	vst.idx.msk $0xffff, v63;
	v61 =	vmul.f32 $8.000000000e+00, v53  }
0xa3: {  	[tilespmem:v43+s0+$0x0] =	vst.idx.msk $0xffff, v60;
	v53 =	vadd.s32 v12, v41;
	v43 =	vmul.f32 $8.000000000e+00, v50;
	v58 =	vld [tilespmem:s22+$0xFFFFFFD0]  }
0xa4: {  	s25 =	sadd.s32 $0x1, s24;
	v50 =	vadd.s32 v16, v37;
	v59 =	vld [tilespmem:s22+$0x10];
	[tilespmem:v62+s0+$0x0] =	vst.idx.msk $0xffff, v61;
	v38 =	vmul.f32 $8.000000000e+00, v47  }
0xa5: {  	v54 =	vmov s25;
	s25 =	sadd.s32 $0x2, s24;
	[tilespmem:v49+s0+$0x0] =	vst.idx.msk $0xffff, v43;
	v47 =	vmul.f32 $8.000000000e+00, v51;
	v51 =	vadd.s32 v20, v36  }
0xa6: {  	v52 =	vmov s25;
	s25 =	sadd.s32 $0x3, s24;
	v60 =	vld [tilespmem:s22+$0x50];
	v49 =	vmul.f32 $8.000000000e+00, v55;
	v55 =	vadd.s32 v13, v35;
	[tilespmem:v45+s0+$0x0] =	vst.idx.msk $0xffff, v38  }
0xa7: {  	v48 =	vmov s25;
	s25 =	sadd.s32 $0x4, s24;
	v61 =	vld [tilespmem:s22+$0x90];
	v62 =	vmul.f32 $8.000000000e+00, v57;
	[tilespmem:v56+s0+$0x0] =	vst.idx.msk $0xffff, v47  }
0xa8: {  	v44 =	vmov s25;
	[tilespmem:v53+s0+$0x0] =	vst.idx.msk $0xffff, v49;
	v56 =	vld [tilespmem:s22+$0xFFFFFF20];
	v63 =	vmul.f32 $8.000000000e+00, v58  }
0xa9: {  	s25 =	sadd.s32 $0x5, s24;
	v38 =	vshll.u32 v42, v1;
	v45 =	vadd.s32 v24, v33;
	[tilespmem:v50+s0+$0x0] =	vst.idx.msk $0xffff, v62;
	v42 =	vmul.f32 $8.000000000e+00, v59;
	v47 =	vld [tilespmem:s22+$0xE0]  }
0xaa: {  	v46 =	vmov s25;
	s25 =	sadd.s32 $0x6, s24;
	v53 =	vadd.s32 v17, v34;
	v59 =	vld [tilespmem:s22+$0xFFFFFFA0];
	[tilespmem:v51+s0+$0x0] =	vst.idx.msk $0xffff, v63  }
0xab: {  	v43 =	vmov s25;
	v50 =	vadd.s32 v28, v40;
	v58 =	vadd.s32 v9, v39;
	[tilespmem:v55+s0+$0x0] =	vst.idx.msk $0xffff, v42;
	v62 =	vld [tilespmem:s22+$0xFFFFFFE0]  }
0xac: {  	v49 =	vmul.f32 $8.000000000e+00, v60;
	v60 =	vshrl.u32 v44, $0x3;
	v44 =	vmul.f32 $8.000000000e+00, v61;
	v63 =	vld [tilespmem:s22+$0x20]  }
0xad: {  	v57 =	vld [tilespmem:s22+$0xFFFFFF60];
	v42 =	vshrl.u32 v43, $0x3;
	v43 =	vmul.f32 $8.000000000e+00, v56;
	v56 =	vadd.s32 v31, v36  }
0xae: {  	[tilespmem:v45+s0+$0x0] =	vst.idx.msk $0xffff, v49  }
0xaf: {  	v51 =	vadd.s32 v29, v41;
	[tilespmem:v53+s0+$0x0] =	vst.idx.msk $0xffff, v44;
	v45 =	vmul.f32 $8.000000000e+00, v47;
	v0 =	vld [tilespmem:s22+$0x60]  }
0xb0: {  	v61 =	vshrl.u32 v46, $0x3;
	v46 =	vadd.s32 v30, v37;
	v2 =	vld [tilespmem:s22+$0xA0];
	[tilespmem:v58+s0+$0x0] =	vst.idx.msk $0xffff, v43;
	v58 =	vmul.f32 $8.000000000e+00, v62  }
0xb1: {  	v54 =	vshrl.u32 v54, $0x3;
	[tilespmem:v50+s0+$0x0] =	vst.idx.msk $0xffff, v45;
	v43 =	vmul.f32 $8.000000000e+00, v59;
	v59 =	vmul.f32 $8.000000000e+00, v63;
	v63 =	vld [tilespmem:$0x1FFD0]  }
0xb2: {  	p0 =	slt.u32 s24, $0x78;
	v52 =	vshrl.u32 v52, $0x3;
	v49 =	vmul.f32 $8.000000000e+00, v57;
	v57 =	vadd.s32 v25, v35;
	[tilespmem:v56+s0+$0x0] =	vst.idx.msk $0xffff, v58;
	v58 =	vld [tilespmem:$0x1FFC0]  }
.Ltmp4:
0xb3: {  	v44 =	vshll.u32 v52, v1;
	v47 =	vshll.u32 v54, v1;
	v55 =	vld [tilespmem:s22+$0xF0];
	(pc) =	sbr.rel @p0 .LBB2_11-.Ltmp4, $4  }
0xb4: {  	v48 =	vshrl.u32 v48, $0x3;
	v54 =	vadd.s32 v21, v33;
	[tilespmem:v51+s0+$0x0] =	vst.idx.msk $0xffff, v49;
	v51 =	vadd.s32 v3, v34;
	v50 =	vld [tilespmem:s22+$0xFFFFFF30]  }
0xb5: {  	v38 =	vbroadcast v38, $0x0;
	v45 =	vshll.u32 v48, v1;
	v48 =	vadd.s32 v22, v39;
	v52 =	vld [tilespmem:s22+$0xFFFFFF70];
	[tilespmem:v46+s0+$0x0] =	vst.idx.msk $0xffff, v43  }
0xb6: {  	v46 =	vshll.u32 v60, v1;
	v43 =	vshll.u32 v61, v1;
	v49 =	vld [tilespmem:s22+$0xFFFFFFB0];
	v39 =	vmul.f32 $8.000000000e+00, v0  }
0xb7: {  	s25 =	sadd.s32 $0x7, s24;
	s24 =	sadd.s32 $0x8, s24;
	[tilespmem:v57+s0+$0x0] =	vst.idx.msk $0xffff, v59;
	v56 =	vld [tilespmem:s22+$0xFFFFFFF0];
	v53 =	vadd.s32 v63, v40;
	v40 =	vmul.f32 $8.000000000e+00, v2;
	v41 =	vadd.s32 v58, v41  }
0xb8: {  	_ =	sdelay $0x3  }
0xb9: {  	v0 =	vmov s25;
	v2 =	vadd.s32 v18, v37;
	v57 =	vld [tilespmem:s22+$0x30];
	[tilespmem:v54+s0+$0x0] =	vst.idx.msk $0xffff, v39;
	v59 =	vmul.f32 $8.000000000e+00, v55  }
0xba: {  	v36 =	vadd.s32 v26, v36;
	v0 =	vshrl.u32 v0, $0x3;
	v50 =	vmul.f32 $8.000000000e+00, v50;
	v54 =	vld [tilespmem:s22+$0x70];
	[tilespmem:v51+s0+$0x0] =	vst.idx.msk $0xffff, v40  }
0xbb: {  	v35 =	vadd.s32 v10, v35;
	s24 =	sadd.s32 $0x200, s22;
	v0 =	vshll.u32 v0, v1;
	v61 =	vmul.f32 $8.000000000e+00, v52;
	v51 =	vld [tilespmem:s22+$0xB0];
	[tilespmem:v53+s0+$0x0] =	vst.idx.msk $0xffff, v59  }
0xbc: {  	v33 =	vadd.s32 v14, v33;
	v39 =	vld [tilespmem:s24+$0xC0];
	v0 =	vbroadcast v0, $0x0;
	[tilespmem:v48+s0+$0x0] =	vst.idx.msk $0xffff, v50;
	v53 =	vmul.f32 $8.000000000e+00, v49  }
0xbd: {  	v42 =	vshll.u32 v42, v1;
	v34 =	vadd.s32 v32, v34;
	v49 =	vld [tilespmem:s24+$0xFFFFFF00];
	[tilespmem:v41+s0+$0x0] =	vst.idx.msk $0xffff, v61;
	v55 =	vmul.f32 $8.000000000e+00, v56  }
0xbe: {  	v47 =	vbroadcast v47, $0x0;
	v41 =	vld [tilespmem:s24+$0xFFFFFF40];
	v50 =	vadd.s32 v6, v0;
	[tilespmem:v2+s0+$0x0] =	vst.idx.msk $0xffff, v53;
	v2 =	vmul.f32 $8.000000000e+00, v57  }
0xbf: {  	v37 =	vadd.s32 v15, v38;
	v44 =	vbroadcast v44, $0x0;
	v48 =	vld [tilespmem:s24+$0xFFFFFF80];
	[tilespmem:v36+s0+$0x0] =	vst.idx.msk $0xffff, v55;
	v56 =	vmul.f32 $8.000000000e+00, v54  }
0xc0: {  	v45 =	vbroadcast v45, $0x0;
	v59 =	vld [tilespmem:s24+$0xFFFFFFC0];
	v57 =	vadd.s32 v5, v47;
	[tilespmem:v35+s0+$0x0] =	vst.idx.msk $0xffff, v2;
	v2 =	vmul.f32 $8.000000000e+00, v51  }
0xc1: {  	v46 =	vbroadcast v46, $0x0;
	v61 =	vld [tilespmem:s24+$0x0];
	v39 =	vmul.f32 $8.000000000e+00, v39;
	v35 =	vadd.s32 v7, v44;
	[tilespmem:v33+s0+$0x0] =	vst.idx.msk $0xffff, v56  }
0xc2: {  	v43 =	vbroadcast v43, $0x0;
	v36 =	vadd.s32 v11, v45;
	v54 =	vmul.f32 $8.000000000e+00, v49;
	v49 =	vld [tilespmem:s24+$0x40];
	[tilespmem:v34+s0+$0x0] =	vst.idx.msk $0xffff, v2  }
0xc3: {  	v42 =	vbroadcast v42, $0x0;
	v2 =	vmul.f32 $8.000000000e+00, v41;
	v34 =	vadd.s32 v19, v46;
	v41 =	vld [tilespmem:s24+$0x80];
	[tilespmem:v50+s0+$0x0] =	vst.idx.msk $0xffff, v39  }
0xc4: {  	v55 =	vmul.f32 $8.000000000e+00, v48;
	[tilespmem:v37+s0+$0x0] =	vst.idx.msk $0xffff, v54;
	v37 =	vadd.s32 v27, v43;
	v39 =	vld [tilespmem:s24+$0xD0]  }
0xc5: {  	v40 =	vadd.s32 v23, v42;
	v48 =	vld [tilespmem:s24+$0xFFFFFF10];
	[tilespmem:v57+s0+$0x0] =	vst.idx.msk $0xffff, v2;
	v2 =	vmul.f32 $8.000000000e+00, v59  }
0xc6: {  	v61 =	vmul.f32 $8.000000000e+00, v61;
	v50 =	vld [tilespmem:s24+$0xFFFFFF50];
	[tilespmem:v35+s0+$0x0] =	vst.idx.msk $0xffff, v55;
	v35 =	vadd.s32 v4, v0  }
0xc7: {  	v51 =	vadd.s32 v8, v38;
	v52 =	vld [tilespmem:s24+$0xFFFFFF90];
	[tilespmem:v36+s0+$0x0] =	vst.idx.msk $0xffff, v2;
	v2 =	vmul.f32 $8.000000000e+00, v49  }
0xc8: {  	v36 =	vadd.s32 v12, v47;
	v49 =	vld [tilespmem:s24+$0xFFFFFFD0];
	[tilespmem:v34+s0+$0x0] =	vst.idx.msk $0xffff, v61;
	v59 =	vmul.f32 $8.000000000e+00, v41  }
0xc9: {  	v34 =	vadd.s32 v16, v44;
	v61 =	vld [tilespmem:s24+$0x10];
	[tilespmem:v37+s0+$0x0] =	vst.idx.msk $0xffff, v2;
	v2 =	vmul.f32 $8.000000000e+00, v39  }
0xca: {  	v54 =	vmul.f32 $8.000000000e+00, v48;
	v39 =	vadd.s32 v20, v45;
	v48 =	vld [tilespmem:s24+$0x50];
	[tilespmem:v40+s0+$0x0] =	vst.idx.msk $0xffff, v59  }
0xcb: {  	v40 =	vadd.s32 v13, v46;
	v55 =	vmul.f32 $8.000000000e+00, v50;
	v50 =	vld [tilespmem:s24+$0x90];
	[tilespmem:v35+s0+$0x0] =	vst.idx.msk $0xffff, v2  }
0xcc: {  	[tilespmem:v51+s0+$0x0] =	vst.idx.msk $0xffff, v54;
	v2 =	vmul.f32 $8.000000000e+00, v52;
	v35 =	vadd.s32 v24, v43;
	v37 =	vld [tilespmem:s24+$0xE0]  }
0xcd: {  	v51 =	vld [tilespmem:s24+$0xFFFFFF20];
	[tilespmem:v36+s0+$0x0] =	vst.idx.msk $0xffff, v55;
	v59 =	vmul.f32 $8.000000000e+00, v49;
	v36 =	vadd.s32 v17, v42  }
0xce: {  	v49 =	vld [tilespmem:s24+$0xFFFFFF60];
	[tilespmem:v34+s0+$0x0] =	vst.idx.msk $0xffff, v2;
	v2 =	vmul.f32 $8.000000000e+00, v61;
	v34 =	vadd.s32 v28, v0  }
0xcf: {  	v41 =	vadd.s32 v9, v38;
	v61 =	vld [tilespmem:s24+$0xFFFFFFA0];
	[tilespmem:v39+s0+$0x0] =	vst.idx.msk $0xffff, v59;
	v53 =	vmul.f32 $8.000000000e+00, v48  }
0xd0: {  	v39 =	vadd.s32 v29, v47;
	v48 =	vld [tilespmem:s24+$0xFFFFFFE0];
	[tilespmem:v40+s0+$0x0] =	vst.idx.msk $0xffff, v2;
	v2 =	vmul.f32 $8.000000000e+00, v50  }
0xd1: {  	v40 =	vadd.s32 v30, v44;
	v50 =	vld [tilespmem:s24+$0x20];
	[tilespmem:v35+s0+$0x0] =	vst.idx.msk $0xffff, v53;
	v54 =	vmul.f32 $8.000000000e+00, v37  }
0xd2: {  	v55 =	vmul.f32 $8.000000000e+00, v51;
	v37 =	vadd.s32 v31, v45;
	v59 =	vld [tilespmem:s24+$0x60];
	[tilespmem:v36+s0+$0x0] =	vst.idx.msk $0xffff, v2  }
0xd3: {  	v36 =	vadd.s32 v25, v46;
	v2 =	vmul.f32 $8.000000000e+00, v49;
	v49 =	vld [tilespmem:s24+$0xA0];
	[tilespmem:v34+s0+$0x0] =	vst.idx.msk $0xffff, v54  }
0xd4: {  	v52 =	vadd.s32 v21, v43;
	[tilespmem:v41+s0+$0x0] =	vst.idx.msk $0xffff, v55;
	v61 =	vmul.f32 $8.000000000e+00, v61;
	v53 =	vld [tilespmem:s24+$0xF0]  }
0xd5: {  	v41 =	vld [tilespmem:s24+$0xFFFFFF30];
	[tilespmem:v39+s0+$0x0] =	vst.idx.msk $0xffff, v2;
	v2 =	vmul.f32 $8.000000000e+00, v48;
	v39 =	vadd.s32 v3, v42  }
0xd6: {  	v62 =	vmov v22;
	v0 =	vadd.s32 v63, v0;
	v54 =	vld [tilespmem:s24+$0xFFFFFF70];
	[tilespmem:v40+s0+$0x0] =	vst.idx.msk $0xffff, v61;
	v55 =	vmul.f32 $8.000000000e+00, v50  }
0xd7: {  	v38 =	vadd.s32 v62, v38;
	v40 =	vld [tilespmem:s24+$0xFFFFFFB0];
	[tilespmem:v37+s0+$0x0] =	vst.idx.msk $0xffff, v2;
	v2 =	vmul.f32 $8.000000000e+00, v59  }
0xd8: {  	v60 =	vmov v18;
	v59 =	vadd.s32 v58, v47;
	v61 =	vld [tilespmem:s24+$0xFFFFFFF0];
	[tilespmem:v36+s0+$0x0] =	vst.idx.msk $0xffff, v55;
	v63 =	vmul.f32 $8.000000000e+00, v49  }
0xd9: {  	v49 =	vadd.s32 v60, v44;
	v50 =	vld [tilespmem:s24+$0x30];
	[tilespmem:v52+s0+$0x0] =	vst.idx.msk $0xffff, v2;
	v2 =	vmul.f32 $8.000000000e+00, v53  }
0xda: {  	v52 =	vadd.s32 v26, v45;
	v51 =	vmul.f32 $8.000000000e+00, v41;
	v53 =	vld [tilespmem:s24+$0x70];
	[tilespmem:v39+s0+$0x0] =	vst.idx.msk $0xffff, v63  }
0xdb: {  	v55 =	vadd.s32 v10, v46;
	v54 =	vmul.f32 $8.000000000e+00, v54;
	v58 =	vld [tilespmem:s24+$0xB0];
	[tilespmem:v0+s0+$0x0] =	vst.idx.msk $0xffff, v2  }
0xdc: {  	[tilespmem:v38+s0+$0x0] =	vst.idx.msk $0xffff, v51;
	v0 =	vmul.f32 $8.000000000e+00, v40;
	v2 =	vadd.s32 v14, v43  }
0xdd: {  	[tilespmem:v59+s0+$0x0] =	vst.idx.msk $0xffff, v54;
	v59 =	vmul.f32 $8.000000000e+00, v61;
	v61 =	vadd.s32 v32, v42  }
0xde: {  	[tilespmem:v49+s0+$0x0] =	vst.idx.msk $0xffff, v0;
	v0 =	vmul.f32 $8.000000000e+00, v50  }
0xdf: {  	s25 =	sshll.u32 s21, $0xA;
	s24 =	sshll.u32 s21, $0x7;
	[tilespmem:v52+s0+$0x0] =	vst.idx.msk $0xffff, v59;
	v63 =	vmul.f32 $8.000000000e+00, v53  }
0xe0: {  	s22 =	sand.u32 $0xFFF8000, s25;
	s21 =	sand.u32 $0xF80, s24;
	[tilespmem:v55+s0+$0x0] =	vst.idx.msk $0xffff, v0;
	v0 =	vmul.f32 $8.000000000e+00, v58  }
0xe1: {  	s21 =	sor.u32 s21, s22;
	[tilespmem:v2+s0+$0x0] =	vst.idx.msk $0xffff, v63  }
0xe2: {  	s22 =	sadd.s32 s2, s21;
	[tilespmem:v61+s0+$0x0] =	vst.idx.msk $0xffff, v0  }
0xe3: {  	[hbm4b:s22+s3] =	stream.linear.scatter [tilespmem:s0], [sflag:$0x3], $0x80, $0x38;
	[tilespmem:$0x10A00] =	vst v63  }
0xe4: {  	s25 =	sadd.s32 $0x8288, s1;
	s24 =	sadd.s32 $0x10, s22  }
0xe5: {  	[hbm4b:s24+s3] =	stream.linear.scatter [tilespmem:s25], [sflag:$0x3], $0x80, $0x38;
	[tilespmem:$0x10A00] =	vst v63  }
0xe6: {  	s24 =	sadd.s32 $0x8310, s1;
	s25 =	sadd.s32 $0x20, s22  }
0xe7: {  	[hbm4b:s25+s3] =	stream.linear.scatter [tilespmem:s24], [sflag:$0x3], $0x80, $0x38;
	[tilespmem:$0x10A00] =	vst v63  }
0xe8: {  	s24 =	sadd.s32 $0x8398, s1;
	s25 =	sadd.s32 $0x30, s22  }
0xe9: {  	[hbm4b:s25+s3] =	stream.linear.scatter [tilespmem:s24], [sflag:$0x3], $0x80, $0x38;
	[tilespmem:$0x10A00] =	vst v63  }
0xea: {  	s24 =	sadd.s32 $0x8420, s1;
	s25 =	sadd.s32 $0x40, s22  }
0xeb: {  	[hbm4b:s25+s3] =	stream.linear.scatter [tilespmem:s24], [sflag:$0x3], $0x80, $0x38;
	[tilespmem:$0x10A00] =	vst v63  }
0xec: {  	s24 =	sadd.s32 $0x84A8, s1;
	s25 =	sadd.s32 $0x50, s22  }
0xed: {  	[hbm4b:s25+s3] =	stream.linear.scatter [tilespmem:s24], [sflag:$0x3], $0x80, $0x38;
	[tilespmem:$0x10A00] =	vst v63  }
0xee: {  	s24 =	sadd.s32 $0x8530, s1;
	s25 =	sadd.s32 $0x60, s22  }
0xef: {  	[hbm4b:s25+s3] =	stream.linear.scatter [tilespmem:s24], [sflag:$0x3], $0x80, $0x38;
	[tilespmem:$0x10A00] =	vst v63  }
0xf0: {  	s22 =	sadd.s32 $0x70, s22;
	s24 =	sadd.s32 $0x85B8, s1  }
0xf1: {  	[hbm4b:s22+s3] =	stream.linear.scatter [tilespmem:s24], [sflag:$0x3], $0x80, $0x38;
	[tilespmem:$0x10A00] =	vst v63  }
0xf2: {  	s0 =	sadd.s32 s21, s11;
	s25 =	sadd.s32 $0x8640, s1  }
0xf3: {  	[hbm4b:s0+s3] =	stream.linear.scatter [tilespmem:s25], [sflag:$0x3], $0x80, $0x38;
	[tilespmem:$0x10A00] =	vst v63  }
0xf4: {  	s24 =	sadd.s32 $0x86C8, s1;
	s25 =	sadd.s32 $0x10, s0  }
0xf5: {  	[hbm4b:s25+s3] =	stream.linear.scatter [tilespmem:s24], [sflag:$0x3], $0x80, $0x38;
	[tilespmem:$0x10A00] =	vst v63  }
0xf6: {  	s24 =	sadd.s32 $0x8750, s1;
	s25 =	sadd.s32 $0x20, s0  }
0xf7: {  	[hbm4b:s25+s3] =	stream.linear.scatter [tilespmem:s24], [sflag:$0x3], $0x80, $0x38;
	[tilespmem:$0x10A00] =	vst v63  }
0xf8: {  	s24 =	sadd.s32 $0x87D8, s1;
	s25 =	sadd.s32 $0x30, s0  }
0xf9: {  	[hbm4b:s25+s3] =	stream.linear.scatter [tilespmem:s24], [sflag:$0x3], $0x80, $0x38;
	[tilespmem:$0x10A00] =	vst v63  }
0xfa: {  	s24 =	sadd.s32 $0x8860, s1;
	s25 =	sadd.s32 $0x40, s0  }
0xfb: {  	[hbm4b:s25+s3] =	stream.linear.scatter [tilespmem:s24], [sflag:$0x3], $0x80, $0x38;
	[tilespmem:$0x10A00] =	vst v63  }
0xfc: {  	s24 =	sadd.s32 $0x88E8, s1;
	s25 =	sadd.s32 $0x50, s0  }
0xfd: {  	[hbm4b:s25+s3] =	stream.linear.scatter [tilespmem:s24], [sflag:$0x3], $0x80, $0x38;
	[tilespmem:$0x10A00] =	vst v63  }
0xfe: {  	s24 =	sadd.s32 $0x8970, s1;
	s25 =	sadd.s32 $0x60, s0  }
0xff: {  	[hbm4b:s25+s3] =	stream.linear.scatter [tilespmem:s24], [sflag:$0x3], $0x80, $0x38;
	[tilespmem:$0x10A00] =	vst v63  }
0x100: {  	s0 =	sadd.s32 $0x70, s0;
	s24 =	sadd.s32 $0x89F8, s1  }
0x101: {  	[hbm4b:s0+s3] =	stream.linear.scatter [tilespmem:s24], [sflag:$0x3], $0x80, $0x38;
	[tilespmem:$0x10A00] =	vst v63  }
0x102: {  	s25 =	sadd.s32 $0x8A80, s1;
	s0 =	sadd.s32 s21, s12  }
0x103: {  	[hbm4b:s0+s3] =	stream.linear.scatter [tilespmem:s25], [sflag:$0x3], $0x80, $0x38;
	[tilespmem:$0x10A00] =	vst v63  }
0x104: {  	s24 =	sadd.s32 $0x8B08, s1;
	s25 =	sadd.s32 $0x10, s0  }
0x105: {  	[hbm4b:s25+s3] =	stream.linear.scatter [tilespmem:s24], [sflag:$0x3], $0x80, $0x38;
	[tilespmem:$0x10A00] =	vst v63  }
0x106: {  	s24 =	sadd.s32 $0x8B90, s1;
	s25 =	sadd.s32 $0x20, s0  }
0x107: {  	[hbm4b:s25+s3] =	stream.linear.scatter [tilespmem:s24], [sflag:$0x3], $0x80, $0x38;
	[tilespmem:$0x10A00] =	vst v63  }
0x108: {  	s24 =	sadd.s32 $0x8C18, s1;
	s25 =	sadd.s32 $0x30, s0  }
0x109: {  	[hbm4b:s25+s3] =	stream.linear.scatter [tilespmem:s24], [sflag:$0x3], $0x80, $0x38;
	[tilespmem:$0x10A00] =	vst v63  }
0x10a: {  	s24 =	sadd.s32 $0x8CA0, s1;
	s25 =	sadd.s32 $0x40, s0  }
0x10b: {  	[hbm4b:s25+s3] =	stream.linear.scatter [tilespmem:s24], [sflag:$0x3], $0x80, $0x38;
	[tilespmem:$0x10A00] =	vst v63  }
0x10c: {  	s24 =	sadd.s32 $0x8D28, s1;
	s25 =	sadd.s32 $0x50, s0  }
0x10d: {  	[hbm4b:s25+s3] =	stream.linear.scatter [tilespmem:s24], [sflag:$0x3], $0x80, $0x38;
	[tilespmem:$0x10A00] =	vst v63  }
0x10e: {  	s24 =	sadd.s32 $0x8DB0, s1;
	s25 =	sadd.s32 $0x60, s0  }
0x10f: {  	[hbm4b:s25+s3] =	stream.linear.scatter [tilespmem:s24], [sflag:$0x3], $0x80, $0x38;
	[tilespmem:$0x10A00] =	vst v63  }
0x110: {  	s0 =	sadd.s32 $0x70, s0;
	s24 =	sadd.s32 $0x8E38, s1  }
0x111: {  	[hbm4b:s0+s3] =	stream.linear.scatter [tilespmem:s24], [sflag:$0x3], $0x80, $0x38;
	[tilespmem:$0x10A00] =	vst v63  }
0x112: {  	s25 =	sadd.s32 $0x8EC0, s1;
	s0 =	sadd.s32 s21, s13  }
0x113: {  	[hbm4b:s0+s3] =	stream.linear.scatter [tilespmem:s25], [sflag:$0x3], $0x80, $0x38;
	[tilespmem:$0x10A00] =	vst v63  }
0x114: {  	s24 =	sadd.s32 $0x8F48, s1;
	s25 =	sadd.s32 $0x10, s0  }
0x115: {  	[hbm4b:s25+s3] =	stream.linear.scatter [tilespmem:s24], [sflag:$0x3], $0x80, $0x38;
	[tilespmem:$0x10A00] =	vst v63  }
0x116: {  	s24 =	sadd.s32 $0x8FD0, s1;
	s25 =	sadd.s32 $0x20, s0  }
0x117: {  	[hbm4b:s25+s3] =	stream.linear.scatter [tilespmem:s24], [sflag:$0x3], $0x80, $0x38;
	[tilespmem:$0x10A00] =	vst v63  }
0x118: {  	s24 =	sadd.s32 $0x9058, s1;
	s25 =	sadd.s32 $0x30, s0  }
0x119: {  	[hbm4b:s25+s3] =	stream.linear.scatter [tilespmem:s24], [sflag:$0x3], $0x80, $0x38;
	[tilespmem:$0x10A00] =	vst v63  }
0x11a: {  	s24 =	sadd.s32 $0x90E0, s1;
	s25 =	sadd.s32 $0x40, s0  }
0x11b: {  	[hbm4b:s25+s3] =	stream.linear.scatter [tilespmem:s24], [sflag:$0x3], $0x80, $0x38;
	[tilespmem:$0x10A00] =	vst v63  }
0x11c: {  	s24 =	sadd.s32 $0x9168, s1;
	s25 =	sadd.s32 $0x50, s0  }
0x11d: {  	[hbm4b:s25+s3] =	stream.linear.scatter [tilespmem:s24], [sflag:$0x3], $0x80, $0x38;
	[tilespmem:$0x10A00] =	vst v63  }
0x11e: {  	s24 =	sadd.s32 $0x91F0, s1;
	s25 =	sadd.s32 $0x60, s0  }
0x11f: {  	[hbm4b:s25+s3] =	stream.linear.scatter [tilespmem:s24], [sflag:$0x3], $0x80, $0x38;
	[tilespmem:$0x10A00] =	vst v63  }
0x120: {  	s0 =	sadd.s32 $0x70, s0;
	s24 =	sadd.s32 $0x9278, s1  }
0x121: {  	[hbm4b:s0+s3] =	stream.linear.scatter [tilespmem:s24], [sflag:$0x3], $0x80, $0x38;
	[tilespmem:$0x10A00] =	vst v63  }
0x122: {  	s25 =	sadd.s32 $0x9300, s1;
	s0 =	sadd.s32 s21, s14  }
0x123: {  	[hbm4b:s0+s3] =	stream.linear.scatter [tilespmem:s25], [sflag:$0x3], $0x80, $0x38;
	[tilespmem:$0x10A00] =	vst v63  }
0x124: {  	s24 =	sadd.s32 $0x9388, s1;
	s25 =	sadd.s32 $0x10, s0  }
0x125: {  	[hbm4b:s25+s3] =	stream.linear.scatter [tilespmem:s24], [sflag:$0x3], $0x80, $0x38;
	[tilespmem:$0x10A00] =	vst v63  }
0x126: {  	s24 =	sadd.s32 $0x9410, s1;
	s25 =	sadd.s32 $0x20, s0  }
0x127: {  	[hbm4b:s25+s3] =	stream.linear.scatter [tilespmem:s24], [sflag:$0x3], $0x80, $0x38;
	[tilespmem:$0x10A00] =	vst v63  }
0x128: {  	s24 =	sadd.s32 $0x9498, s1;
	s25 =	sadd.s32 $0x30, s0  }
0x129: {  	[hbm4b:s25+s3] =	stream.linear.scatter [tilespmem:s24], [sflag:$0x3], $0x80, $0x38;
	[tilespmem:$0x10A00] =	vst v63  }
0x12a: {  	s24 =	sadd.s32 $0x9520, s1;
	s25 =	sadd.s32 $0x40, s0  }
0x12b: {  	[hbm4b:s25+s3] =	stream.linear.scatter [tilespmem:s24], [sflag:$0x3], $0x80, $0x38;
	[tilespmem:$0x10A00] =	vst v63  }
0x12c: {  	s24 =	sadd.s32 $0x95A8, s1;
	s25 =	sadd.s32 $0x50, s0  }
0x12d: {  	[hbm4b:s25+s3] =	stream.linear.scatter [tilespmem:s24], [sflag:$0x3], $0x80, $0x38;
	[tilespmem:$0x10A00] =	vst v63  }
0x12e: {  	s24 =	sadd.s32 $0x9630, s1;
	s25 =	sadd.s32 $0x60, s0  }
0x12f: {  	[hbm4b:s25+s3] =	stream.linear.scatter [tilespmem:s24], [sflag:$0x3], $0x80, $0x38;
	[tilespmem:$0x10A00] =	vst v63  }
0x130: {  	s0 =	sadd.s32 $0x70, s0;
	s24 =	sadd.s32 $0x96B8, s1  }
0x131: {  	[hbm4b:s0+s3] =	stream.linear.scatter [tilespmem:s24], [sflag:$0x3], $0x80, $0x38;
	[tilespmem:$0x10A00] =	vst v63  }
0x132: {  	s25 =	sadd.s32 $0x9740, s1;
	s0 =	sadd.s32 s21, s15  }
0x133: {  	[hbm4b:s0+s3] =	stream.linear.scatter [tilespmem:s25], [sflag:$0x3], $0x80, $0x38;
	[tilespmem:$0x10A00] =	vst v63  }
0x134: {  	s24 =	sadd.s32 $0x97C8, s1;
	s25 =	sadd.s32 $0x10, s0  }
0x135: {  	[hbm4b:s25+s3] =	stream.linear.scatter [tilespmem:s24], [sflag:$0x3], $0x80, $0x38;
	[tilespmem:$0x10A00] =	vst v63  }
0x136: {  	s24 =	sadd.s32 $0x9850, s1;
	s25 =	sadd.s32 $0x20, s0  }
0x137: {  	[hbm4b:s25+s3] =	stream.linear.scatter [tilespmem:s24], [sflag:$0x3], $0x80, $0x38;
	[tilespmem:$0x10A00] =	vst v63  }
0x138: {  	s24 =	sadd.s32 $0x98D8, s1;
	s25 =	sadd.s32 $0x30, s0  }
0x139: {  	[hbm4b:s25+s3] =	stream.linear.scatter [tilespmem:s24], [sflag:$0x3], $0x80, $0x38;
	[tilespmem:$0x10A00] =	vst v63  }
0x13a: {  	s24 =	sadd.s32 $0x9960, s1;
	s25 =	sadd.s32 $0x40, s0  }
0x13b: {  	[hbm4b:s25+s3] =	stream.linear.scatter [tilespmem:s24], [sflag:$0x3], $0x80, $0x38;
	[tilespmem:$0x10A00] =	vst v63  }
0x13c: {  	s24 =	sadd.s32 $0x99E8, s1;
	s25 =	sadd.s32 $0x50, s0  }
0x13d: {  	[hbm4b:s25+s3] =	stream.linear.scatter [tilespmem:s24], [sflag:$0x3], $0x80, $0x38;
	[tilespmem:$0x10A00] =	vst v63  }
0x13e: {  	s24 =	sadd.s32 $0x9A70, s1;
	s25 =	sadd.s32 $0x60, s0  }
0x13f: {  	[hbm4b:s25+s3] =	stream.linear.scatter [tilespmem:s24], [sflag:$0x3], $0x80, $0x38;
	[tilespmem:$0x10A00] =	vst v63  }
0x140: {  	s0 =	sadd.s32 $0x70, s0;
	s24 =	sadd.s32 $0x9AF8, s1  }
0x141: {  	[hbm4b:s0+s3] =	stream.linear.scatter [tilespmem:s24], [sflag:$0x3], $0x80, $0x38;
	[tilespmem:$0x10A00] =	vst v63  }
0x142: {  	s25 =	sadd.s32 $0x9B80, s1;
	s0 =	sadd.s32 s21, s16  }
0x143: {  	[hbm4b:s0+s3] =	stream.linear.scatter [tilespmem:s25], [sflag:$0x3], $0x80, $0x38;
	[tilespmem:$0x10A00] =	vst v63  }
0x144: {  	s24 =	sadd.s32 $0x9C08, s1;
	s25 =	sadd.s32 $0x10, s0  }
0x145: {  	[hbm4b:s25+s3] =	stream.linear.scatter [tilespmem:s24], [sflag:$0x3], $0x80, $0x38;
	[tilespmem:$0x10A00] =	vst v63  }
0x146: {  	s24 =	sadd.s32 $0x9C90, s1;
	s25 =	sadd.s32 $0x20, s0  }
0x147: {  	[hbm4b:s25+s3] =	stream.linear.scatter [tilespmem:s24], [sflag:$0x3], $0x80, $0x38;
	[tilespmem:$0x10A00] =	vst v63  }
0x148: {  	s24 =	sadd.s32 $0x9D18, s1;
	s25 =	sadd.s32 $0x30, s0  }
0x149: {  	[hbm4b:s25+s3] =	stream.linear.scatter [tilespmem:s24], [sflag:$0x3], $0x80, $0x38;
	[tilespmem:$0x10A00] =	vst v63  }
0x14a: {  	s24 =	sadd.s32 $0x9DA0, s1;
	s25 =	sadd.s32 $0x40, s0  }
0x14b: {  	[hbm4b:s25+s3] =	stream.linear.scatter [tilespmem:s24], [sflag:$0x3], $0x80, $0x38;
	[tilespmem:$0x10A00] =	vst v63  }
0x14c: {  	s24 =	sadd.s32 $0x9E28, s1;
	s25 =	sadd.s32 $0x50, s0  }
0x14d: {  	[hbm4b:s25+s3] =	stream.linear.scatter [tilespmem:s24], [sflag:$0x3], $0x80, $0x38;
	[tilespmem:$0x10A00] =	vst v63  }
0x14e: {  	s24 =	sadd.s32 $0x9EB0, s1;
	s25 =	sadd.s32 $0x60, s0  }
0x14f: {  	[hbm4b:s25+s3] =	stream.linear.scatter [tilespmem:s24], [sflag:$0x3], $0x80, $0x38;
	[tilespmem:$0x10A00] =	vst v63  }
0x150: {  	s0 =	sadd.s32 $0x70, s0;
	s25 =	sadd.s32 $0x9F38, s1  }
0x151: {  	[hbm4b:s0+s3] =	stream.linear.scatter [tilespmem:s25], [sflag:$0x3], $0x80, $0x38;
	[tilespmem:$0x10A00] =	vst v63  }
0x152: {  	s22 =	sadd.s32 $0x9FC0, s1;
	s0 =	sadd.s32 s21, s17  }
0x153: {  	[hbm4b:s0+s3] =	stream.linear.scatter [tilespmem:s22], [sflag:$0x3], $0x80, $0x38;
	[tilespmem:$0x10A00] =	vst v63  }
0x154: {  	s24 =	sadd.s32 $0xA048, s1;
	s25 =	sadd.s32 $0x10, s0  }
0x155: {  	[hbm4b:s25+s3] =	stream.linear.scatter [tilespmem:s24], [sflag:$0x3], $0x80, $0x38;
	[tilespmem:$0x10A00] =	vst v63  }
0x156: {  	s24 =	sadd.s32 $0xA0D0, s1;
	s25 =	sadd.s32 $0x20, s0  }
0x157: {  	[hbm4b:s25+s3] =	stream.linear.scatter [tilespmem:s24], [sflag:$0x3], $0x80, $0x38;
	[tilespmem:$0x10A00] =	vst v63  }
0x158: {  	s24 =	sadd.s32 $0xA158, s1;
	s25 =	sadd.s32 $0x30, s0  }
0x159: {  	[hbm4b:s25+s3] =	stream.linear.scatter [tilespmem:s24], [sflag:$0x3], $0x80, $0x38;
	[tilespmem:$0x10A00] =	vst v63  }
0x15a: {  	s24 =	sadd.s32 $0xA1E0, s1;
	s25 =	sadd.s32 $0x40, s0  }
0x15b: {  	[hbm4b:s25+s3] =	stream.linear.scatter [tilespmem:s24], [sflag:$0x3], $0x80, $0x38;
	[tilespmem:$0x10A00] =	vst v63  }
0x15c: {  	s24 =	sadd.s32 $0xA268, s1;
	s25 =	sadd.s32 $0x50, s0  }
0x15d: {  	[hbm4b:s25+s3] =	stream.linear.scatter [tilespmem:s24], [sflag:$0x3], $0x80, $0x38;
	[tilespmem:$0x10A00] =	vst v63  }
0x15e: {  	s22 =	sadd.s32 $0xA2F0, s1;
	s24 =	sadd.s32 $0x60, s0  }
0x15f: {  	[hbm4b:s24+s3] =	stream.linear.scatter [tilespmem:s22], [sflag:$0x3], $0x80, $0x38;
	[tilespmem:$0x10A00] =	vst v63  }
0x160: {  	p0 =	sgt.u32 s31, $0xC3;
	s25 =	sadd.s32 $0xA378, s1;
	s0 =	sadd.s32 $0x70, s0  }
0x161: {  	[hbm4b:s0+s3] =	stream.linear.scatter [tilespmem:s25], [sflag:$0x3], $0x80, $0x38;
	[tilespmem:$0x10A00] =	vst v63  }
0x162: {  	s0 =	sadd.s32 @!p0 s31, s18  }
0x163: {  	s0 =	sshll.u32 @!p0 s0, $0x4  }
0x164: {  	s21 =	simm.s32 @!p0 $0x0;
	s1 =	sshll.u32 @!p0 s31, $0x7;
	s0 =	sand.u32 @!p0 $0xFFFFFF0, s0  }
0x165: {  	s1 =	sand.u32 @!p0 $0x180, s1;
	s31 =	sadd.s32 $0x1, s31;
	s0 =	sadd.s32 @!p0 s4, s0  }
0x166: {  	[tilespmem:s1], [sflag:$0x1] =	stream.linear.gather @!p0 [hbm4b:s0+s21], $0x80, $0x38;
	[tilespmem:$0x10A00] =	vst v63  }
0x167: {  	p0 =	sne.s32 s31, $0xC8  }
.Ltmp5:
0x168: {  	_ = 	snop;
	(pc) =	sbr.rel @p0 .LBB2_6-.Ltmp5, $2  }
0x169: {  	_ =	sdelay $0x2  }
0x16a: {  	s30 =	sadd.s32 $0x1, s30;
	v56 =	vmovc v4;
	v57 =	vmovc v23;
	v41 =	vmov v7;
	v32 =	vmov v3;
	v53 =	vmov v5  }
0x16b: {  	_ =	swait.ge [sflag:s28], $0x400  }
0x16c: {  	[sflag:s28] =	ssyncset.done $0x0  }
0x16d: {  	[sflag:s28] =	ssyncadd.s32 $0xFFFFFC00  }
0x16e: {  	_ =	swait.ge [sflag:s28], $0x400  }
0x16f: {  	[sflag:s28] =	ssyncset.done $0x0  }
0x170: {  	[sflag:s28] =	ssyncadd.s32 $0xFFFFFC00  }
0x171: {  	_ =	swait.ge [sflag:s28], $0x400  }
0x172: {  	[sflag:s28] =	ssyncset.done $0x0  }
0x173: {  	[sflag:s28] =	ssyncadd.s32 $0xFFFFFC00  }
0x174: {  	_ =	swait.ge [sflag:s28], $0x400  }
0x175: {  	[sflag:s28] =	ssyncset.done $0x0  }
0x176: {  	[sflag:s28] =	ssyncadd.s32 $0xFFFFFC00  }
0x177: {  	_ =	swait.ge [sflag:s28], $0x400  }
0x178: {  	[sflag:s28] =	ssyncset.done $0x0  }
0x179: {  	[sflag:s28] =	ssyncadd.s32 $0xFFFFFC00  }
0x17a: {  	_ =	swait.ge [sflag:s28], $0x400  }
0x17b: {  	[sflag:s28] =	ssyncset.done $0x0  }
0x17c: {  	[sflag:s28] =	ssyncadd.s32 $0xFFFFFC00  }
0x17d: {  	_ =	swait.ge [sflag:s28], $0x400  }
0x17e: {  	[sflag:s28] =	ssyncset.done $0x0  }
0x17f: {  	[sflag:s28] =	ssyncadd.s32 $0xFFFFFC00  }
0x180: {  	_ =	swait.ge [sflag:s28], $0x400  }
0x181: {  	[sflag:s28] =	ssyncset.done $0x0  }
0x182: {  	[sflag:s28] =	ssyncadd.s32 $0xFFFFFC00  }
0x183: {  	_ =	swait.ge [sflag:s28], $0x400  }
0x184: {  	[sflag:s28] =	ssyncset.done $0x0  }
0x185: {  	[sflag:s28] =	ssyncadd.s32 $0xFFFFFC00  }
0x186: {  	_ =	swait.ge [sflag:s28], $0x400  }
0x187: {  	[sflag:s28] =	ssyncset.done $0x0  }
0x188: {  	[sflag:s28] =	ssyncadd.s32 $0xFFFFFC00  }
0x189: {  	_ =	swait.ge [sflag:s28], $0x400  }
0x18a: {  	[sflag:s28] =	ssyncset.done $0x0  }
0x18b: {  	[sflag:s28] =	ssyncadd.s32 $0xFFFFFC00  }
0x18c: {  	_ =	swait.ge [sflag:s28], $0x400  }
0x18d: {  	[sflag:s28] =	ssyncset.done $0x0  }
0x18e: {  	[sflag:s28] =	ssyncadd.s32 $0xFFFFFC00  }
0x18f: {  	_ =	swait.ge [sflag:s28], $0x400  }
0x190: {  	[sflag:s28] =	ssyncset.done $0x0  }
0x191: {  	[sflag:s28] =	ssyncadd.s32 $0xFFFFFC00  }
0x192: {  	_ =	swait.ge [sflag:s28], $0x400  }
0x193: {  	[sflag:s28] =	ssyncset.done $0x0  }
0x194: {  	s29 =	sadd.s32 $0x1, s29;
	[sflag:s28] =	ssyncadd.s32 $0xFFFFFC00  }
0x195: {  	p0 =	sne.s32 s29, s19;
	_ =	swait.ge [sflag:s28], $0x400  }
.Ltmp6:
0x196: {  	[sflag:s28] =	ssyncset.done $0x0;
	(pc) =	sbr.rel @p0 .LBB2_1-.Ltmp6, $4  }
0x197: {  	[sflag:s28] =	ssyncadd.s32 $0xFFFFFC00  }
0x198: {  	_ =	swait.ge [sflag:s28], $0x400  }
0x199: {  	[sflag:s28] =	ssyncset.done $0x0  }
0x19a: {  	[sflag:s28] =	ssyncadd.s32 $0xFFFFFC00  }
0x19b: {  	_ =	sfence.sel $0x180000  }
0x19c: {  	[bflag:$0x0] =	sbarrier.arrive $0xFFFF  }
0x19d: {  	_ =	strace $0x9000004A  }
0x19e: {  	s0 =	stileid.u32;
	[bflag:$0x2] =	sbarrier.arrive $0xFFFF  }
0x19f: {  	p0 =	sne.s32 s0, $0x0;
	s0 =	rddreg [dreg:$0x2]  }
0x1a0: {  	s0 =	sadd.s32 @!p0 $0x100000, s0  }
0x1a1: {  	[sflag:s0] =	ssyncadd.tile.s32 @!p0 $0x1;
	_ =	shalt  }
.Lfunc_end2:
_tile_overlayer_lowered:
.L_overlay_start_2:
0x1a2: {  	(tag) =	ssettag $0x2  }
0x1a3: {  	s0 =	rddreg [dreg:$0x0];
	s2 =	stileid.u32  }
0x1a4: {  	s1 =	rddreg [dreg:$0x1];
	p0 =	sne.s32 s2, $0x0  }
0x1a5: {  	s3 =	rddreg [dreg:$0x2];
	[bflag:$0x3] =	sbarrier.arrive $0xFFFF;
	s2 =	simm.s32 @!p0 $0x1C04  }
0x1a6: {  	[timem:s3], [sflag:s2] =	dma.local @!p0 [hbm:s0], s1  }
0x1a7: {  	s0 =	simm.s32 @!p0 $0x4  }
0x1a8: {  	_ =	swait.ge @!p0 [sflag:s0], s1  }
0x1a9: {  	s1 =	ssub.s32 @!p0 $0x0, s1;
	[sflag:s0] =	ssyncset.done @!p0 $0x0  }
0x1aa: {  	[sflag:s0] =	ssyncadd.s32 @!p0 s1  }
0x1ab: {  	[bflag:$0x3] =	sbarrier.arrive $0xFFFF  }
0x1ac: {  	_ =	shalt  }

// kernel: sparse-core-data-format-call.cloned.1.call-start
scs
called_computation_lowered:
.L_overlay_start_0:
0x0: {  	s1 =	sld [smem:$0x3FD9]  }
0x1: {  	s2 =	sld [smem:$0x3FFE];
	_ =	sdelay $0x1  }
0x2: {  	s3 =	srdreg.scid  }
0x3: {  	s0 =	sand.u32 $0x1, s3  }
0x4: {  	s17 =	sshll.u32 s0, $0xA;
	s1 =	sadd.s32 s2, s1  }
0x5: {  	s1 =	sadd.s32 s1, s17  }
0x6: {  	[smem:$0x3FC6] =	sst s1  }
0x7: {  	_ = 	snop  }
0x8: {  	(tm) =	ssettm $0x1  }
0x9: {  	s18 =	sld [smem:$0x3FFB];
	_ =	sdelay $0x3  }
0xa: {  	_ =	strace s18  }
0xb: {  	s1 =	sld [smem:$0x3FFC];
	_ =	sdelay $0x3  }
0xc: {  	_ =	strace s1  }
0xd: {  	s1 =	sld [smem:$0x3FFD];
	_ =	sdelay $0x3  }
0xe: {  	_ =	strace s1  }
0xf: {  	_ =	strace $0x8FFFFFFF  }
0x10: {  	s19 =	sld [smem:$0x3FDB];
	_ =	sdelay $0x1  }
0x11: {  	s20 =	simm.s32 $_scs_section_size  }
0x12: {  	s4 =	simm.s32 $_size__tile_overlayer_lowered;
	s5 =	simm.s32 $_tile_overlayer_lowered  }
0x13: {  	s23 =	simm.s32 $0x1BFF;
	s22 =	sshll.u32 s5, $0x1;
	s1 =	sadd.s32 s20, s19  }
0x14: {  	s6 =	simm.s32 $0x0;
	s21 =	sshll.u32 s4, $0x1;
	s4 =	sadd.s32 s22, s1  }
0x15: {  	[timem:s6], [sflag:s23] =	dma.local [hbm:s4], s21  }
0x16: {  	_ =	swait.ge [sflag:s23], s21  }
0x17: {  	s2 =	ssub.s32 $0x0, s21;
	[sflag:s23] =	ssyncset.done $0x0  }
0x18: {  	[sflag:s23] =	ssyncadd.s32 s2;
	_ =	sdelay $0x1  }
0x19: {  	s24 =	simm.s32 $0x1B8B  }
0x1a: {  	_ =	swait.ge [sflag:s24], $0x1  }
0x1b: {  	[sflag:s24] =	ssyncset.done $0x0  }
0x1c: {  	s26 =	simm.s32 $0x1B8E;
	s25 =	sld [smem:$0x3FFE];
	[sflag:s24] =	ssyncadd.s32 $0xFFFFFFFF  }
0x1d: {  	s27 =	simm.s32 $execute0_lowered;
	[smem:$0x3FD2] =	sst s26  }
0x1e: {  	s4 =	sshll.u32 s27, $0x1;
	_ =	strace $0x80000046;
	[dreg:$0x1] =	wrdreg $0xFFFFFFFF  }
0x1f: {  	s28 =	simm.s32 $_size_execute0_lowered;
	s1 =	sadd.s32 s1, s4;
	[dreg:$0x0] =	wrdreg $0x0  }
0x20: {  	s4 =	sshll.u32 s28, $0x1;
	[dreg:$0x2] =	wrdreg s1  }
0x21: {  	[dreg:$0x3] =	wrdreg s4  }
0x22: {  	[dreg:$0x4] =	wrdreg $0xC0  }
0x23: {  	_ =	task [dreg:s6], $0x5FFFF  }
0x24: {  	[dreg:$0x1] =	wrdreg $0xFFFFFFFF  }
0x25: {  	[dreg:$0x0] =	wrdreg $0x60  }
0x26: {  	[dreg:$0x2] =	wrdreg s25  }
0x27: {  	[dreg:$0x3] =	wrdreg $0x9  }
0x28: {  	_ =	task.clear_ibuf [dreg:s6], $0x4FFFF;
	_ =	strace $0x90000046  }
0x29: {  	s29 =	simm.s32 $0x9;
	_ =	strace $0x80000048  }
0x2a: {  	_ =	swait.ge [sflag:s29], $0x1  }
0x2b: {  	[sflag:s29] =	ssyncadd.s32 $0xFFFFFFFF  }
0x2c: {  	_ =	strace $0x90000048  }
0x2d: {  	_ =	sfence  }
0x2e: {  	s30 =	sld [smem:$0x0];
	_ =	sdelay $0x2  }
0x2f: {  	s31 =	sshll.u32 s3, $0xD;
	s3 =	sshrl.u32 s3, $0x2  }
0x30: {  	s2 =	sand.u32 $0x4000, s31;
	s1 =	sadd.s32 s3, s30  }
0x31: {  	s0 =	sor.u32 s2, s0;
	s1 =	sshll.u32 s1, $0x11  }
0x32: {  	s0 =	sor.u32 s1, s0  }
0x33: {  	s0 =	sadd.s32 $0x8F2B, s0  }
0x34: {  	[sflag:s0] =	ssyncadd.remote.s32 $0x1  }
0x35: {  	_ =	sfence.sel $0xFFFF  }
0x36: {  	[dreg:$0x0] =	wrdreg $0xFFFFFFFF;
	(pc) =	sbr.abs _section_cstart, $3  }
0x37: {  	[dreg:$0x1] =	wrdreg $0xFFFFFFFF  }
0x38: {  	_ =	task.clear_ibuf [dreg:s6], $0x2FFFF;
	_ =	strace $0x9FFFFFFF  }
0x39: {  	(tm) =	ssettm $0x7FFFFFFF  }
tec
execute0_lowered:
.L_overlay_start_1:
0x0: {  	(tag) =	ssettag $0x1  }
0x1: {  	s0 =	srdreg.scid  }
0x2: {  	s4 =	rddreg [dreg:$0x0];
	s1 =	stileid.u32  }
0x3: {  	s5 =	simm.s32 $0x1;
	s7 =	simm.s32 $0x2;
	s14 =	simm.s32 $0x0  }
0x4: {  	p0 =	por $0x0, $0x0;
	s13 =	simm.s32 $0x0;
	s0 =	sshll.u32 s0, $0x4  }
0x5: {  	s8 =	simm.s32 $0x0;
	s9 =	simm.s32 $0x0;
	s2 =	sand.u32 $0x10, s0  }
.Ltmp0:
0x6: {  	s11 =	simm.s32 $0x0;
	s3 =	sor.u32 s1, s2;
	(pc) =	sbr.rel .LBB1_1-.Ltmp0, $4  }
0x7: {  	s0 =	rddreg [dreg:$0x1];
	_ =	strace $0x80000047;
	s3 =	sshll.u32 s3, $0x7  }
0x8: {  	s12 =	simm.s32 $0x0;
	s2 =	sadd.s32 $0x3D1800, s4;
	s6 =	ssub.s32 $0x7A100, s3  }
0x9: {  	s4 =	sadd.s32 $0xB73000, s4;
	[sflag:s5] =	ssyncpa.u1 $0x0;
	s6 =	sshrl.u32 s6, $0xC  }
0xa: {  	[sflag:s7] =	ssyncpa.u1 $0x0;
	s10 =	smov.u32 s3;
	s7 =	sadd.s32 $0x2, s6  }
.LBB1_5:
0xb: {  	p1 =	slt.u32 s12, $0x2  }
0xc: {  	p2 =	sgt.s32 @!p1 s14, $0x7A0A0  }
0xd: {  	s15 =	smov.u32 s14;
	s16 =	sshra.s32 @!p1 s14, $0x1F;
	p2 =	por !p2, p1  }
0xe: {  	s14 =	sand.u32 @!p1 s16, s14;
	s15 =	simm.s32 @p2 $0x7A0A0  }
0xf: {  	s14 =	ssub.s32 @!p1 s15, s14;
	s15 =	ssub.s32 @!p1 $0x0, s13  }
0x10: {  	s17 =	smov.u32 s11;
	s16 =	sadd.s32 @!p1 $0xFFF85F60, s14;
	s13 =	smin.u32 @!p1 s13, s15  }
0x11: {  	s14 =	ssub.s32 @!p1 $0x7A120, s14;
	p2 =	sgt.s32 @!p1 s16, $0x7F;
	p3 =	sgt.s32 @!p1 s13, $0x7F  }
0x12: {  	s13 =	ssub.s32 @!p1 $0x80, s13;
	p2 =	por !p2, p1;
	p3 =	por !p3, p1  }
0x13: {  	s15 =	sadd.s32 $0x1000, s10;
	s14 =	simm.s32 @!p2 $0x0;
	s13 =	simm.s32 @!p3 $0x0  }
0x14: {  	p2 =	sgt.s32 s15, $0x7A11F;
	s13 =	smul.u32 @!p1 s13, s14;
	s14 =	sadd.s32 $0x80, s11  }
0x15: {  	s17 =	smov.u32 @p2 s14  }
0x16: {  	s15 =	smov.u32 @p2 s3;
	p2 =	sgt.s32 s17, $0x7F  }
0x17: {  	s17 =	simm.s32 @p2 $0x0;
	p2 =	sne.s32 s12, s7  }
.Ltmp1:
0x18: {  	p0 =	por !p0, !p0;
	s16 =	simm.s32 @!p1 $0x2;
	(pc) =	sbr.rel @!p2 .LBB1_6-.Ltmp1, $4  }
0x19: {  	s14 =	smov.u32 s8;
	s8 =	smov.u32 s10;
	s13 =	sand.u32 @!p1 $0x3FFFFFFF, s13  }
0x1a: {  	s10 =	smov.u32 s15;
	_ =	swait.ge @!p1 [sflag:s16], s13;
	s18 =	ssub.s32 @!p1 $0x0, s13  }
0x1b: {  	s13 =	smov.u32 s9;
	s12 =	sadd.s32 $0x1, s12;
	[sflag:s16] =	ssyncset.done @!p1 $0x0  }
0x1c: {  	s9 =	smov.u32 s11;
	s11 =	smov.u32 s17;
	[sflag:s16] =	ssyncadd.s32 @!p1 s18  }
.LBB1_1:
0x1d: {  	p1 =	sgt.u32 s12, s6  }
0x1e: {  	s15 =	sshrl.u32 @!p1 s11, $0x3  }
0x1f: {  	s16 =	sshll.u32 @!p1 s10, $0x3;
	s15 =	smul.u32 @!p1 $0x3D0C00, s15  }
0x20: {  	s17 =	sshll.u32 @!p1 s11, $0x7;
	s16 =	sand.u32 @!p1 $0xFFFFFC00, s16  }
0x21: {  	s15 =	sadd.s32 @!p1 s15, s16;
	s16 =	sand.u32 @!p1 $0x380, s17  }
0x22: {  	s15 =	sor.u32 @!p1 s16, s15  }
0x23: {  	s16 =	sshrl.u32 @!p1 s15, $0x7  }
0x24: {  	s16 =	smulhi.u32 @!p1 $0x10C6249, s16;
	_ =	sdelay $0x1  }
0x25: {  	s16 =	sshrl.u32 @!p1 s16, $0x4  }
0x26: {  	s17 =	sand.u32 @!p1 $0x7F, s10;
	s18 =	smul.u32 @!p1 $0x7A180, s16  }
0x27: {  	s15 =	sor.u32 @!p1 s17, s15;
	s17 =	sxor.u32 @!p1 $0xFFFFFFFF, s12  }
0x28: {  	s17 =	sshll.u32 @!p1 s17, $0xE;
	s16 =	sand.u32 @!p1 $0x7F, s16;
	s15 =	ssub.s32 @!p1 s15, s18  }
0x29: {  	s16 =	smul.u32 @!p1 $0xF430, s16;
	s18 =	sshrl.u32 @!p1 s15, $0x3;
	s15 =	sand.u32 @!p1 $0x7, s15  }
0x2a: {  	s17 =	sand.u32 @!p1 $0x4000, s17;
	s18 =	sadd.s32 @!p1 s2, s18;
	s15 =	sshll.u32 @!p1 s15, $0x12  }
0x2b: {  	s16 =	sadd.s32 @!p1 s16, s18;
	s15 =	sor.u32 @!p1 $0x400, s15;
	s18 =	simm.s32 @!p1 $0x3D0C00  }
0x2c: {  	[tilespmem:s17], [sflag:$0x1] =	stream.strided.gather @!p1 [hbm4b:s16+s15], $0x4000, s18, s15, $0x38;
	[tilespmem:$0x10100] =	vst v63  }
0x2d: {  	p1 =	seq.s32 s12, $0x0  }
0x2e: {  	p2 =	sge.u32 @!p1 s12, s7  }
0x2f: {  	p1 =	por p1, p2  }
.Ltmp2:
0x30: {  	_ = 	snop;
	(pc) =	sbr.rel @p1 .LBB1_5-.Ltmp2, $1  }
0x31: {  	_ =	sdelay $0x3  }
0x32: {  	s15 =	simm.s32 $0x1  }
0x33: {  	_ =	swait.ge [sflag:s5], $0x4000;
	s15 =	simm.s32 @!p0 $0x0  }
0x34: {  	[sflag:s5] =	ssyncset.done $0x0;
	s16 =	sshll.u32 s15, $0xE  }
0x35: {  	[sflag:s5] =	ssyncadd.s32 $0xFFFFC000;
	s16 =	sor.u32 $0x40, s16  }
0x36: {  	s15 =	smul.u32 $0x10200, s15;
	v0 =	vld [tilespmem:s16+$0x30]  }
0x37: {  	v1 =	vld [tilespmem:s16+$0xFFFFFFD0]  }
0x38: {  	s15 =	sshrl.u32 s15, $0x2;
	v5 =	vld [tilespmem:s16+$0xFFFFFFE0]  }
0x39: {  	v6 =	vld [tilespmem:s16+$0xFFFFFFF0];
	s18 =	sor.u32 $0x8000, s15  }
0x3a: {  	s31 =	sand.u32 $0x1, s12;
	v4 =	vld [tilespmem:s16+$0x0];
	s17 =	sadd.s32 $0x0, s18  }
0x3b: {  	v3 =	vld [tilespmem:s16+$0x10];
	s15 =	smul.u32 $0x10200, s31;
	[tilespmem:s17+$0x3870 ss:$0x81] =	vst.msk $0xffff, v0  }
0x3c: {  	v2 =	vld [tilespmem:s16+$0x20];
	[tilespmem:s17+$0x810 ss:$0x81] =	vst.msk $0xffff, v1  }
0x3d: {  	s15 =	sshrl.u32 s15, $0x2;
	v0 =	vld [tilespmem:s16+$0xFFFFFFC0];
	[tilespmem:s17+$0x1020 ss:$0x81] =	vst.msk $0xffff, v5;
	s16 =	sadd.s32 $0x80, s16  }
0x3e: {  	s19 =	simm.s32 $0x4;
	s20 =	simm.s32 $0x8;
	s15 =	sor.u32 $0x8000, s15;
	[tilespmem:s17+$0x1830 ss:$0x81] =	vst.msk $0xffff, v6;
	v1 =	vld [tilespmem:s16+$0x30]  }
.LBB1_3:
0x3f: {  	p1 =	sne.s32 s20, $0x1FC;
	v5 =	vld [tilespmem:s16+$0xFFFFFFD0];
	[tilespmem:s17+$0x2040 ss:$0x81] =	vst.msk $0xffff, v4  }
0x40: {  	v6 =	vld [tilespmem:s16+$0xFFFFFFE0];
	[tilespmem:s17+$0x2850 ss:$0x81] =	vst.msk $0xffff, v3  }
0x41: {  	s21 =	sshra.s32 s19, $0x2;
	s19 =	smov.u32 s20;
	v7 =	vld [tilespmem:s16+$0xFFFFFFF0];
	[tilespmem:s17+$0x3060 ss:$0x81] =	vst.msk $0xffff, v2  }
.Ltmp3:
0x42: {  	v4 =	vld [tilespmem:s16+$0x0];
	[tilespmem:s17+$0x0 ss:$0x81] =	vst.msk $0xffff, v0;
	s17 =	sadd.s32 s21, s18;
	(pc) =	sbr.rel @p1 .LBB1_3-.Ltmp3, $4  }
0x43: {  	v3 =	vld [tilespmem:s16+$0x10];
	[tilespmem:s17+$0x3870 ss:$0x81] =	vst.msk $0xffff, v1  }
0x44: {  	[tilespmem:s17+$0x810 ss:$0x81] =	vst.msk $0xffff, v5;
	v2 =	vld [tilespmem:s16+$0x20]  }
0x45: {  	v0 =	vld [tilespmem:s16+$0xFFFFFFC0];
	[tilespmem:s17+$0x1020 ss:$0x81] =	vst.msk $0xffff, v6;
	s16 =	sadd.s32 $0x80, s16  }
0x46: {  	s20 =	sadd.s32 $0x4, s20;
	v1 =	vld [tilespmem:s16+$0x30];
	[tilespmem:s17+$0x1830 ss:$0x81] =	vst.msk $0xffff, v7  }
0x47: {  	s20 =	sshll.u32 s8, $0x7;
	s21 =	sshll.u32 s9, $0x3;
	s19 =	sshra.s32 s19, $0x2  }
0x48: {  	v5 =	vld [tilespmem:s16+$0xFFFFFFD0];
	[tilespmem:s17+$0x2040 ss:$0x81] =	vst.msk $0xffff, v4;
	p1 =	sgt.s32 s8, $0x7A0A0;
	s22 =	sand.u32 $0xFFFFFC00, s20;
	s21 =	sand.u32 $0xFFFFFC00, s21  }
0x49: {  	v58 =	vld [tilespmem:s16+$0xFFFFFFE0];
	s24 =	sshra.s32 s8, $0x1F;
	s20 =	sand.u32 $0x380, s20;
	[tilespmem:s17+$0x2850 ss:$0x81] =	vst.msk $0xffff, v3;
	s21 =	sadd.s32 s21, s22  }
0x4a: {  	v59 =	vld [tilespmem:s16+$0xFFFFFFF0];
	s26 =	ssub.s32 $0x0, s9;
	s18 =	sadd.s32 s19, s18;
	[tilespmem:s17+$0x3060 ss:$0x81] =	vst.msk $0xffff, v2;
	s23 =	sor.u32 s20, s21  }
0x4b: {  	v60 =	vld [tilespmem:s16+$0x0];
	s28 =	smin.u32 s9, s26;
	s20 =	smov.u32 s8;
	[tilespmem:s17+$0x0 ss:$0x81] =	vst.msk $0xffff, v0;
	s19 =	sshrl.u32 s23, $0x7  }
0x4c: {  	v61 =	vld [tilespmem:s16+$0x10];
	s21 =	sand.u32 s24, s8;
	s20 =	simm.s32 @!p1 $0x7A0A0;
	[tilespmem:s18+$0x3870 ss:$0x81] =	vst.msk $0xffff, v1;
	s25 =	smulhi.u32 $0x218DEF5, s19  }
0x4d: {  	v62 =	vld [tilespmem:s16+$0x20];
	s29 =	sshrl.u32 s9, $0x3;
	p2 =	sgt.s32 s28, $0x7F;
	s20 =	ssub.s32 s20, s21;
	[tilespmem:s18+$0x810 ss:$0x81] =	vst.msk $0xffff, v5  }
0x4e: {  	v63 =	vld [tilespmem:s16+$0xFFFFFFC0];
	[tilespmem:s18+$0x1020 ss:$0x81] =	vst.msk $0xffff, v58;
	s21 =	sadd.s32 $0xFFF85F60, s20;
	s20 =	ssub.s32 $0x7A120, s20;
	s17 =	sshrl.u32 s25, $0xC  }
0x4f: {  	[tilespmem:s18+$0x1830 ss:$0x81] =	vst.msk $0xffff, v59;
	p1 =	sgt.s32 s21, $0x7F;
	s27 =	smul.u32 $0x7A120, s17;
	s17 =	ssub.s32 $0x80, s28  }
.Ltmp4:
0x50: {  	[tilespmem:s18+$0x2040 ss:$0x81] =	vst.msk $0xffff, v60;
	s20 =	simm.s32 @p1 $0x0;
	s17 =	simm.s32 @p2 $0x0;
	(pc) =	sbr.rel .LBB1_5-.Ltmp4, $4  }
0x51: {  	s30 =	sand.u32 $0xF, s29;
	[tilespmem:s18+$0x2850 ss:$0x81] =	vst.msk $0xffff, v61;
	s16 =	ssub.s32 s19, s27;
	s17 =	smul.u32 s17, s20  }
0x52: {  	[tilespmem:s18+$0x3060 ss:$0x81] =	vst.msk $0xffff, v62;
	s19 =	sadd.s32 s4, s30;
	s16 =	sshll.u32 s16, $0x4  }
0x53: {  	s31 =	sand.u32 $0x7, s9;
	[tilespmem:s18+$0x0 ss:$0x81] =	vst.msk $0xffff, v63;
	s17 =	sand.u32 $0x3FFFFFFF, s17;
	s16 =	sadd.s32 s16, s19  }
0x54: {  	[hbm4b:s16+s31] =	stream.linear.scatter [tilespmem:s15], [sflag:$0x2], s17, $0x20;
	[tilespmem:$0x10100] =	vst v63  }
.LBB1_6:
0x55: {  	_ =	sfence.sel $0x180000  }
0x56: {  	s2 =	simm.s32 $0x1;
	[bflag:$0x0] =	sbarrier.arrive $0xFFFF  }
0x57: {  	s31 =	simm.s32 $0x2;
	[sflag:s2] =	ssyncpa.u1 $0x1  }
0x58: {  	[sflag:s31] =	ssyncpa.u1 $0x1  }
0x59: {  	p0 =	sne.s32 s1, $0x0;
	_ =	strace $0x90000047  }
0x5a: {  	s0 =	sadd.s32 @!p0 $0x100000, s0;
	[bflag:$0x2] =	sbarrier.arrive $0xFFFF  }
0x5b: {  	[sflag:s0] =	ssyncadd.tile.s32 @!p0 $0x1;
	_ =	shalt  }
.Lfunc_end1:
_tile_overlayer_lowered:
.L_overlay_start_2:
0x5c: {  	(tag) =	ssettag $0x2  }
0x5d: {  	s0 =	rddreg [dreg:$0x0];
	s2 =	stileid.u32  }
0x5e: {  	s1 =	rddreg [dreg:$0x1];
	p0 =	sne.s32 s2, $0x0  }
0x5f: {  	s3 =	rddreg [dreg:$0x2];
	[bflag:$0x3] =	sbarrier.arrive $0xFFFF;
	s2 =	simm.s32 @!p0 $0x1C01  }
0x60: {  	[timem:s3], [sflag:s2] =	dma.local @!p0 [hbm:s0], s1  }
0x61: {  	s0 =	simm.s32 @!p0 $0x1  }
0x62: {  	_ =	swait.ge @!p0 [sflag:s0], s1  }
0x63: {  	s1 =	ssub.s32 @!p0 $0x0, s1;
	[sflag:s0] =	ssyncset.done @!p0 $0x0  }
0x64: {  	[sflag:s0] =	ssyncadd.s32 @!p0 s1  }
0x65: {  	[bflag:$0x3] =	sbarrier.arrive $0xFFFF  }
0x66: {  	_ =	shalt  }

</sc_bundles>
